<compile_context>
chip_gen: v7x
topology: tpu7x:2x2x1
jax: 0.10.2.dev20260603
libtpu: 0.0.44.dev20260713+nightly
codegen_flags: <defaults>
</compile_context>

<pallas_src>
import functools

import jax
import jax.numpy as jnp
from jax import lax
from jax.experimental import pallas as pl
from jax.experimental.pallas import tpu as pltpu
from jax.experimental.pallas import tpu_sc as plsc

VOCAB = 1000
B, T = 1024, 50
NC, NS = 2, 16
NW = NC * NS
DPW = 32
DLAST = VOCAB - (NW - 1) * DPW
NVEC = B // 16

_mesh = plsc.VectorSubcoreMesh(core_axis_name="c", subcore_axis_name="s")


@functools.partial(
    pl.kernel,
    mesh=_mesh,
    out_type=jax.ShapeDtypeStruct((T, VOCAB, B), jnp.float32),
    scratch_types=[
        pltpu.VMEM((DPW * 1024,), jnp.float32),
        [pltpu.VMEM((B,), jnp.int32) for _ in range(2)],
        [pltpu.VMEM((DPW, B), jnp.float32) for _ in range(2)],
        [pltpu.SemaphoreType.DMA for _ in range(2)],
        [pltpu.SemaphoreType.DMA for _ in range(2)],
    ],
    compiler_params=pltpu.CompilerParams(needs_layout_passes=False),
)
def _gather_kernel(tableT, idxT, out_t, tblv, idxb, obuf, isem, wsem):
    sid = lax.axis_index("s")
    wid = sid * NC + lax.axis_index("c")
    d0 = wid * DPW
    last = wid == NW - 1

    pltpu.sync_copy(tableT.at[pl.ds(d0 * 1024, DPW * 1024)], tblv)
    pltpu.async_copy(idxT.at[0], idxb[0], isem[0])

    def wait_write(p):
        @pl.when(jnp.logical_not(last))
        def _():
            pltpu.make_async_copy(
                obuf[p], out_t.at[0, pl.ds(0, DPW)], wsem[p]
            ).wait()

        @pl.when(last)
        def _():
            pltpu.make_async_copy(
                obuf[p].at[pl.ds(0, DLAST)],
                out_t.at[0, pl.ds(0, DLAST)],
                wsem[p],
            ).wait()

    def step(i, carry):
        for p in range(2):
            t = i * 2 + p
            pltpu.make_async_copy(idxT.at[0], idxb[p], isem[p]).wait()

            @pl.when(t + 1 < T)
            def _():
                pltpu.async_copy(idxT.at[t + 1], idxb[1 - p], isem[1 - p])

            @pl.when(t >= 2)
            def _():
                wait_write(p)

            @plsc.parallel_loop(0, NVEC, unroll=2)
            def jloop(j):
                idx16 = idxb[p][pl.ds(16 * j, 16)]
                for dl in range(DPW):
                    vals = plsc.load_gather(tblv, [idx16 + (dl * 1024)])
                    obuf[p][dl, pl.ds(16 * j, 16)] = vals

            @pl.when(jnp.logical_not(last))
            def _():
                pltpu.async_copy(obuf[p], out_t.at[t, pl.ds(d0, DPW)], wsem[p])

            @pl.when(last)
            def _():
                pltpu.async_copy(
                    obuf[p].at[pl.ds(0, DLAST)],
                    out_t.at[t, pl.ds(d0, DLAST)],
                    wsem[p],
                )
        return carry

    lax.fori_loop(0, T // 2, step, 0)
    wait_write(0)
    wait_write(1)


def kernel(idx, table):
    tableT = jnp.pad(table.T, ((0, NW * DPW - VOCAB), (0, 24))).reshape(-1)
    idxT = idx.T.astype(jnp.int32)
    out_t = _gather_kernel(tableT, idxT)
    return jnp.transpose(out_t, (2, 0, 1))

# --- scband reference (transcript-rebuilt; emitter-appended) ---
"""Pipeline reference for scband-bigram-63359357550821 (READ-ONLY COPY).

The authoritative reference and input builder live on the scoring server;
editing this copy changes nothing except your own understanding.
"""

import jax, jax.numpy as jnp
import numpy as np

VOCAB = 1000
B, T = 1024, 50

def setup_inputs(seed: int = 0) -> dict:
    key = jax.random.key(seed)
    k_idx, k_tab = jax.random.split(key)
    idx = jax.random.randint(k_idx, (B, T), 0, VOCAB, dtype=jnp.int64 if jax.config.jax_enable_x64 else jnp.int32)
    table = jax.random.normal(k_tab, (VOCAB, VOCAB), dtype=jnp.float32)
    return {"idx": idx, "table": table}

def reference(idx, table):
    # Bigram.forward with targets=None: logits = Embedding(vocab, vocab)(idx)
    logits = jnp.take(table, idx, axis=0)  # [B, T, VOCAB]
    return logits

if __name__ == "__main__":
    import jax
    _d = setup_inputs()
    print(jax.jit(kernel)(*tuple(_d.values())))

</pallas_src>

<mosaic_0001>
#map = affine_map<(d0, d1) -> (0)>
#map1 = affine_map<(d0, d1) -> (0, 0)>
#map2 = affine_map<(d0, d1) -> (0, 0, 0)>
module attributes {stable_mosaic.version = 14 : i64} {
  func.func @_gather_kernel(%arg0: i32, %arg1: i32, %arg2: memref<1048576xf32, #tpu.memory_space<hbm>>, %arg3: memref<50x1024xi32, #tpu.memory_space<hbm>>, %arg4: memref<50x1000x1024xf32, #tpu.memory_space<hbm>>, %arg5: memref<32768xf32, #tpu.memory_space<vmem>>, %arg6: memref<1024xi32, #tpu.memory_space<vmem>>, %arg7: memref<1024xi32, #tpu.memory_space<vmem>>, %arg8: memref<32x1024xf32, #tpu.memory_space<vmem>>, %arg9: memref<32x1024xf32, #tpu.memory_space<vmem>>, %arg10: memref<!tpu.dma_semaphore, #tpu.memory_space<semaphore_mem>>, %arg11: memref<!tpu.dma_semaphore, #tpu.memory_space<semaphore_mem>>, %arg12: memref<!tpu.dma_semaphore, #tpu.memory_space<semaphore_mem>>, %arg13: memref<!tpu.dma_semaphore, #tpu.memory_space<semaphore_mem>>) attributes {dimension_semantics = [#tpu.dimension_semantics<core_parallel>, #tpu.dimension_semantics<subcore_parallel>], iteration_bounds = array<i64: 2, 16>, scalar_prefetch = 0 : i64, scratch_operands = 9 : i64, tpu.core_type = #tpu.core_type<sc_vector_subcore>, window_params = [{transform_indices = #map}, {transform_indices = #map1}, {transform_indices = #map2}]} {
    %mul3A = arith.constant 2 : i32
    %mul3A_0 = arith.muli %arg1, %mul3A : i32
    %add3A = arith.addi %mul3A_0, %arg0 : i32
    %mul3A_1 = arith.constant 32 : i32
    %mul3A_2 = arith.muli %add3A, %mul3A_1 : i32
    %eq3A = arith.constant 31 : i32
    %eq3A_3 = arith.cmpi eq, %add3A, %eq3A : i32
    %mul3A_4 = arith.constant 1024 : i32
    %mul3A_5 = arith.muli %mul3A_2, %mul3A_4 : i32
    "tpu.region"() ({
      %run_scoped3A = tpu.sem_alloc : memref<!tpu.dma_semaphore, #tpu.memory_space<semaphore_mem>>
      %dma_start3A_30 = tpu.memref_slice %arg2[%mul3A_5] : memref<1048576xf32, #tpu.memory_space<hbm>> -> memref<32768xf32, #tpu.memory_space<hbm>>
      %dma_start3A_31 = tpu.memref_slice %arg2[%mul3A_5] : memref<1048576xf32, #tpu.memory_space<hbm>> -> memref<32768xf32, #tpu.memory_space<hbm>>
      tpu.enqueue_dma source(%dma_start3A_31 : memref<32768xf32, #tpu.memory_space<hbm>>) target(%arg5 : memref<32768xf32, #tpu.memory_space<vmem>>) target_semaphore(%run_scoped3A : memref<!tpu.dma_semaphore, #tpu.memory_space<semaphore_mem>>)
      %dma_wait3A = tpu.memref_slice %arg2[%mul3A_5] : memref<1048576xf32, #tpu.memory_space<hbm>> -> memref<32768xf32, #tpu.memory_space<hbm>>
      %dma_wait3A_32 = tpu.memref_slice %arg2[%mul3A_5] : memref<1048576xf32, #tpu.memory_space<hbm>> -> memref<32768xf32, #tpu.memory_space<hbm>>
      tpu.wait_dma2 semaphore(%run_scoped3A : memref<!tpu.dma_semaphore, #tpu.memory_space<semaphore_mem>>) src(%dma_wait3A_32 : memref<32768xf32, #tpu.memory_space<hbm>>) dst(%arg5 : memref<32768xf32, #tpu.memory_space<vmem>>)
      tpu.yield
    }) : () -> ()
    %dma_start3A = arith.constant 0 : i32
    %dma_start3A_6 = arith.constant 0 : i32
    %dma_start3A_7 = tpu.memref_slice %arg3[%dma_start3A, %dma_start3A_6] : memref<50x1024xi32, #tpu.memory_space<hbm>> -> memref<1x1024xi32, #tpu.memory_space<hbm>>
    %dma_start3A_8 = tpu.memref_squeeze %dma_start3A_7 : memref<1x1024xi32, #tpu.memory_space<hbm>> -> memref<1024xi32, #tpu.memory_space<hbm>>
    %dma_start3A_9 = arith.constant 0 : i32
    %dma_start3A_10 = tpu.memref_slice %arg3[%dma_start3A, %dma_start3A_9] : memref<50x1024xi32, #tpu.memory_space<hbm>> -> memref<1x1024xi32, #tpu.memory_space<hbm>>
    %dma_start3A_11 = tpu.memref_squeeze %dma_start3A_10 : memref<1x1024xi32, #tpu.memory_space<hbm>> -> memref<1024xi32, #tpu.memory_space<hbm>>
    tpu.enqueue_dma source(%dma_start3A_11 : memref<1024xi32, #tpu.memory_space<hbm>>) target(%arg6 : memref<1024xi32, #tpu.memory_space<vmem>>) target_semaphore(%arg10 : memref<!tpu.dma_semaphore, #tpu.memory_space<semaphore_mem>>)
    %scan3A = arith.constant 0 : i32
    %scan3A_12 = arith.constant 0 : i32
    %scan3A_13 = arith.constant 25 : i32
    %scan3A_14 = arith.addi %scan3A_12, %scan3A_13 : i32
    %scan3A_15 = arith.constant 1 : i32
    scf.for %scan3A_30 = %scan3A_12 to %scan3A_14 step %scan3A_15  : i32 {
      %mul3A_31 = arith.constant 2 : i32
      %mul3A_32 = arith.muli %scan3A_30, %mul3A_31 : i32
      %add3A_33 = arith.constant 0 : i32
      %add3A_34 = arith.addi %mul3A_32, %add3A_33 : i32
      %dma_wait3A = arith.constant 0 : i32
      %dma_wait3A_35 = arith.constant 0 : i32
      %dma_wait3A_36 = tpu.memref_slice %arg3[%dma_wait3A, %dma_wait3A_35] : memref<50x1024xi32, #tpu.memory_space<hbm>> -> memref<1x1024xi32, #tpu.memory_space<hbm>>
      %dma_wait3A_37 = tpu.memref_squeeze %dma_wait3A_36 : memref<1x1024xi32, #tpu.memory_space<hbm>> -> memref<1024xi32, #tpu.memory_space<hbm>>
      %dma_wait3A_38 = arith.constant 0 : i32
      %dma_wait3A_39 = tpu.memref_slice %arg3[%dma_wait3A, %dma_wait3A_38] : memref<50x1024xi32, #tpu.memory_space<hbm>> -> memref<1x1024xi32, #tpu.memory_space<hbm>>
      %dma_wait3A_40 = tpu.memref_squeeze %dma_wait3A_39 : memref<1x1024xi32, #tpu.memory_space<hbm>> -> memref<1024xi32, #tpu.memory_space<hbm>>
      tpu.wait_dma2 semaphore(%arg10 : memref<!tpu.dma_semaphore, #tpu.memory_space<semaphore_mem>>) src(%dma_wait3A_40 : memref<1024xi32, #tpu.memory_space<hbm>>) dst(%arg6 : memref<1024xi32, #tpu.memory_space<vmem>>)
      %add3A_41 = arith.constant 1 : i32
      %add3A_42 = arith.addi %add3A_34, %add3A_41 : i32
      %lt3A = arith.constant 50 : i32
      %lt3A_43 = arith.cmpi slt, %add3A_42, %lt3A : i32
      %convert_element_type3A_44 = arith.extui %lt3A_43 : i1 to i32
      %cond3A_45 = arith.constant 0 : i32
      %cond3A_46 = arith.cmpi ne, %convert_element_type3A_44, %cond3A_45 : i32
      scf.if %cond3A_46 {
        %add3A_95 = arith.constant 1 : i32
        %add3A_96 = arith.addi %add3A_34, %add3A_95 : i32
        %dma_start3A_97 = arith.constant 0 : i32
        %dma_start3A_98 = tpu.memref_slice %arg3[%add3A_96, %dma_start3A_97] : memref<50x1024xi32, #tpu.memory_space<hbm>> -> memref<1x1024xi32, #tpu.memory_space<hbm>>
        %dma_start3A_99 = tpu.memref_squeeze %dma_start3A_98 : memref<1x1024xi32, #tpu.memory_space<hbm>> -> memref<1024xi32, #tpu.memory_space<hbm>>
        %dma_start3A_100 = arith.constant 0 : i32
        %dma_start3A_101 = tpu.memref_slice %arg3[%add3A_96, %dma_start3A_100] : memref<50x1024xi32, #tpu.memory_space<hbm>> -> memref<1x1024xi32, #tpu.memory_space<hbm>>
        %dma_start3A_102 = tpu.memref_squeeze %dma_start3A_101 : memref<1x1024xi32, #tpu.memory_space<hbm>> -> memref<1024xi32, #tpu.memory_space<hbm>>
        tpu.enqueue_dma source(%dma_start3A_102 : memref<1024xi32, #tpu.memory_space<hbm>>) target(%arg7 : memref<1024xi32, #tpu.memory_space<vmem>>) target_semaphore(%arg11 : memref<!tpu.dma_semaphore, #tpu.memory_space<semaphore_mem>>)
      } else {
      }
      %ge3A = arith.constant 2 : i32
      %ge3A_47 = arith.cmpi sge, %add3A_34, %ge3A : i32
      %convert_element_type3A_48 = arith.extui %ge3A_47 : i1 to i32
      %cond3A_49 = arith.constant 0 : i32
      %cond3A_50 = arith.cmpi ne, %convert_element_type3A_48, %cond3A_49 : i32
      scf.if %cond3A_50 {
        %not3A_95 = arith.constant true
        %not3A_96 = arith.xori %eq3A_3, %not3A_95 : i1
        %convert_element_type3A_97 = arith.extui %not3A_96 : i1 to i32
        %cond3A_98 = arith.constant 0 : i32
        %cond3A_99 = arith.cmpi ne, %convert_element_type3A_97, %cond3A_98 : i32
        scf.if %cond3A_99 {
          %dma_wait3A_103 = arith.constant 0 : i32
          %dma_wait3A_104 = arith.constant 0 : i32
          %dma_wait3A_105 = arith.constant 0 : i32
          %dma_wait3A_106 = tpu.memref_slice %arg4[%dma_wait3A_103, %dma_wait3A_104, %dma_wait3A_105] : memref<50x1000x1024xf32, #tpu.memory_space<hbm>> -> memref<1x32x1024xf32, #tpu.memory_space<hbm>>
          %dma_wait3A_107 = tpu.memref_squeeze %dma_wait3A_106 : memref<1x32x1024xf32, #tpu.memory_space<hbm>> -> memref<32x1024xf32, #tpu.memory_space<hbm>>
          %dma_wait3A_108 = arith.constant 0 : i32
          %dma_wait3A_109 = arith.constant 0 : i32
          %dma_wait3A_110 = tpu.memref_slice %arg4[%dma_wait3A_103, %dma_wait3A_108, %dma_wait3A_109] : memref<50x1000x1024xf32, #tpu.memory_space<hbm>> -> memref<1x32x1024xf32, #tpu.memory_space<hbm>>
          %dma_wait3A_111 = tpu.memref_squeeze %dma_wait3A_110 : memref<1x32x1024xf32, #tpu.memory_space<hbm>> -> memref<32x1024xf32, #tpu.memory_space<hbm>>
          tpu.wait_dma2 semaphore(%arg12 : memref<!tpu.dma_semaphore, #tpu.memory_space<semaphore_mem>>) src(%arg8 : memref<32x1024xf32, #tpu.memory_space<vmem>>) dst(%dma_wait3A_111 : memref<32x1024xf32, #tpu.memory_space<hbm>>)
        } else {
        }
        %convert_element_type3A_100 = arith.extui %eq3A_3 : i1 to i32
        %cond3A_101 = arith.constant 0 : i32
        %cond3A_102 = arith.cmpi ne, %convert_element_type3A_100, %cond3A_101 : i32
        scf.if %cond3A_102 {
          %dma_wait3A_103 = arith.constant 0 : i32
          %dma_wait3A_104 = arith.constant 0 : i32
          %dma_wait3A_105 = arith.constant 0 : i32
          %dma_wait3A_106 = tpu.memref_slice %arg8[%dma_wait3A_104, %dma_wait3A_105] : memref<32x1024xf32, #tpu.memory_space<vmem>> -> memref<8x1024xf32, #tpu.memory_space<vmem>>
          %dma_wait3A_107 = arith.constant 0 : i32
          %dma_wait3A_108 = arith.constant 0 : i32
          %dma_wait3A_109 = tpu.memref_slice %arg4[%dma_wait3A_103, %dma_wait3A_107, %dma_wait3A_108] : memref<50x1000x1024xf32, #tpu.memory_space<hbm>> -> memref<1x8x1024xf32, #tpu.memory_space<hbm>>
          %dma_wait3A_110 = tpu.memref_squeeze %dma_wait3A_109 : memref<1x8x1024xf32, #tpu.memory_space<hbm>> -> memref<8x1024xf32, #tpu.memory_space<hbm>>
          %dma_wait3A_111 = arith.constant 0 : i32
          %dma_wait3A_112 = arith.constant 0 : i32
          %dma_wait3A_113 = tpu.memref_slice %arg4[%dma_wait3A_103, %dma_wait3A_111, %dma_wait3A_112] : memref<50x1000x1024xf32, #tpu.memory_space<hbm>> -> memref<1x8x1024xf32, #tpu.memory_space<hbm>>
          %dma_wait3A_114 = tpu.memref_squeeze %dma_wait3A_113 : memref<1x8x1024xf32, #tpu.memory_space<hbm>> -> memref<8x1024xf32, #tpu.memory_space<hbm>>
          %dma_wait3A_115 = arith.constant 0 : i32
          %dma_wait3A_116 = arith.constant 0 : i32
          %dma_wait3A_117 = tpu.memref_slice %arg8[%dma_wait3A_115, %dma_wait3A_116] : memref<32x1024xf32, #tpu.memory_space<vmem>> -> memref<8x1024xf32, #tpu.memory_space<vmem>>
          tpu.wait_dma2 semaphore(%arg12 : memref<!tpu.dma_semaphore, #tpu.memory_space<semaphore_mem>>) src(%dma_wait3A_117 : memref<8x1024xf32, #tpu.memory_space<vmem>>) dst(%dma_wait3A_114 : memref<8x1024xf32, #tpu.memory_space<hbm>>)
        } else {
        }
      } else {
      }
      %parallel_loop3A = arith.constant 0 : i32
      %parallel_loop3A_51 = arith.constant 64 : i32
      %parallel_loop3A_52 = arith.constant 1 : i32
      scf.for %parallel_loop3A_95 = %parallel_loop3A to %parallel_loop3A_51 step %parallel_loop3A_52  : i32 {
        %parallel_loop3A_96 = arith.constant 16 : i32
        %parallel_loop3A_97 = arith.muli %parallel_loop3A_96, %parallel_loop3A_95 : i32
        %parallel_loop3A_98 = arith.index_cast %parallel_loop3A_97 : i32 to index
        %parallel_loop3A_99 = tpu.vector_load %arg6[%parallel_loop3A_98] {strides = array<i32>} : memref<1024xi32, #tpu.memory_space<vmem>>, vector<16xi32>,
        %parallel_loop3A_100 = arith.constant 0 : i32
        %parallel_loop3A_101 = vector.broadcast %parallel_loop3A_100 : i32 to vector<16xi32>
        %parallel_loop3A_102 = arith.addi %parallel_loop3A_99, %parallel_loop3A_101 : vector<16xi32>
        %parallel_loop3A_103 = tpu.vector_load_idx %arg5[%parallel_loop3A_102] : memref<32768xf32, #tpu.memory_space<vmem>>[vector<16xi32>], vector<16xf32>,
        %parallel_loop3A_104 = arith.constant 16 : i32
        %parallel_loop3A_105 = arith.muli %parallel_loop3A_104, %parallel_loop3A_95 : i32
        %parallel_loop3A_106 = arith.constant 0 : i32
        %parallel_loop3A_107 = arith.index_cast %parallel_loop3A_106 : i32 to index
        %parallel_loop3A_108 = arith.index_cast %parallel_loop3A_105 : i32 to index
        %parallel_loop3A_109 = tpu.vector_load %arg8[%parallel_loop3A_107, %parallel_loop3A_108] {strides = array<i32>} : memref<32x1024xf32, #tpu.memory_space<vmem>>, vector<16xf32>,
        tpu.vector_store %arg8[%parallel_loop3A_107, %parallel_loop3A_108], %parallel_loop3A_103 {strides = array<i32>} : memref<32x1024xf32, #tpu.memory_space<vmem>>, vector<16xf32>,
        %parallel_loop3A_110 = arith.constant 1024 : i32
        %parallel_loop3A_111 = vector.broadcast %parallel_loop3A_110 : i32 to vector<16xi32>
        %parallel_loop3A_112 = arith.addi %parallel_loop3A_99, %parallel_loop3A_111 : vector<16xi32>
        %parallel_loop3A_113 = tpu.vector_load_idx %arg5[%parallel_loop3A_112] : memref<32768xf32, #tpu.memory_space<vmem>>[vector<16xi32>], vector<16xf32>,
        %parallel_loop3A_114 = arith.constant 16 : i32
        %parallel_loop3A_115 = arith.muli %parallel_loop3A_114, %parallel_loop3A_95 : i32
        %parallel_loop3A_116 = arith.constant 1 : i32
        %parallel_loop3A_117 = arith.index_cast %parallel_loop3A_116 : i32 to index
        %parallel_loop3A_118 = arith.index_cast %parallel_loop3A_115 : i32 to index
        %parallel_loop3A_119 = tpu.vector_load %arg8[%parallel_loop3A_117, %parallel_loop3A_118] {strides = array<i32>} : memref<32x1024xf32, #tpu.memory_space<vmem>>, vector<16xf32>,
        tpu.vector_store %arg8[%parallel_loop3A_117, %parallel_loop3A_118], %parallel_loop3A_113 {strides = array<i32>} : memref<32x1024xf32, #tpu.memory_space<vmem>>, vector<16xf32>,
        %parallel_loop3A_120 = arith.constant 2048 : i32
        %parallel_loop3A_121 = vector.broadcast %parallel_loop3A_120 : i32 to vector<16xi32>
        %parallel_loop3A_122 = arith.addi %parallel_loop3A_99, %parallel_loop3A_121 : vector<16xi32>
        %parallel_loop3A_123 = tpu.vector_load_idx %arg5[%parallel_loop3A_122] : memref<32768xf32, #tpu.memory_space<vmem>>[vector<16xi32>], vector<16xf32>,
        %parallel_loop3A_124 = arith.constant 16 : i32
        %parallel_loop3A_125 = arith.muli %parallel_loop3A_124, %parallel_loop3A_95 : i32
        %parallel_loop3A_126 = arith.constant 2 : i32
        %parallel_loop3A_127 = arith.index_cast %parallel_loop3A_126 : i32 to index
        %parallel_loop3A_128 = arith.index_cast %parallel_loop3A_125 : i32 to index
        %parallel_loop3A_129 = tpu.vector_load %arg8[%parallel_loop3A_127, %parallel_loop3A_128] {strides = array<i32>} : memref<32x1024xf32, #tpu.memory_space<vmem>>, vector<16xf32>,
        tpu.vector_store %arg8[%parallel_loop3A_127, %parallel_loop3A_128], %parallel_loop3A_123 {strides = array<i32>} : memref<32x1024xf32, #tpu.memory_space<vmem>>, vector<16xf32>,
        %parallel_loop3A_130 = arith.constant 3072 : i32
        %parallel_loop3A_131 = vector.broadcast %parallel_loop3A_130 : i32 to vector<16xi32>
        %parallel_loop3A_132 = arith.addi %parallel_loop3A_99, %parallel_loop3A_131 : vector<16xi32>
        %parallel_loop3A_133 = tpu.vector_load_idx %arg5[%parallel_loop3A_132] : memref<32768xf32, #tpu.memory_space<vmem>>[vector<16xi32>], vector<16xf32>,
        %parallel_loop3A_134 = arith.constant 16 : i32
        %parallel_loop3A_135 = arith.muli %parallel_loop3A_134, %parallel_loop3A_95 : i32
        %parallel_loop3A_136 = arith.constant 3 : i32
        %parallel_loop3A_137 = arith.index_cast %parallel_loop3A_136 : i32 to index
        %parallel_loop3A_138 = arith.index_cast %parallel_loop3A_135 : i32 to index
        %parallel_loop3A_139 = tpu.vector_load %arg8[%parallel_loop3A_137, %parallel_loop3A_138] {strides = array<i32>} : memref<32x1024xf32, #tpu.memory_space<vmem>>, vector<16xf32>,
        tpu.vector_store %arg8[%parallel_loop3A_137, %parallel_loop3A_138], %parallel_loop3A_133 {strides = array<i32>} : memref<32x1024xf32, #tpu.memory_space<vmem>>, vector<16xf32>,
        %parallel_loop3A_140 = arith.constant 4096 : i32
        %parallel_loop3A_141 = vector.broadcast %parallel_loop3A_140 : i32 to vector<16xi32>
        %parallel_loop3A_142 = arith.addi %parallel_loop3A_99, %parallel_loop3A_141 : vector<16xi32>
        %parallel_loop3A_143 = tpu.vector_load_idx %arg5[%parallel_loop3A_142] : memref<32768xf32, #tpu.memory_space<vmem>>[vector<16xi32>], vector<16xf32>,
        %parallel_loop3A_144 = arith.constant 16 : i32
        %parallel_loop3A_145 = arith.muli %parallel_loop3A_144, %parallel_loop3A_95 : i32
        %parallel_loop3A_146 = arith.constant 4 : i32
        %parallel_loop3A_147 = arith.index_cast %parallel_loop3A_146 : i32 to index
        %parallel_loop3A_148 = arith.index_cast %parallel_loop3A_145 : i32 to index
        %parallel_loop3A_149 = tpu.vector_load %arg8[%parallel_loop3A_147, %parallel_loop3A_148] {strides = array<i32>} : memref<32x1024xf32, #tpu.memory_space<vmem>>, vector<16xf32>,
        tpu.vector_store %arg8[%parallel_loop3A_147, %parallel_loop3A_148], %parallel_loop3A_143 {strides = array<i32>} : memref<32x1024xf32, #tpu.memory_space<vmem>>, vector<16xf32>,
        %parallel_loop3A_150 = arith.constant 5120 : i32
        %parallel_loop3A_151 = vector.broadcast %parallel_loop3A_150 : i32 to vector<16xi32>
        %parallel_loop3A_152 = arith.addi %parallel_loop3A_99, %parallel_loop3A_151 : vector<16xi32>
        %parallel_loop3A_153 = tpu.vector_load_idx %arg5[%parallel_loop3A_152] : memref<32768xf32, #tpu.memory_space<vmem>>[vector<16xi32>], vector<16xf32>,
        %parallel_loop3A_154 = arith.constant 16 : i32
        %parallel_loop3A_155 = arith.muli %parallel_loop3A_154, %parallel_loop3A_95 : i32
        %parallel_loop3A_156 = arith.constant 5 : i32
        %parallel_loop3A_157 = arith.index_cast %parallel_loop3A_156 : i32 to index
        %parallel_loop3A_158 = arith.index_cast %parallel_loop3A_155 : i32 to index
        %parallel_loop3A_159 = tpu.vector_load %arg8[%parallel_loop3A_157, %parallel_loop3A_158] {strides = array<i32>} : memref<32x1024xf32, #tpu.memory_space<vmem>>, vector<16xf32>,
        tpu.vector_store %arg8[%parallel_loop3A_157, %parallel_loop3A_158], %parallel_loop3A_153 {strides = array<i32>} : memref<32x1024xf32, #tpu.memory_space<vmem>>, vector<16xf32>,
        %parallel_loop3A_160 = arith.constant 6144 : i32
        %parallel_loop3A_161 = vector.broadcast %parallel_loop3A_160 : i32 to vector<16xi32>
        %parallel_loop3A_162 = arith.addi %parallel_loop3A_99, %parallel_loop3A_161 : vector<16xi32>
        %parallel_loop3A_163 = tpu.vector_load_idx %arg5[%parallel_loop3A_162] : memref<32768xf32, #tpu.memory_space<vmem>>[vector<16xi32>], vector<16xf32>,
        %parallel_loop3A_164 = arith.constant 16 : i32
        %parallel_loop3A_165 = arith.muli %parallel_loop3A_164, %parallel_loop3A_95 : i32
        %parallel_loop3A_166 = arith.constant 6 : i32
        %parallel_loop3A_167 = arith.index_cast %parallel_loop3A_166 : i32 to index
        %parallel_loop3A_168 = arith.index_cast %parallel_loop3A_165 : i32 to index
        %parallel_loop3A_169 = tpu.vector_load %arg8[%parallel_loop3A_167, %parallel_loop3A_168] {strides = array<i32>} : memref<32x1024xf32, #tpu.memory_space<vmem>>, vector<16xf32>,
        tpu.vector_store %arg8[%parallel_loop3A_167, %parallel_loop3A_168], %parallel_loop3A_163 {strides = array<i32>} : memref<32x1024xf32, #tpu.memory_space<vmem>>, vector<16xf32>,
        %parallel_loop3A_170 = arith.constant 7168 : i32
        %parallel_loop3A_171 = vector.broadcast %parallel_loop3A_170 : i32 to vector<16xi32>
        %parallel_loop3A_172 = arith.addi %parallel_loop3A_99, %parallel_loop3A_171 : vector<16xi32>
        %parallel_loop3A_173 = tpu.vector_load_idx %arg5[%parallel_loop3A_172] : memref<32768xf32, #tpu.memory_space<vmem>>[vector<16xi32>], vector<16xf32>,
        %parallel_loop3A_174 = arith.constant 16 : i32
        %parallel_loop3A_175 = arith.muli %parallel_loop3A_174, %parallel_loop3A_95 : i32
        %parallel_loop3A_176 = arith.constant 7 : i32
        %parallel_loop3A_177 = arith.index_cast %parallel_loop3A_176 : i32 to index
        %parallel_loop3A_178 = arith.index_cast %parallel_loop3A_175 : i32 to index
        %parallel_loop3A_179 = tpu.vector_load %arg8[%parallel_loop3A_177, %parallel_loop3A_178] {strides = array<i32>} : memref<32x1024xf32, #tpu.memory_space<vmem>>, vector<16xf32>,
        tpu.vector_store %arg8[%parallel_loop3A_177, %parallel_loop3A_178], %parallel_loop3A_173 {strides = array<i32>} : memref<32x1024xf32, #tpu.memory_space<vmem>>, vector<16xf32>,
        %parallel_loop3A_180 = arith.constant 8192 : i32
        %parallel_loop3A_181 = vector.broadcast %parallel_loop3A_180 : i32 to vector<16xi32>
        %parallel_loop3A_182 = arith.addi %parallel_loop3A_99, %parallel_loop3A_181 : vector<16xi32>
        %parallel_loop3A_183 = tpu.vector_load_idx %arg5[%parallel_loop3A_182] : memref<32768xf32, #tpu.memory_space<vmem>>[vector<16xi32>], vector<16xf32>,
        %parallel_loop3A_184 = arith.constant 16 : i32
        %parallel_loop3A_185 = arith.muli %parallel_loop3A_184, %parallel_loop3A_95 : i32
        %parallel_loop3A_186 = arith.constant 8 : i32
        %parallel_loop3A_187 = arith.index_cast %parallel_loop3A_186 : i32 to index
        %parallel_loop3A_188 = arith.index_cast %parallel_loop3A_185 : i32 to index
        %parallel_loop3A_189 = tpu.vector_load %arg8[%parallel_loop3A_187, %parallel_loop3A_188] {strides = array<i32>} : memref<32x1024xf32, #tpu.memory_space<vmem>>, vector<16xf32>,
        tpu.vector_store %arg8[%parallel_loop3A_187, %parallel_loop3A_188], %parallel_loop3A_183 {strides = array<i32>} : memref<32x1024xf32, #tpu.memory_space<vmem>>, vector<16xf32>,
        %parallel_loop3A_190 = arith.constant 9216 : i32
        %parallel_loop3A_191 = vector.broadcast %parallel_loop3A_190 : i32 to vector<16xi32>
        %parallel_loop3A_192 = arith.addi %parallel_loop3A_99, %parallel_loop3A_191 : vector<16xi32>
        %parallel_loop3A_193 = tpu.vector_load_idx %arg5[%parallel_loop3A_192] : memref<32768xf32, #tpu.memory_space<vmem>>[vector<16xi32>], vector<16xf32>,
        %parallel_loop3A_194 = arith.constant 16 : i32
        %parallel_loop3A_195 = arith.muli %parallel_loop3A_194, %parallel_loop3A_95 : i32
        %parallel_loop3A_196 = arith.constant 9 : i32
        %parallel_loop3A_197 = arith.index_cast %parallel_loop3A_196 : i32 to index
        %parallel_loop3A_198 = arith.index_cast %parallel_loop3A_195 : i32 to index
        %parallel_loop3A_199 = tpu.vector_load %arg8[%parallel_loop3A_197, %parallel_loop3A_198] {strides = array<i32>} : memref<32x1024xf32, #tpu.memory_space<vmem>>, vector<16xf32>,
        tpu.vector_store %arg8[%parallel_loop3A_197, %parallel_loop3A_198], %parallel_loop3A_193 {strides = array<i32>} : memref<32x1024xf32, #tpu.memory_space<vmem>>, vector<16xf32>,
        %parallel_loop3A_200 = arith.constant 10240 : i32
        %parallel_loop3A_201 = vector.broadcast %parallel_loop3A_200 : i32 to vector<16xi32>
        %parallel_loop3A_202 = arith.addi %parallel_loop3A_99, %parallel_loop3A_201 : vector<16xi32>
        %parallel_loop3A_203 = tpu.vector_load_idx %arg5[%parallel_loop3A_202] : memref<32768xf32, #tpu.memory_space<vmem>>[vector<16xi32>], vector<16xf32>,
        %parallel_loop3A_204 = arith.constant 16 : i32
        %parallel_loop3A_205 = arith.muli %parallel_loop3A_204, %parallel_loop3A_95 : i32
        %parallel_loop3A_206 = arith.constant 10 : i32
        %parallel_loop3A_207 = arith.index_cast %parallel_loop3A_206 : i32 to index
        %parallel_loop3A_208 = arith.index_cast %parallel_loop3A_205 : i32 to index
        %parallel_loop3A_209 = tpu.vector_load %arg8[%parallel_loop3A_207, %parallel_loop3A_208] {strides = array<i32>} : memref<32x1024xf32, #tpu.memory_space<vmem>>, vector<16xf32>,
        tpu.vector_store %arg8[%parallel_loop3A_207, %parallel_loop3A_208], %parallel_loop3A_203 {strides = array<i32>} : memref<32x1024xf32, #tpu.memory_space<vmem>>, vector<16xf32>,
        %parallel_loop3A_210 = arith.constant 11264 : i32
        %parallel_loop3A_211 = vector.broadcast %parallel_loop3A_210 : i32 to vector<16xi32>
        %parallel_loop3A_212 = arith.addi %parallel_loop3A_99, %parallel_loop3A_211 : vector<16xi32>
        %parallel_loop3A_213 = tpu.vector_load_idx %arg5[%parallel_loop3A_212] : memref<32768xf32, #tpu.memory_space<vmem>>[vector<16xi32>], vector<16xf32>,
        %parallel_loop3A_214 = arith.constant 16 : i32
        %parallel_loop3A_215 = arith.muli %parallel_loop3A_214, %parallel_loop3A_95 : i32
        %parallel_loop3A_216 = arith.constant 11 : i32
        %parallel_loop3A_217 = arith.index_cast %parallel_loop3A_216 : i32 to index
        %parallel_loop3A_218 = arith.index_cast %parallel_loop3A_215 : i32 to index
        %parallel_loop3A_219 = tpu.vector_load %arg8[%parallel_loop3A_217, %parallel_loop3A_218] {strides = array<i32>} : memref<32x1024xf32, #tpu.memory_space<vmem>>, vector<16xf32>,
        tpu.vector_store %arg8[%parallel_loop3A_217, %parallel_loop3A_218], %parallel_loop3A_213 {strides = array<i32>} : memref<32x1024xf32, #tpu.memory_space<vmem>>, vector<16xf32>,
        %parallel_loop3A_220 = arith.constant 12288 : i32
        %parallel_loop3A_221 = vector.broadcast %parallel_loop3A_220 : i32 to vector<16xi32>
        %parallel_loop3A_222 = arith.addi %parallel_loop3A_99, %parallel_loop3A_221 : vector<16xi32>
        %parallel_loop3A_223 = tpu.vector_load_idx %arg5[%parallel_loop3A_222] : memref<32768xf32, #tpu.memory_space<vmem>>[vector<16xi32>], vector<16xf32>,
        %parallel_loop3A_224 = arith.constant 16 : i32
        %parallel_loop3A_225 = arith.muli %parallel_loop3A_224, %parallel_loop3A_95 : i32
        %parallel_loop3A_226 = arith.constant 12 : i32
        %parallel_loop3A_227 = arith.index_cast %parallel_loop3A_226 : i32 to index
        %parallel_loop3A_228 = arith.index_cast %parallel_loop3A_225 : i32 to index
        %parallel_loop3A_229 = tpu.vector_load %arg8[%parallel_loop3A_227, %parallel_loop3A_228] {strides = array<i32>} : memref<32x1024xf32, #tpu.memory_space<vmem>>, vector<16xf32>,
        tpu.vector_store %arg8[%parallel_loop3A_227, %parallel_loop3A_228], %parallel_loop3A_223 {strides = array<i32>} : memref<32x1024xf32, #tpu.memory_space<vmem>>, vector<16xf32>,
        %parallel_loop3A_230 = arith.constant 13312 : i32
        %parallel_loop3A_231 = vector.broadcast %parallel_loop3A_230 : i32 to vector<16xi32>
        %parallel_loop3A_232 = arith.addi %parallel_loop3A_99, %parallel_loop3A_231 : vector<16xi32>
        %parallel_loop3A_233 = tpu.vector_load_idx %arg5[%parallel_loop3A_232] : memref<32768xf32, #tpu.memory_space<vmem>>[vector<16xi32>], vector<16xf32>,
        %parallel_loop3A_234 = arith.constant 16 : i32
        %parallel_loop3A_235 = arith.muli %parallel_loop3A_234, %parallel_loop3A_95 : i32
        %parallel_loop3A_236 = arith.constant 13 : i32
        %parallel_loop3A_237 = arith.index_cast %parallel_loop3A_236 : i32 to index
        %parallel_loop3A_238 = arith.index_cast %parallel_loop3A_235 : i32 to index
        %parallel_loop3A_239 = tpu.vector_load %arg8[%parallel_loop3A_237, %parallel_loop3A_238] {strides = array<i32>} : memref<32x1024xf32, #tpu.memory_space<vmem>>, vector<16xf32>,
        tpu.vector_store %arg8[%parallel_loop3A_237, %parallel_loop3A_238], %parallel_loop3A_233 {strides = array<i32>} : memref<32x1024xf32, #tpu.memory_space<vmem>>, vector<16xf32>,
        %parallel_loop3A_240 = arith.constant 14336 : i32
        %parallel_loop3A_241 = vector.broadcast %parallel_loop3A_240 : i32 to vector<16xi32>
        %parallel_loop3A_242 = arith.addi %parallel_loop3A_99, %parallel_loop3A_241 : vector<16xi32>
        %parallel_loop3A_243 = tpu.vector_load_idx %arg5[%parallel_loop3A_242] : memref<32768xf32, #tpu.memory_space<vmem>>[vector<16xi32>], vector<16xf32>,
        %parallel_loop3A_244 = arith.constant 16 : i32
        %parallel_loop3A_245 = arith.muli %parallel_loop3A_244, %parallel_loop3A_95 : i32
        %parallel_loop3A_246 = arith.constant 14 : i32
        %parallel_loop3A_247 = arith.index_cast %parallel_loop3A_246 : i32 to index
        %parallel_loop3A_248 = arith.index_cast %parallel_loop3A_245 : i32 to index
        %parallel_loop3A_249 = tpu.vector_load %arg8[%parallel_loop3A_247, %parallel_loop3A_248] {strides = array<i32>} : memref<32x1024xf32, #tpu.memory_space<vmem>>, vector<16xf32>,
        tpu.vector_store %arg8[%parallel_loop3A_247, %parallel_loop3A_248], %parallel_loop3A_243 {strides = array<i32>} : memref<32x1024xf32, #tpu.memory_space<vmem>>, vector<16xf32>,
        %parallel_loop3A_250 = arith.constant 15360 : i32
        %parallel_loop3A_251 = vector.broadcast %parallel_loop3A_250 : i32 to vector<16xi32>
        %parallel_loop3A_252 = arith.addi %parallel_loop3A_99, %parallel_loop3A_251 : vector<16xi32>
        %parallel_loop3A_253 = tpu.vector_load_idx %arg5[%parallel_loop3A_252] : memref<32768xf32, #tpu.memory_space<vmem>>[vector<16xi32>], vector<16xf32>,
        %parallel_loop3A_254 = arith.constant 16 : i32
        %parallel_loop3A_255 = arith.muli %parallel_loop3A_254, %parallel_loop3A_95 : i32
        %parallel_loop3A_256 = arith.constant 15 : i32
        %parallel_loop3A_257 = arith.index_cast %parallel_loop3A_256 : i32 to index
        %parallel_loop3A_258 = arith.index_cast %parallel_loop3A_255 : i32 to index
        %parallel_loop3A_259 = tpu.vector_load %arg8[%parallel_loop3A_257, %parallel_loop3A_258] {strides = array<i32>} : memref<32x1024xf32, #tpu.memory_space<vmem>>, vector<16xf32>,
        tpu.vector_store %arg8[%parallel_loop3A_257, %parallel_loop3A_258], %parallel_loop3A_253 {strides = array<i32>} : memref<32x1024xf32, #tpu.memory_space<vmem>>, vector<16xf32>,
        %parallel_loop3A_260 = arith.constant 16384 : i32
        %parallel_loop3A_261 = vector.broadcast %parallel_loop3A_260 : i32 to vector<16xi32>
        %parallel_loop3A_262 = arith.addi %parallel_loop3A_99, %parallel_loop3A_261 : vector<16xi32>
        %parallel_loop3A_263 = tpu.vector_load_idx %arg5[%parallel_loop3A_262] : memref<32768xf32, #tpu.memory_space<vmem>>[vector<16xi32>], vector<16xf32>,
        %parallel_loop3A_264 = arith.constant 16 : i32
        %parallel_loop3A_265 = arith.muli %parallel_loop3A_264, %parallel_loop3A_95 : i32
        %parallel_loop3A_266 = arith.constant 16 : i32
        %parallel_loop3A_267 = arith.index_cast %parallel_loop3A_266 : i32 to index
        %parallel_loop3A_268 = arith.index_cast %parallel_loop3A_265 : i32 to index
        %parallel_loop3A_269 = tpu.vector_load %arg8[%parallel_loop3A_267, %parallel_loop3A_268] {strides = array<i32>} : memref<32x1024xf32, #tpu.memory_space<vmem>>, vector<16xf32>,
        tpu.vector_store %arg8[%parallel_loop3A_267, %parallel_loop3A_268], %parallel_loop3A_263 {strides = array<i32>} : memref<32x1024xf32, #tpu.memory_space<vmem>>, vector<16xf32>,
        %parallel_loop3A_270 = arith.constant 17408 : i32
        %parallel_loop3A_271 = vector.broadcast %parallel_loop3A_270 : i32 to vector<16xi32>
        %parallel_loop3A_272 = arith.addi %parallel_loop3A_99, %parallel_loop3A_271 : vector<16xi32>
        %parallel_loop3A_273 = tpu.vector_load_idx %arg5[%parallel_loop3A_272] : memref<32768xf32, #tpu.memory_space<vmem>>[vector<16xi32>], vector<16xf32>,
        %parallel_loop3A_274 = arith.constant 16 : i32
        %parallel_loop3A_275 = arith.muli %parallel_loop3A_274, %parallel_loop3A_95 : i32
        %parallel_loop3A_276 = arith.constant 17 : i32
        %parallel_loop3A_277 = arith.index_cast %parallel_loop3A_276 : i32 to index
        %parallel_loop3A_278 = arith.index_cast %parallel_loop3A_275 : i32 to index
        %parallel_loop3A_279 = tpu.vector_load %arg8[%parallel_loop3A_277, %parallel_loop3A_278] {strides = array<i32>} : memref<32x1024xf32, #tpu.memory_space<vmem>>, vector<16xf32>,
        tpu.vector_store %arg8[%parallel_loop3A_277, %parallel_loop3A_278], %parallel_loop3A_273 {strides = array<i32>} : memref<32x1024xf32, #tpu.memory_space<vmem>>, vector<16xf32>,
        %parallel_loop3A_280 = arith.constant 18432 : i32
        %parallel_loop3A_281 = vector.broadcast %parallel_loop3A_280 : i32 to vector<16xi32>
        %parallel_loop3A_282 = arith.addi %parallel_loop3A_99, %parallel_loop3A_281 : vector<16xi32>
        %parallel_loop3A_283 = tpu.vector_load_idx %arg5[%parallel_loop3A_282] : memref<32768xf32, #tpu.memory_space<vmem>>[vector<16xi32>], vector<16xf32>,
        %parallel_loop3A_284 = arith.constant 16 : i32
        %parallel_loop3A_285 = arith.muli %parallel_loop3A_284, %parallel_loop3A_95 : i32
        %parallel_loop3A_286 = arith.constant 18 : i32
        %parallel_loop3A_287 = arith.index_cast %parallel_loop3A_286 : i32 to index
        %parallel_loop3A_288 = arith.index_cast %parallel_loop3A_285 : i32 to index
        %parallel_loop3A_289 = tpu.vector_load %arg8[%parallel_loop3A_287, %parallel_loop3A_288] {strides = array<i32>} : memref<32x1024xf32, #tpu.memory_space<vmem>>, vector<16xf32>,
        tpu.vector_store %arg8[%parallel_loop3A_287, %parallel_loop3A_288], %parallel_loop3A_283 {strides = array<i32>} : memref<32x1024xf32, #tpu.memory_space<vmem>>, vector<16xf32>,
        %parallel_loop3A_290 = arith.constant 19456 : i32
        %parallel_loop3A_291 = vector.broadcast %parallel_loop3A_290 : i32 to vector<16xi32>
        %parallel_loop3A_292 = arith.addi %parallel_loop3A_99, %parallel_loop3A_291 : vector<16xi32>
        %parallel_loop3A_293 = tpu.vector_load_idx %arg5[%parallel_loop3A_292] : memref<32768xf32, #tpu.memory_space<vmem>>[vector<16xi32>], vector<16xf32>,
        %parallel_loop3A_294 = arith.constant 16 : i32
        %parallel_loop3A_295 = arith.muli %parallel_loop3A_294, %parallel_loop3A_95 : i32
        %parallel_loop3A_296 = arith.constant 19 : i32
        %parallel_loop3A_297 = arith.index_cast %parallel_loop3A_296 : i32 to index
        %parallel_loop3A_298 = arith.index_cast %parallel_loop3A_295 : i32 to index
        %parallel_loop3A_299 = tpu.vector_load %arg8[%parallel_loop3A_297, %parallel_loop3A_298] {strides = array<i32>} : memref<32x1024xf32, #tpu.memory_space<vmem>>, vector<16xf32>,
        tpu.vector_store %arg8[%parallel_loop3A_297, %parallel_loop3A_298], %parallel_loop3A_293 {strides = array<i32>} : memref<32x1024xf32, #tpu.memory_space<vmem>>, vector<16xf32>,
        %parallel_loop3A_300 = arith.constant 20480 : i32
        %parallel_loop3A_301 = vector.broadcast %parallel_loop3A_300 : i32 to vector<16xi32>
        %parallel_loop3A_302 = arith.addi %parallel_loop3A_99, %parallel_loop3A_301 : vector<16xi32>
        %parallel_loop3A_303 = tpu.vector_load_idx %arg5[%parallel_loop3A_302] : memref<32768xf32, #tpu.memory_space<vmem>>[vector<16xi32>], vector<16xf32>,
        %parallel_loop3A_304 = arith.constant 16 : i32
        %parallel_loop3A_305 = arith.muli %parallel_loop3A_304, %parallel_loop3A_95 : i32
        %parallel_loop3A_306 = arith.constant 20 : i32
        %parallel_loop3A_307 = arith.index_cast %parallel_loop3A_306 : i32 to index
        %parallel_loop3A_308 = arith.index_cast %parallel_loop3A_305 : i32 to index
        %parallel_loop3A_309 = tpu.vector_load %arg8[%parallel_loop3A_307, %parallel_loop3A_308] {strides = array<i32>} : memref<32x1024xf32, #tpu.memory_space<vmem>>, vector<16xf32>,
        tpu.vector_store %arg8[%parallel_loop3A_307, %parallel_loop3A_308], %parallel_loop3A_303 {strides = array<i32>} : memref<32x1024xf32, #tpu.memory_space<vmem>>, vector<16xf32>,
        %parallel_loop3A_310 = arith.constant 21504 : i32
        %parallel_loop3A_311 = vector.broadcast %parallel_loop3A_310 : i32 to vector<16xi32>
        %parallel_loop3A_312 = arith.addi %parallel_loop3A_99, %parallel_loop3A_311 : vector<16xi32>
        %parallel_loop3A_313 = tpu.vector_load_idx %arg5[%parallel_loop3A_312] : memref<32768xf32, #tpu.memory_space<vmem>>[vector<16xi32>], vector<16xf32>,
        %parallel_loop3A_314 = arith.constant 16 : i32
        %parallel_loop3A_315 = arith.muli %parallel_loop3A_314, %parallel_loop3A_95 : i32
        %parallel_loop3A_316 = arith.constant 21 : i32
        %parallel_loop3A_317 = arith.index_cast %parallel_loop3A_316 : i32 to index
        %parallel_loop3A_318 = arith.index_cast %parallel_loop3A_315 : i32 to index
        %parallel_loop3A_319 = tpu.vector_load %arg8[%parallel_loop3A_317, %parallel_loop3A_318] {strides = array<i32>} : memref<32x1024xf32, #tpu.memory_space<vmem>>, vector<16xf32>,
        tpu.vector_store %arg8[%parallel_loop3A_317, %parallel_loop3A_318], %parallel_loop3A_313 {strides = array<i32>} : memref<32x1024xf32, #tpu.memory_space<vmem>>, vector<16xf32>,
        %parallel_loop3A_320 = arith.constant 22528 : i32
        %parallel_loop3A_321 = vector.broadcast %parallel_loop3A_320 : i32 to vector<16xi32>
        %parallel_loop3A_322 = arith.addi %parallel_loop3A_99, %parallel_loop3A_321 : vector<16xi32>
        %parallel_loop3A_323 = tpu.vector_load_idx %arg5[%parallel_loop3A_322] : memref<32768xf32, #tpu.memory_space<vmem>>[vector<16xi32>], vector<16xf32>,
        %parallel_loop3A_324 = arith.constant 16 : i32
        %parallel_loop3A_325 = arith.muli %parallel_loop3A_324, %parallel_loop3A_95 : i32
        %parallel_loop3A_326 = arith.constant 22 : i32
        %parallel_loop3A_327 = arith.index_cast %parallel_loop3A_326 : i32 to index
        %parallel_loop3A_328 = arith.index_cast %parallel_loop3A_325 : i32 to index
        %parallel_loop3A_329 = tpu.vector_load %arg8[%parallel_loop3A_327, %parallel_loop3A_328] {strides = array<i32>} : memref<32x1024xf32, #tpu.memory_space<vmem>>, vector<16xf32>,
        tpu.vector_store %arg8[%parallel_loop3A_327, %parallel_loop3A_328], %parallel_loop3A_323 {strides = array<i32>} : memref<32x1024xf32, #tpu.memory_space<vmem>>, vector<16xf32>,
        %parallel_loop3A_330 = arith.constant 23552 : i32
        %parallel_loop3A_331 = vector.broadcast %parallel_loop3A_330 : i32 to vector<16xi32>
        %parallel_loop3A_332 = arith.addi %parallel_loop3A_99, %parallel_loop3A_331 : vector<16xi32>
        %parallel_loop3A_333 = tpu.vector_load_idx %arg5[%parallel_loop3A_332] : memref<32768xf32, #tpu.memory_space<vmem>>[vector<16xi32>], vector<16xf32>,
        %parallel_loop3A_334 = arith.constant 16 : i32
        %parallel_loop3A_335 = arith.muli %parallel_loop3A_334, %parallel_loop3A_95 : i32
        %parallel_loop3A_336 = arith.constant 23 : i32
        %parallel_loop3A_337 = arith.index_cast %parallel_loop3A_336 : i32 to index
        %parallel_loop3A_338 = arith.index_cast %parallel_loop3A_335 : i32 to index
        %parallel_loop3A_339 = tpu.vector_load %arg8[%parallel_loop3A_337, %parallel_loop3A_338] {strides = array<i32>} : memref<32x1024xf32, #tpu.memory_space<vmem>>, vector<16xf32>,
        tpu.vector_store %arg8[%parallel_loop3A_337, %parallel_loop3A_338], %parallel_loop3A_333 {strides = array<i32>} : memref<32x1024xf32, #tpu.memory_space<vmem>>, vector<16xf32>,
        %parallel_loop3A_340 = arith.constant 24576 : i32
        %parallel_loop3A_341 = vector.broadcast %parallel_loop3A_340 : i32 to vector<16xi32>
        %parallel_loop3A_342 = arith.addi %parallel_loop3A_99, %parallel_loop3A_341 : vector<16xi32>
        %parallel_loop3A_343 = tpu.vector_load_idx %arg5[%parallel_loop3A_342] : memref<32768xf32, #tpu.memory_space<vmem>>[vector<16xi32>], vector<16xf32>,
        %parallel_loop3A_344 = arith.constant 16 : i32
        %parallel_loop3A_345 = arith.muli %parallel_loop3A_344, %parallel_loop3A_95 : i32
        %parallel_loop3A_346 = arith.constant 24 : i32
        %parallel_loop3A_347 = arith.index_cast %parallel_loop3A_346 : i32 to index
        %parallel_loop3A_348 = arith.index_cast %parallel_loop3A_345 : i32 to index
        %parallel_loop3A_349 = tpu.vector_load %arg8[%parallel_loop3A_347, %parallel_loop3A_348] {strides = array<i32>} : memref<32x1024xf32, #tpu.memory_space<vmem>>, vector<16xf32>,
        tpu.vector_store %arg8[%parallel_loop3A_347, %parallel_loop3A_348], %parallel_loop3A_343 {strides = array<i32>} : memref<32x1024xf32, #tpu.memory_space<vmem>>, vector<16xf32>,
        %parallel_loop3A_350 = arith.constant 25600 : i32
        %parallel_loop3A_351 = vector.broadcast %parallel_loop3A_350 : i32 to vector<16xi32>
        %parallel_loop3A_352 = arith.addi %parallel_loop3A_99, %parallel_loop3A_351 : vector<16xi32>
        %parallel_loop3A_353 = tpu.vector_load_idx %arg5[%parallel_loop3A_352] : memref<32768xf32, #tpu.memory_space<vmem>>[vector<16xi32>], vector<16xf32>,
        %parallel_loop3A_354 = arith.constant 16 : i32
        %parallel_loop3A_355 = arith.muli %parallel_loop3A_354, %parallel_loop3A_95 : i32
        %parallel_loop3A_356 = arith.constant 25 : i32
        %parallel_loop3A_357 = arith.index_cast %parallel_loop3A_356 : i32 to index
        %parallel_loop3A_358 = arith.index_cast %parallel_loop3A_355 : i32 to index
        %parallel_loop3A_359 = tpu.vector_load %arg8[%parallel_loop3A_357, %parallel_loop3A_358] {strides = array<i32>} : memref<32x1024xf32, #tpu.memory_space<vmem>>, vector<16xf32>,
        tpu.vector_store %arg8[%parallel_loop3A_357, %parallel_loop3A_358], %parallel_loop3A_353 {strides = array<i32>} : memref<32x1024xf32, #tpu.memory_space<vmem>>, vector<16xf32>,
        %parallel_loop3A_360 = arith.constant 26624 : i32
        %parallel_loop3A_361 = vector.broadcast %parallel_loop3A_360 : i32 to vector<16xi32>
        %parallel_loop3A_362 = arith.addi %parallel_loop3A_99, %parallel_loop3A_361 : vector<16xi32>
        %parallel_loop3A_363 = tpu.vector_load_idx %arg5[%parallel_loop3A_362] : memref<32768xf32, #tpu.memory_space<vmem>>[vector<16xi32>], vector<16xf32>,
        %parallel_loop3A_364 = arith.constant 16 : i32
        %parallel_loop3A_365 = arith.muli %parallel_loop3A_364, %parallel_loop3A_95 : i32
        %parallel_loop3A_366 = arith.constant 26 : i32
        %parallel_loop3A_367 = arith.index_cast %parallel_loop3A_366 : i32 to index
        %parallel_loop3A_368 = arith.index_cast %parallel_loop3A_365 : i32 to index
        %parallel_loop3A_369 = tpu.vector_load %arg8[%parallel_loop3A_367, %parallel_loop3A_368] {strides = array<i32>} : memref<32x1024xf32, #tpu.memory_space<vmem>>, vector<16xf32>,
        tpu.vector_store %arg8[%parallel_loop3A_367, %parallel_loop3A_368], %parallel_loop3A_363 {strides = array<i32>} : memref<32x1024xf32, #tpu.memory_space<vmem>>, vector<16xf32>,
        %parallel_loop3A_370 = arith.constant 27648 : i32
        %parallel_loop3A_371 = vector.broadcast %parallel_loop3A_370 : i32 to vector<16xi32>
        %parallel_loop3A_372 = arith.addi %parallel_loop3A_99, %parallel_loop3A_371 : vector<16xi32>
        %parallel_loop3A_373 = tpu.vector_load_idx %arg5[%parallel_loop3A_372] : memref<32768xf32, #tpu.memory_space<vmem>>[vector<16xi32>], vector<16xf32>,
        %parallel_loop3A_374 = arith.constant 16 : i32
        %parallel_loop3A_375 = arith.muli %parallel_loop3A_374, %parallel_loop3A_95 : i32
        %parallel_loop3A_376 = arith.constant 27 : i32
        %parallel_loop3A_377 = arith.index_cast %parallel_loop3A_376 : i32 to index
        %parallel_loop3A_378 = arith.index_cast %parallel_loop3A_375 : i32 to index
        %parallel_loop3A_379 = tpu.vector_load %arg8[%parallel_loop3A_377, %parallel_loop3A_378] {strides = array<i32>} : memref<32x1024xf32, #tpu.memory_space<vmem>>, vector<16xf32>,
        tpu.vector_store %arg8[%parallel_loop3A_377, %parallel_loop3A_378], %parallel_loop3A_373 {strides = array<i32>} : memref<32x1024xf32, #tpu.memory_space<vmem>>, vector<16xf32>,
        %parallel_loop3A_380 = arith.constant 28672 : i32
        %parallel_loop3A_381 = vector.broadcast %parallel_loop3A_380 : i32 to vector<16xi32>
        %parallel_loop3A_382 = arith.addi %parallel_loop3A_99, %parallel_loop3A_381 : vector<16xi32>
        %parallel_loop3A_383 = tpu.vector_load_idx %arg5[%parallel_loop3A_382] : memref<32768xf32, #tpu.memory_space<vmem>>[vector<16xi32>], vector<16xf32>,
        %parallel_loop3A_384 = arith.constant 16 : i32
        %parallel_loop3A_385 = arith.muli %parallel_loop3A_384, %parallel_loop3A_95 : i32
        %parallel_loop3A_386 = arith.constant 28 : i32
        %parallel_loop3A_387 = arith.index_cast %parallel_loop3A_386 : i32 to index
        %parallel_loop3A_388 = arith.index_cast %parallel_loop3A_385 : i32 to index
        %parallel_loop3A_389 = tpu.vector_load %arg8[%parallel_loop3A_387, %parallel_loop3A_388] {strides = array<i32>} : memref<32x1024xf32, #tpu.memory_space<vmem>>, vector<16xf32>,
        tpu.vector_store %arg8[%parallel_loop3A_387, %parallel_loop3A_388], %parallel_loop3A_383 {strides = array<i32>} : memref<32x1024xf32, #tpu.memory_space<vmem>>, vector<16xf32>,
        %parallel_loop3A_390 = arith.constant 29696 : i32
        %parallel_loop3A_391 = vector.broadcast %parallel_loop3A_390 : i32 to vector<16xi32>
        %parallel_loop3A_392 = arith.addi %parallel_loop3A_99, %parallel_loop3A_391 : vector<16xi32>
        %parallel_loop3A_393 = tpu.vector_load_idx %arg5[%parallel_loop3A_392] : memref<32768xf32, #tpu.memory_space<vmem>>[vector<16xi32>], vector<16xf32>,
        %parallel_loop3A_394 = arith.constant 16 : i32
        %parallel_loop3A_395 = arith.muli %parallel_loop3A_394, %parallel_loop3A_95 : i32
        %parallel_loop3A_396 = arith.constant 29 : i32
        %parallel_loop3A_397 = arith.index_cast %parallel_loop3A_396 : i32 to index
        %parallel_loop3A_398 = arith.index_cast %parallel_loop3A_395 : i32 to index
        %parallel_loop3A_399 = tpu.vector_load %arg8[%parallel_loop3A_397, %parallel_loop3A_398] {strides = array<i32>} : memref<32x1024xf32, #tpu.memory_space<vmem>>, vector<16xf32>,
        tpu.vector_store %arg8[%parallel_loop3A_397, %parallel_loop3A_398], %parallel_loop3A_393 {strides = array<i32>} : memref<32x1024xf32, #tpu.memory_space<vmem>>, vector<16xf32>,
        %parallel_loop3A_400 = arith.constant 30720 : i32
        %parallel_loop3A_401 = vector.broadcast %parallel_loop3A_400 : i32 to vector<16xi32>
        %parallel_loop3A_402 = arith.addi %parallel_loop3A_99, %parallel_loop3A_401 : vector<16xi32>
        %parallel_loop3A_403 = tpu.vector_load_idx %arg5[%parallel_loop3A_402] : memref<32768xf32, #tpu.memory_space<vmem>>[vector<16xi32>], vector<16xf32>,
        %parallel_loop3A_404 = arith.constant 16 : i32
        %parallel_loop3A_405 = arith.muli %parallel_loop3A_404, %parallel_loop3A_95 : i32
        %parallel_loop3A_406 = arith.constant 30 : i32
        %parallel_loop3A_407 = arith.index_cast %parallel_loop3A_406 : i32 to index
        %parallel_loop3A_408 = arith.index_cast %parallel_loop3A_405 : i32 to index
        %parallel_loop3A_409 = tpu.vector_load %arg8[%parallel_loop3A_407, %parallel_loop3A_408] {strides = array<i32>} : memref<32x1024xf32, #tpu.memory_space<vmem>>, vector<16xf32>,
        tpu.vector_store %arg8[%parallel_loop3A_407, %parallel_loop3A_408], %parallel_loop3A_403 {strides = array<i32>} : memref<32x1024xf32, #tpu.memory_space<vmem>>, vector<16xf32>,
        %parallel_loop3A_410 = arith.constant 31744 : i32
        %parallel_loop3A_411 = vector.broadcast %parallel_loop3A_410 : i32 to vector<16xi32>
        %parallel_loop3A_412 = arith.addi %parallel_loop3A_99, %parallel_loop3A_411 : vector<16xi32>
        %parallel_loop3A_413 = tpu.vector_load_idx %arg5[%parallel_loop3A_412] : memref<32768xf32, #tpu.memory_space<vmem>>[vector<16xi32>], vector<16xf32>,
        %parallel_loop3A_414 = arith.constant 16 : i32
        %parallel_loop3A_415 = arith.muli %parallel_loop3A_414, %parallel_loop3A_95 : i32
        %parallel_loop3A_416 = arith.constant 31 : i32
        %parallel_loop3A_417 = arith.index_cast %parallel_loop3A_416 : i32 to index
        %parallel_loop3A_418 = arith.index_cast %parallel_loop3A_415 : i32 to index
        %parallel_loop3A_419 = tpu.vector_load %arg8[%parallel_loop3A_417, %parallel_loop3A_418] {strides = array<i32>} : memref<32x1024xf32, #tpu.memory_space<vmem>>, vector<16xf32>,
        tpu.vector_store %arg8[%parallel_loop3A_417, %parallel_loop3A_418], %parallel_loop3A_413 {strides = array<i32>} : memref<32x1024xf32, #tpu.memory_space<vmem>>, vector<16xf32>,
      } {sc.loop_unroll_factor = 2 : i64, sc.parallel_access}
      %not3A_53 = arith.constant true
      %not3A_54 = arith.xori %eq3A_3, %not3A_53 : i1
      %convert_element_type3A_55 = arith.extui %not3A_54 : i1 to i32
      %cond3A_56 = arith.constant 0 : i32
      %cond3A_57 = arith.cmpi ne, %convert_element_type3A_55, %cond3A_56 : i32
      scf.if %cond3A_57 {
        %dma_start3A_95 = arith.constant 0 : i32
        %dma_start3A_96 = tpu.memref_slice %arg4[%add3A_34, %mul3A_2, %dma_start3A_95] : memref<50x1000x1024xf32, #tpu.memory_space<hbm>> -> memref<1x32x1024xf32, #tpu.memory_space<hbm>>
        %dma_start3A_97 = tpu.memref_squeeze %dma_start3A_96 : memref<1x32x1024xf32, #tpu.memory_space<hbm>> -> memref<32x1024xf32, #tpu.memory_space<hbm>>
        %dma_start3A_98 = arith.constant 0 : i32
        %dma_start3A_99 = tpu.memref_slice %arg4[%add3A_34, %mul3A_2, %dma_start3A_98] : memref<50x1000x1024xf32, #tpu.memory_space<hbm>> -> memref<1x32x1024xf32, #tpu.memory_space<hbm>>
        %dma_start3A_100 = tpu.memref_squeeze %dma_start3A_99 : memref<1x32x1024xf32, #tpu.memory_space<hbm>> -> memref<32x1024xf32, #tpu.memory_space<hbm>>
        tpu.enqueue_dma source(%arg8 : memref<32x1024xf32, #tpu.memory_space<vmem>>) target(%dma_start3A_100 : memref<32x1024xf32, #tpu.memory_space<hbm>>) target_semaphore(%arg12 : memref<!tpu.dma_semaphore, #tpu.memory_space<semaphore_mem>>)
      } else {
      }
      %convert_element_type3A_58 = arith.extui %eq3A_3 : i1 to i32
      %cond3A_59 = arith.constant 0 : i32
      %cond3A_60 = arith.cmpi ne, %convert_element_type3A_58, %cond3A_59 : i32
      scf.if %cond3A_60 {
        %dma_start3A_95 = arith.constant 0 : i32
        %dma_start3A_96 = arith.constant 0 : i32
        %dma_start3A_97 = tpu.memref_slice %arg8[%dma_start3A_95, %dma_start3A_96] : memref<32x1024xf32, #tpu.memory_space<vmem>> -> memref<8x1024xf32, #tpu.memory_space<vmem>>
        %dma_start3A_98 = arith.constant 0 : i32
        %dma_start3A_99 = tpu.memref_slice %arg4[%add3A_34, %mul3A_2, %dma_start3A_98] : memref<50x1000x1024xf32, #tpu.memory_space<hbm>> -> memref<1x8x1024xf32, #tpu.memory_space<hbm>>
        %dma_start3A_100 = tpu.memref_squeeze %dma_start3A_99 : memref<1x8x1024xf32, #tpu.memory_space<hbm>> -> memref<8x1024xf32, #tpu.memory_space<hbm>>
        %dma_start3A_101 = arith.constant 0 : i32
        %dma_start3A_102 = tpu.memref_slice %arg4[%add3A_34, %mul3A_2, %dma_start3A_101] : memref<50x1000x1024xf32, #tpu.memory_space<hbm>> -> memref<1x8x1024xf32, #tpu.memory_space<hbm>>
        %dma_start3A_103 = tpu.memref_squeeze %dma_start3A_102 : memref<1x8x1024xf32, #tpu.memory_space<hbm>> -> memref<8x1024xf32, #tpu.memory_space<hbm>>
        %dma_start3A_104 = arith.constant 0 : i32
        %dma_start3A_105 = arith.constant 0 : i32
        %dma_start3A_106 = tpu.memref_slice %arg8[%dma_start3A_104, %dma_start3A_105] : memref<32x1024xf32, #tpu.memory_space<vmem>> -> memref<8x1024xf32, #tpu.memory_space<vmem>>
        tpu.enqueue_dma source(%dma_start3A_106 : memref<8x1024xf32, #tpu.memory_space<vmem>>) target(%dma_start3A_103 : memref<8x1024xf32, #tpu.memory_space<hbm>>) target_semaphore(%arg12 : memref<!tpu.dma_semaphore, #tpu.memory_space<semaphore_mem>>)
      } else {
      }
      %mul3A_61 = arith.constant 2 : i32
      %mul3A_62 = arith.muli %scan3A_30, %mul3A_61 : i32
      %add3A_63 = arith.constant 1 : i32
      %add3A_64 = arith.addi %mul3A_62, %add3A_63 : i32
      %dma_wait3A_65 = arith.constant 0 : i32
      %dma_wait3A_66 = arith.constant 0 : i32
      %dma_wait3A_67 = tpu.memref_slice %arg3[%dma_wait3A_65, %dma_wait3A_66] : memref<50x1024xi32, #tpu.memory_space<hbm>> -> memref<1x1024xi32, #tpu.memory_space<hbm>>
      %dma_wait3A_68 = tpu.memref_squeeze %dma_wait3A_67 : memref<1x1024xi32, #tpu.memory_space<hbm>> -> memref<1024xi32, #tpu.memory_space<hbm>>
      %dma_wait3A_69 = arith.constant 0 : i32
      %dma_wait3A_70 = tpu.memref_slice %arg3[%dma_wait3A_65, %dma_wait3A_69] : memref<50x1024xi32, #tpu.memory_space<hbm>> -> memref<1x1024xi32, #tpu.memory_space<hbm>>
      %dma_wait3A_71 = tpu.memref_squeeze %dma_wait3A_70 : memref<1x1024xi32, #tpu.memory_space<hbm>> -> memref<1024xi32, #tpu.memory_space<hbm>>
      tpu.wait_dma2 semaphore(%arg11 : memref<!tpu.dma_semaphore, #tpu.memory_space<semaphore_mem>>) src(%dma_wait3A_71 : memref<1024xi32, #tpu.memory_space<hbm>>) dst(%arg7 : memref<1024xi32, #tpu.memory_space<vmem>>)
      %add3A_72 = arith.constant 1 : i32
      %add3A_73 = arith.addi %add3A_64, %add3A_72 : i32
      %lt3A_74 = arith.constant 50 : i32
      %lt3A_75 = arith.cmpi slt, %add3A_73, %lt3A_74 : i32
      %convert_element_type3A_76 = arith.extui %lt3A_75 : i1 to i32
      %cond3A_77 = arith.constant 0 : i32
      %cond3A_78 = arith.cmpi ne, %convert_element_type3A_76, %cond3A_77 : i32
      scf.if %cond3A_78 {
        %add3A_95 = arith.constant 1 : i32
        %add3A_96 = arith.addi %add3A_64, %add3A_95 : i32
        %dma_start3A_97 = arith.constant 0 : i32
        %dma_start3A_98 = tpu.memref_slice %arg3[%add3A_96, %dma_start3A_97] : memref<50x1024xi32, #tpu.memory_space<hbm>> -> memref<1x1024xi32, #tpu.memory_space<hbm>>
        %dma_start3A_99 = tpu.memref_squeeze %dma_start3A_98 : memref<1x1024xi32, #tpu.memory_space<hbm>> -> memref<1024xi32, #tpu.memory_space<hbm>>
        %dma_start3A_100 = arith.constant 0 : i32
        %dma_start3A_101 = tpu.memref_slice %arg3[%add3A_96, %dma_start3A_100] : memref<50x1024xi32, #tpu.memory_space<hbm>> -> memref<1x1024xi32, #tpu.memory_space<hbm>>
        %dma_start3A_102 = tpu.memref_squeeze %dma_start3A_101 : memref<1x1024xi32, #tpu.memory_space<hbm>> -> memref<1024xi32, #tpu.memory_space<hbm>>
        tpu.enqueue_dma source(%dma_start3A_102 : memref<1024xi32, #tpu.memory_space<hbm>>) target(%arg6 : memref<1024xi32, #tpu.memory_space<vmem>>) target_semaphore(%arg10 : memref<!tpu.dma_semaphore, #tpu.memory_space<semaphore_mem>>)
      } else {
      }
      %ge3A_79 = arith.constant 2 : i32
      %ge3A_80 = arith.cmpi sge, %add3A_64, %ge3A_79 : i32
      %convert_element_type3A_81 = arith.extui %ge3A_80 : i1 to i32
      %cond3A_82 = arith.constant 0 : i32
      %cond3A_83 = arith.cmpi ne, %convert_element_type3A_81, %cond3A_82 : i32
      scf.if %cond3A_83 {
        %not3A_95 = arith.constant true
        %not3A_96 = arith.xori %eq3A_3, %not3A_95 : i1
        %convert_element_type3A_97 = arith.extui %not3A_96 : i1 to i32
        %cond3A_98 = arith.constant 0 : i32
        %cond3A_99 = arith.cmpi ne, %convert_element_type3A_97, %cond3A_98 : i32
        scf.if %cond3A_99 {
          %dma_wait3A_103 = arith.constant 0 : i32
          %dma_wait3A_104 = arith.constant 0 : i32
          %dma_wait3A_105 = arith.constant 0 : i32
          %dma_wait3A_106 = tpu.memref_slice %arg4[%dma_wait3A_103, %dma_wait3A_104, %dma_wait3A_105] : memref<50x1000x1024xf32, #tpu.memory_space<hbm>> -> memref<1x32x1024xf32, #tpu.memory_space<hbm>>
          %dma_wait3A_107 = tpu.memref_squeeze %dma_wait3A_106 : memref<1x32x1024xf32, #tpu.memory_space<hbm>> -> memref<32x1024xf32, #tpu.memory_space<hbm>>
          %dma_wait3A_108 = arith.constant 0 : i32
          %dma_wait3A_109 = arith.constant 0 : i32
          %dma_wait3A_110 = tpu.memref_slice %arg4[%dma_wait3A_103, %dma_wait3A_108, %dma_wait3A_109] : memref<50x1000x1024xf32, #tpu.memory_space<hbm>> -> memref<1x32x1024xf32, #tpu.memory_space<hbm>>
          %dma_wait3A_111 = tpu.memref_squeeze %dma_wait3A_110 : memref<1x32x1024xf32, #tpu.memory_space<hbm>> -> memref<32x1024xf32, #tpu.memory_space<hbm>>
          tpu.wait_dma2 semaphore(%arg13 : memref<!tpu.dma_semaphore, #tpu.memory_space<semaphore_mem>>) src(%arg9 : memref<32x1024xf32, #tpu.memory_space<vmem>>) dst(%dma_wait3A_111 : memref<32x1024xf32, #tpu.memory_space<hbm>>)
        } else {
        }
        %convert_element_type3A_100 = arith.extui %eq3A_3 : i1 to i32
        %cond3A_101 = arith.constant 0 : i32
        %cond3A_102 = arith.cmpi ne, %convert_element_type3A_100, %cond3A_101 : i32
        scf.if %cond3A_102 {
          %dma_wait3A_103 = arith.constant 0 : i32
          %dma_wait3A_104 = arith.constant 0 : i32
          %dma_wait3A_105 = arith.constant 0 : i32
          %dma_wait3A_106 = tpu.memref_slice %arg9[%dma_wait3A_104, %dma_wait3A_105] : memref<32x1024xf32, #tpu.memory_space<vmem>> -> memref<8x1024xf32, #tpu.memory_space<vmem>>
          %dma_wait3A_107 = arith.constant 0 : i32
          %dma_wait3A_108 = arith.constant 0 : i32
          %dma_wait3A_109 = tpu.memref_slice %arg4[%dma_wait3A_103, %dma_wait3A_107, %dma_wait3A_108] : memref<50x1000x1024xf32, #tpu.memory_space<hbm>> -> memref<1x8x1024xf32, #tpu.memory_space<hbm>>
          %dma_wait3A_110 = tpu.memref_squeeze %dma_wait3A_109 : memref<1x8x1024xf32, #tpu.memory_space<hbm>> -> memref<8x1024xf32, #tpu.memory_space<hbm>>
          %dma_wait3A_111 = arith.constant 0 : i32
          %dma_wait3A_112 = arith.constant 0 : i32
          %dma_wait3A_113 = tpu.memref_slice %arg4[%dma_wait3A_103, %dma_wait3A_111, %dma_wait3A_112] : memref<50x1000x1024xf32, #tpu.memory_space<hbm>> -> memref<1x8x1024xf32, #tpu.memory_space<hbm>>
          %dma_wait3A_114 = tpu.memref_squeeze %dma_wait3A_113 : memref<1x8x1024xf32, #tpu.memory_space<hbm>> -> memref<8x1024xf32, #tpu.memory_space<hbm>>
          %dma_wait3A_115 = arith.constant 0 : i32
          %dma_wait3A_116 = arith.constant 0 : i32
          %dma_wait3A_117 = tpu.memref_slice %arg9[%dma_wait3A_115, %dma_wait3A_116] : memref<32x1024xf32, #tpu.memory_space<vmem>> -> memref<8x1024xf32, #tpu.memory_space<vmem>>
          tpu.wait_dma2 semaphore(%arg13 : memref<!tpu.dma_semaphore, #tpu.memory_space<semaphore_mem>>) src(%dma_wait3A_117 : memref<8x1024xf32, #tpu.memory_space<vmem>>) dst(%dma_wait3A_114 : memref<8x1024xf32, #tpu.memory_space<hbm>>)
        } else {
        }
      } else {
      }
      %parallel_loop3A_84 = arith.constant 0 : i32
      %parallel_loop3A_85 = arith.constant 64 : i32
      %parallel_loop3A_86 = arith.constant 1 : i32
      scf.for %parallel_loop3A_95 = %parallel_loop3A_84 to %parallel_loop3A_85 step %parallel_loop3A_86  : i32 {
        %parallel_loop3A_96 = arith.constant 16 : i32
        %parallel_loop3A_97 = arith.muli %parallel_loop3A_96, %parallel_loop3A_95 : i32
        %parallel_loop3A_98 = arith.index_cast %parallel_loop3A_97 : i32 to index
        %parallel_loop3A_99 = tpu.vector_load %arg7[%parallel_loop3A_98] {strides = array<i32>} : memref<1024xi32, #tpu.memory_space<vmem>>, vector<16xi32>,
        %parallel_loop3A_100 = arith.constant 0 : i32
        %parallel_loop3A_101 = vector.broadcast %parallel_loop3A_100 : i32 to vector<16xi32>
        %parallel_loop3A_102 = arith.addi %parallel_loop3A_99, %parallel_loop3A_101 : vector<16xi32>
        %parallel_loop3A_103 = tpu.vector_load_idx %arg5[%parallel_loop3A_102] : memref<32768xf32, #tpu.memory_space<vmem>>[vector<16xi32>], vector<16xf32>,
        %parallel_loop3A_104 = arith.constant 16 : i32
        %parallel_loop3A_105 = arith.muli %parallel_loop3A_104, %parallel_loop3A_95 : i32
        %parallel_loop3A_106 = arith.constant 0 : i32
        %parallel_loop3A_107 = arith.index_cast %parallel_loop3A_106 : i32 to index
        %parallel_loop3A_108 = arith.index_cast %parallel_loop3A_105 : i32 to index
        %parallel_loop3A_109 = tpu.vector_load %arg9[%parallel_loop3A_107, %parallel_loop3A_108] {strides = array<i32>} : memref<32x1024xf32, #tpu.memory_space<vmem>>, vector<16xf32>,
        tpu.vector_store %arg9[%parallel_loop3A_107, %parallel_loop3A_108], %parallel_loop3A_103 {strides = array<i32>} : memref<32x1024xf32, #tpu.memory_space<vmem>>, vector<16xf32>,
        %parallel_loop3A_110 = arith.constant 1024 : i32
        %parallel_loop3A_111 = vector.broadcast %parallel_loop3A_110 : i32 to vector<16xi32>
        %parallel_loop3A_112 = arith.addi %parallel_loop3A_99, %parallel_loop3A_111 : vector<16xi32>
        %parallel_loop3A_113 = tpu.vector_load_idx %arg5[%parallel_loop3A_112] : memref<32768xf32, #tpu.memory_space<vmem>>[vector<16xi32>], vector<16xf32>,
        %parallel_loop3A_114 = arith.constant 16 : i32
        %parallel_loop3A_115 = arith.muli %parallel_loop3A_114, %parallel_loop3A_95 : i32
        %parallel_loop3A_116 = arith.constant 1 : i32
        %parallel_loop3A_117 = arith.index_cast %parallel_loop3A_116 : i32 to index
        %parallel_loop3A_118 = arith.index_cast %parallel_loop3A_115 : i32 to index
        %parallel_loop3A_119 = tpu.vector_load %arg9[%parallel_loop3A_117, %parallel_loop3A_118] {strides = array<i32>} : memref<32x1024xf32, #tpu.memory_space<vmem>>, vector<16xf32>,
        tpu.vector_store %arg9[%parallel_loop3A_117, %parallel_loop3A_118], %parallel_loop3A_113 {strides = array<i32>} : memref<32x1024xf32, #tpu.memory_space<vmem>>, vector<16xf32>,
        %parallel_loop3A_120 = arith.constant 2048 : i32
        %parallel_loop3A_121 = vector.broadcast %parallel_loop3A_120 : i32 to vector<16xi32>
        %parallel_loop3A_122 = arith.addi %parallel_loop3A_99, %parallel_loop3A_121 : vector<16xi32>
        %parallel_loop3A_123 = tpu.vector_load_idx %arg5[%parallel_loop3A_122] : memref<32768xf32, #tpu.memory_space<vmem>>[vector<16xi32>], vector<16xf32>,
        %parallel_loop3A_124 = arith.constant 16 : i32
        %parallel_loop3A_125 = arith.muli %parallel_loop3A_124, %parallel_loop3A_95 : i32
        %parallel_loop3A_126 = arith.constant 2 : i32
        %parallel_loop3A_127 = arith.index_cast %parallel_loop3A_126 : i32 to index
        %parallel_loop3A_128 = arith.index_cast %parallel_loop3A_125 : i32 to index
        %parallel_loop3A_129 = tpu.vector_load %arg9[%parallel_loop3A_127, %parallel_loop3A_128] {strides = array<i32>} : memref<32x1024xf32, #tpu.memory_space<vmem>>, vector<16xf32>,
        tpu.vector_store %arg9[%parallel_loop3A_127, %parallel_loop3A_128], %parallel_loop3A_123 {strides = array<i32>} : memref<32x1024xf32, #tpu.memory_space<vmem>>, vector<16xf32>,
        %parallel_loop3A_130 = arith.constant 3072 : i32
        %parallel_loop3A_131 = vector.broadcast %parallel_loop3A_130 : i32 to vector<16xi32>
        %parallel_loop3A_132 = arith.addi %parallel_loop3A_99, %parallel_loop3A_131 : vector<16xi32>
        %parallel_loop3A_133 = tpu.vector_load_idx %arg5[%parallel_loop3A_132] : memref<32768xf32, #tpu.memory_space<vmem>>[vector<16xi32>], vector<16xf32>,
        %parallel_loop3A_134 = arith.constant 16 : i32
        %parallel_loop3A_135 = arith.muli %parallel_loop3A_134, %parallel_loop3A_95 : i32
        %parallel_loop3A_136 = arith.constant 3 : i32
        %parallel_loop3A_137 = arith.index_cast %parallel_loop3A_136 : i32 to index
        %parallel_loop3A_138 = arith.index_cast %parallel_loop3A_135 : i32 to index
        %parallel_loop3A_139 = tpu.vector_load %arg9[%parallel_loop3A_137, %parallel_loop3A_138] {strides = array<i32>} : memref<32x1024xf32, #tpu.memory_space<vmem>>, vector<16xf32>,
        tpu.vector_store %arg9[%parallel_loop3A_137, %parallel_loop3A_138], %parallel_loop3A_133 {strides = array<i32>} : memref<32x1024xf32, #tpu.memory_space<vmem>>, vector<16xf32>,
        %parallel_loop3A_140 = arith.constant 4096 : i32
        %parallel_loop3A_141 = vector.broadcast %parallel_loop3A_140 : i32 to vector<16xi32>
        %parallel_loop3A_142 = arith.addi %parallel_loop3A_99, %parallel_loop3A_141 : vector<16xi32>
        %parallel_loop3A_143 = tpu.vector_load_idx %arg5[%parallel_loop3A_142] : memref<32768xf32, #tpu.memory_space<vmem>>[vector<16xi32>], vector<16xf32>,
        %parallel_loop3A_144 = arith.constant 16 : i32
        %parallel_loop3A_145 = arith.muli %parallel_loop3A_144, %parallel_loop3A_95 : i32
        %parallel_loop3A_146 = arith.constant 4 : i32
        %parallel_loop3A_147 = arith.index_cast %parallel_loop3A_146 : i32 to index
        %parallel_loop3A_148 = arith.index_cast %parallel_loop3A_145 : i32 to index
        %parallel_loop3A_149 = tpu.vector_load %arg9[%parallel_loop3A_147, %parallel_loop3A_148] {strides = array<i32>} : memref<32x1024xf32, #tpu.memory_space<vmem>>, vector<16xf32>,
        tpu.vector_store %arg9[%parallel_loop3A_147, %parallel_loop3A_148], %parallel_loop3A_143 {strides = array<i32>} : memref<32x1024xf32, #tpu.memory_space<vmem>>, vector<16xf32>,
        %parallel_loop3A_150 = arith.constant 5120 : i32
        %parallel_loop3A_151 = vector.broadcast %parallel_loop3A_150 : i32 to vector<16xi32>
        %parallel_loop3A_152 = arith.addi %parallel_loop3A_99, %parallel_loop3A_151 : vector<16xi32>
        %parallel_loop3A_153 = tpu.vector_load_idx %arg5[%parallel_loop3A_152] : memref<32768xf32, #tpu.memory_space<vmem>>[vector<16xi32>], vector<16xf32>,
        %parallel_loop3A_154 = arith.constant 16 : i32
        %parallel_loop3A_155 = arith.muli %parallel_loop3A_154, %parallel_loop3A_95 : i32
        %parallel_loop3A_156 = arith.constant 5 : i32
        %parallel_loop3A_157 = arith.index_cast %parallel_loop3A_156 : i32 to index
        %parallel_loop3A_158 = arith.index_cast %parallel_loop3A_155 : i32 to index
        %parallel_loop3A_159 = tpu.vector_load %arg9[%parallel_loop3A_157, %parallel_loop3A_158] {strides = array<i32>} : memref<32x1024xf32, #tpu.memory_space<vmem>>, vector<16xf32>,
        tpu.vector_store %arg9[%parallel_loop3A_157, %parallel_loop3A_158], %parallel_loop3A_153 {strides = array<i32>} : memref<32x1024xf32, #tpu.memory_space<vmem>>, vector<16xf32>,
        %parallel_loop3A_160 = arith.constant 6144 : i32
        %parallel_loop3A_161 = vector.broadcast %parallel_loop3A_160 : i32 to vector<16xi32>
        %parallel_loop3A_162 = arith.addi %parallel_loop3A_99, %parallel_loop3A_161 : vector<16xi32>
        %parallel_loop3A_163 = tpu.vector_load_idx %arg5[%parallel_loop3A_162] : memref<32768xf32, #tpu.memory_space<vmem>>[vector<16xi32>], vector<16xf32>,
        %parallel_loop3A_164 = arith.constant 16 : i32
        %parallel_loop3A_165 = arith.muli %parallel_loop3A_164, %parallel_loop3A_95 : i32
        %parallel_loop3A_166 = arith.constant 6 : i32
        %parallel_loop3A_167 = arith.index_cast %parallel_loop3A_166 : i32 to index
        %parallel_loop3A_168 = arith.index_cast %parallel_loop3A_165 : i32 to index
        %parallel_loop3A_169 = tpu.vector_load %arg9[%parallel_loop3A_167, %parallel_loop3A_168] {strides = array<i32>} : memref<32x1024xf32, #tpu.memory_space<vmem>>, vector<16xf32>,
        tpu.vector_store %arg9[%parallel_loop3A_167, %parallel_loop3A_168], %parallel_loop3A_163 {strides = array<i32>} : memref<32x1024xf32, #tpu.memory_space<vmem>>, vector<16xf32>,
        %parallel_loop3A_170 = arith.constant 7168 : i32
        %parallel_loop3A_171 = vector.broadcast %parallel_loop3A_170 : i32 to vector<16xi32>
        %parallel_loop3A_172 = arith.addi %parallel_loop3A_99, %parallel_loop3A_171 : vector<16xi32>
        %parallel_loop3A_173 = tpu.vector_load_idx %arg5[%parallel_loop3A_172] : memref<32768xf32, #tpu.memory_space<vmem>>[vector<16xi32>], vector<16xf32>,
        %parallel_loop3A_174 = arith.constant 16 : i32
        %parallel_loop3A_175 = arith.muli %parallel_loop3A_174, %parallel_loop3A_95 : i32
        %parallel_loop3A_176 = arith.constant 7 : i32
        %parallel_loop3A_177 = arith.index_cast %parallel_loop3A_176 : i32 to index
        %parallel_loop3A_178 = arith.index_cast %parallel_loop3A_175 : i32 to index
        %parallel_loop3A_179 = tpu.vector_load %arg9[%parallel_loop3A_177, %parallel_loop3A_178] {strides = array<i32>} : memref<32x1024xf32, #tpu.memory_space<vmem>>, vector<16xf32>,
        tpu.vector_store %arg9[%parallel_loop3A_177, %parallel_loop3A_178], %parallel_loop3A_173 {strides = array<i32>} : memref<32x1024xf32, #tpu.memory_space<vmem>>, vector<16xf32>,
        %parallel_loop3A_180 = arith.constant 8192 : i32
        %parallel_loop3A_181 = vector.broadcast %parallel_loop3A_180 : i32 to vector<16xi32>
        %parallel_loop3A_182 = arith.addi %parallel_loop3A_99, %parallel_loop3A_181 : vector<16xi32>
        %parallel_loop3A_183 = tpu.vector_load_idx %arg5[%parallel_loop3A_182] : memref<32768xf32, #tpu.memory_space<vmem>>[vector<16xi32>], vector<16xf32>,
        %parallel_loop3A_184 = arith.constant 16 : i32
        %parallel_loop3A_185 = arith.muli %parallel_loop3A_184, %parallel_loop3A_95 : i32
        %parallel_loop3A_186 = arith.constant 8 : i32
        %parallel_loop3A_187 = arith.index_cast %parallel_loop3A_186 : i32 to index
        %parallel_loop3A_188 = arith.index_cast %parallel_loop3A_185 : i32 to index
        %parallel_loop3A_189 = tpu.vector_load %arg9[%parallel_loop3A_187, %parallel_loop3A_188] {strides = array<i32>} : memref<32x1024xf32, #tpu.memory_space<vmem>>, vector<16xf32>,
        tpu.vector_store %arg9[%parallel_loop3A_187, %parallel_loop3A_188], %parallel_loop3A_183 {strides = array<i32>} : memref<32x1024xf32, #tpu.memory_space<vmem>>, vector<16xf32>,
        %parallel_loop3A_190 = arith.constant 9216 : i32
        %parallel_loop3A_191 = vector.broadcast %parallel_loop3A_190 : i32 to vector<16xi32>
        %parallel_loop3A_192 = arith.addi %parallel_loop3A_99, %parallel_loop3A_191 : vector<16xi32>
        %parallel_loop3A_193 = tpu.vector_load_idx %arg5[%parallel_loop3A_192] : memref<32768xf32, #tpu.memory_space<vmem>>[vector<16xi32>], vector<16xf32>,
        %parallel_loop3A_194 = arith.constant 16 : i32
        %parallel_loop3A_195 = arith.muli %parallel_loop3A_194, %parallel_loop3A_95 : i32
        %parallel_loop3A_196 = arith.constant 9 : i32
        %parallel_loop3A_197 = arith.index_cast %parallel_loop3A_196 : i32 to index
        %parallel_loop3A_198 = arith.index_cast %parallel_loop3A_195 : i32 to index
        %parallel_loop3A_199 = tpu.vector_load %arg9[%parallel_loop3A_197, %parallel_loop3A_198] {strides = array<i32>} : memref<32x1024xf32, #tpu.memory_space<vmem>>, vector<16xf32>,
        tpu.vector_store %arg9[%parallel_loop3A_197, %parallel_loop3A_198], %parallel_loop3A_193 {strides = array<i32>} : memref<32x1024xf32, #tpu.memory_space<vmem>>, vector<16xf32>,
        %parallel_loop3A_200 = arith.constant 10240 : i32
        %parallel_loop3A_201 = vector.broadcast %parallel_loop3A_200 : i32 to vector<16xi32>
        %parallel_loop3A_202 = arith.addi %parallel_loop3A_99, %parallel_loop3A_201 : vector<16xi32>
        %parallel_loop3A_203 = tpu.vector_load_idx %arg5[%parallel_loop3A_202] : memref<32768xf32, #tpu.memory_space<vmem>>[vector<16xi32>], vector<16xf32>,
        %parallel_loop3A_204 = arith.constant 16 : i32
        %parallel_loop3A_205 = arith.muli %parallel_loop3A_204, %parallel_loop3A_95 : i32
        %parallel_loop3A_206 = arith.constant 10 : i32
        %parallel_loop3A_207 = arith.index_cast %parallel_loop3A_206 : i32 to index
        %parallel_loop3A_208 = arith.index_cast %parallel_loop3A_205 : i32 to index
        %parallel_loop3A_209 = tpu.vector_load %arg9[%parallel_loop3A_207, %parallel_loop3A_208] {strides = array<i32>} : memref<32x1024xf32, #tpu.memory_space<vmem>>, vector<16xf32>,
        tpu.vector_store %arg9[%parallel_loop3A_207, %parallel_loop3A_208], %parallel_loop3A_203 {strides = array<i32>} : memref<32x1024xf32, #tpu.memory_space<vmem>>, vector<16xf32>,
        %parallel_loop3A_210 = arith.constant 11264 : i32
        %parallel_loop3A_211 = vector.broadcast %parallel_loop3A_210 : i32 to vector<16xi32>
        %parallel_loop3A_212 = arith.addi %parallel_loop3A_99, %parallel_loop3A_211 : vector<16xi32>
        %parallel_loop3A_213 = tpu.vector_load_idx %arg5[%parallel_loop3A_212] : memref<32768xf32, #tpu.memory_space<vmem>>[vector<16xi32>], vector<16xf32>,
        %parallel_loop3A_214 = arith.constant 16 : i32
        %parallel_loop3A_215 = arith.muli %parallel_loop3A_214, %parallel_loop3A_95 : i32
        %parallel_loop3A_216 = arith.constant 11 : i32
        %parallel_loop3A_217 = arith.index_cast %parallel_loop3A_216 : i32 to index
        %parallel_loop3A_218 = arith.index_cast %parallel_loop3A_215 : i32 to index
        %parallel_loop3A_219 = tpu.vector_load %arg9[%parallel_loop3A_217, %parallel_loop3A_218] {strides = array<i32>} : memref<32x1024xf32, #tpu.memory_space<vmem>>, vector<16xf32>,
        tpu.vector_store %arg9[%parallel_loop3A_217, %parallel_loop3A_218], %parallel_loop3A_213 {strides = array<i32>} : memref<32x1024xf32, #tpu.memory_space<vmem>>, vector<16xf32>,
        %parallel_loop3A_220 = arith.constant 12288 : i32
        %parallel_loop3A_221 = vector.broadcast %parallel_loop3A_220 : i32 to vector<16xi32>
        %parallel_loop3A_222 = arith.addi %parallel_loop3A_99, %parallel_loop3A_221 : vector<16xi32>
        %parallel_loop3A_223 = tpu.vector_load_idx %arg5[%parallel_loop3A_222] : memref<32768xf32, #tpu.memory_space<vmem>>[vector<16xi32>], vector<16xf32>,
        %parallel_loop3A_224 = arith.constant 16 : i32
        %parallel_loop3A_225 = arith.muli %parallel_loop3A_224, %parallel_loop3A_95 : i32
        %parallel_loop3A_226 = arith.constant 12 : i32
        %parallel_loop3A_227 = arith.index_cast %parallel_loop3A_226 : i32 to index
        %parallel_loop3A_228 = arith.index_cast %parallel_loop3A_225 : i32 to index
        %parallel_loop3A_229 = tpu.vector_load %arg9[%parallel_loop3A_227, %parallel_loop3A_228] {strides = array<i32>} : memref<32x1024xf32, #tpu.memory_space<vmem>>, vector<16xf32>,
        tpu.vector_store %arg9[%parallel_loop3A_227, %parallel_loop3A_228], %parallel_loop3A_223 {strides = array<i32>} : memref<32x1024xf32, #tpu.memory_space<vmem>>, vector<16xf32>,
        %parallel_loop3A_230 = arith.constant 13312 : i32
        %parallel_loop3A_231 = vector.broadcast %parallel_loop3A_230 : i32 to vector<16xi32>
        %parallel_loop3A_232 = arith.addi %parallel_loop3A_99, %parallel_loop3A_231 : vector<16xi32>
        %parallel_loop3A_233 = tpu.vector_load_idx %arg5[%parallel_loop3A_232] : memref<32768xf32, #tpu.memory_space<vmem>>[vector<16xi32>], vector<16xf32>,
        %parallel_loop3A_234 = arith.constant 16 : i32
        %parallel_loop3A_235 = arith.muli %parallel_loop3A_234, %parallel_loop3A_95 : i32
        %parallel_loop3A_236 = arith.constant 13 : i32
        %parallel_loop3A_237 = arith.index_cast %parallel_loop3A_236 : i32 to index
        %parallel_loop3A_238 = arith.index_cast %parallel_loop3A_235 : i32 to index
        %parallel_loop3A_239 = tpu.vector_load %arg9[%parallel_loop3A_237, %parallel_loop3A_238] {strides = array<i32>} : memref<32x1024xf32, #tpu.memory_space<vmem>>, vector<16xf32>,
        tpu.vector_store %arg9[%parallel_loop3A_237, %parallel_loop3A_238], %parallel_loop3A_233 {strides = array<i32>} : memref<32x1024xf32, #tpu.memory_space<vmem>>, vector<16xf32>,
        %parallel_loop3A_240 = arith.constant 14336 : i32
        %parallel_loop3A_241 = vector.broadcast %parallel_loop3A_240 : i32 to vector<16xi32>
        %parallel_loop3A_242 = arith.addi %parallel_loop3A_99, %parallel_loop3A_241 : vector<16xi32>
        %parallel_loop3A_243 = tpu.vector_load_idx %arg5[%parallel_loop3A_242] : memref<32768xf32, #tpu.memory_space<vmem>>[vector<16xi32>], vector<16xf32>,
        %parallel_loop3A_244 = arith.constant 16 : i32
        %parallel_loop3A_245 = arith.muli %parallel_loop3A_244, %parallel_loop3A_95 : i32
        %parallel_loop3A_246 = arith.constant 14 : i32
        %parallel_loop3A_247 = arith.index_cast %parallel_loop3A_246 : i32 to index
        %parallel_loop3A_248 = arith.index_cast %parallel_loop3A_245 : i32 to index
        %parallel_loop3A_249 = tpu.vector_load %arg9[%parallel_loop3A_247, %parallel_loop3A_248] {strides = array<i32>} : memref<32x1024xf32, #tpu.memory_space<vmem>>, vector<16xf32>,
        tpu.vector_store %arg9[%parallel_loop3A_247, %parallel_loop3A_248], %parallel_loop3A_243 {strides = array<i32>} : memref<32x1024xf32, #tpu.memory_space<vmem>>, vector<16xf32>,
        %parallel_loop3A_250 = arith.constant 15360 : i32
        %parallel_loop3A_251 = vector.broadcast %parallel_loop3A_250 : i32 to vector<16xi32>
        %parallel_loop3A_252 = arith.addi %parallel_loop3A_99, %parallel_loop3A_251 : vector<16xi32>
        %parallel_loop3A_253 = tpu.vector_load_idx %arg5[%parallel_loop3A_252] : memref<32768xf32, #tpu.memory_space<vmem>>[vector<16xi32>], vector<16xf32>,
        %parallel_loop3A_254 = arith.constant 16 : i32
        %parallel_loop3A_255 = arith.muli %parallel_loop3A_254, %parallel_loop3A_95 : i32
        %parallel_loop3A_256 = arith.constant 15 : i32
        %parallel_loop3A_257 = arith.index_cast %parallel_loop3A_256 : i32 to index
        %parallel_loop3A_258 = arith.index_cast %parallel_loop3A_255 : i32 to index
        %parallel_loop3A_259 = tpu.vector_load %arg9[%parallel_loop3A_257, %parallel_loop3A_258] {strides = array<i32>} : memref<32x1024xf32, #tpu.memory_space<vmem>>, vector<16xf32>,
        tpu.vector_store %arg9[%parallel_loop3A_257, %parallel_loop3A_258], %parallel_loop3A_253 {strides = array<i32>} : memref<32x1024xf32, #tpu.memory_space<vmem>>, vector<16xf32>,
        %parallel_loop3A_260 = arith.constant 16384 : i32
        %parallel_loop3A_261 = vector.broadcast %parallel_loop3A_260 : i32 to vector<16xi32>
        %parallel_loop3A_262 = arith.addi %parallel_loop3A_99, %parallel_loop3A_261 : vector<16xi32>
        %parallel_loop3A_263 = tpu.vector_load_idx %arg5[%parallel_loop3A_262] : memref<32768xf32, #tpu.memory_space<vmem>>[vector<16xi32>], vector<16xf32>,
        %parallel_loop3A_264 = arith.constant 16 : i32
        %parallel_loop3A_265 = arith.muli %parallel_loop3A_264, %parallel_loop3A_95 : i32
        %parallel_loop3A_266 = arith.constant 16 : i32
        %parallel_loop3A_267 = arith.index_cast %parallel_loop3A_266 : i32 to index
        %parallel_loop3A_268 = arith.index_cast %parallel_loop3A_265 : i32 to index
        %parallel_loop3A_269 = tpu.vector_load %arg9[%parallel_loop3A_267, %parallel_loop3A_268] {strides = array<i32>} : memref<32x1024xf32, #tpu.memory_space<vmem>>, vector<16xf32>,
        tpu.vector_store %arg9[%parallel_loop3A_267, %parallel_loop3A_268], %parallel_loop3A_263 {strides = array<i32>} : memref<32x1024xf32, #tpu.memory_space<vmem>>, vector<16xf32>,
        %parallel_loop3A_270 = arith.constant 17408 : i32
        %parallel_loop3A_271 = vector.broadcast %parallel_loop3A_270 : i32 to vector<16xi32>
        %parallel_loop3A_272 = arith.addi %parallel_loop3A_99, %parallel_loop3A_271 : vector<16xi32>
        %parallel_loop3A_273 = tpu.vector_load_idx %arg5[%parallel_loop3A_272] : memref<32768xf32, #tpu.memory_space<vmem>>[vector<16xi32>], vector<16xf32>,
        %parallel_loop3A_274 = arith.constant 16 : i32
        %parallel_loop3A_275 = arith.muli %parallel_loop3A_274, %parallel_loop3A_95 : i32
        %parallel_loop3A_276 = arith.constant 17 : i32
        %parallel_loop3A_277 = arith.index_cast %parallel_loop3A_276 : i32 to index
        %parallel_loop3A_278 = arith.index_cast %parallel_loop3A_275 : i32 to index
        %parallel_loop3A_279 = tpu.vector_load %arg9[%parallel_loop3A_277, %parallel_loop3A_278] {strides = array<i32>} : memref<32x1024xf32, #tpu.memory_space<vmem>>, vector<16xf32>,
        tpu.vector_store %arg9[%parallel_loop3A_277, %parallel_loop3A_278], %parallel_loop3A_273 {strides = array<i32>} : memref<32x1024xf32, #tpu.memory_space<vmem>>, vector<16xf32>,
        %parallel_loop3A_280 = arith.constant 18432 : i32
        %parallel_loop3A_281 = vector.broadcast %parallel_loop3A_280 : i32 to vector<16xi32>
        %parallel_loop3A_282 = arith.addi %parallel_loop3A_99, %parallel_loop3A_281 : vector<16xi32>
        %parallel_loop3A_283 = tpu.vector_load_idx %arg5[%parallel_loop3A_282] : memref<32768xf32, #tpu.memory_space<vmem>>[vector<16xi32>], vector<16xf32>,
        %parallel_loop3A_284 = arith.constant 16 : i32
        %parallel_loop3A_285 = arith.muli %parallel_loop3A_284, %parallel_loop3A_95 : i32
        %parallel_loop3A_286 = arith.constant 18 : i32
        %parallel_loop3A_287 = arith.index_cast %parallel_loop3A_286 : i32 to index
        %parallel_loop3A_288 = arith.index_cast %parallel_loop3A_285 : i32 to index
        %parallel_loop3A_289 = tpu.vector_load %arg9[%parallel_loop3A_287, %parallel_loop3A_288] {strides = array<i32>} : memref<32x1024xf32, #tpu.memory_space<vmem>>, vector<16xf32>,
        tpu.vector_store %arg9[%parallel_loop3A_287, %parallel_loop3A_288], %parallel_loop3A_283 {strides = array<i32>} : memref<32x1024xf32, #tpu.memory_space<vmem>>, vector<16xf32>,
        %parallel_loop3A_290 = arith.constant 19456 : i32
        %parallel_loop3A_291 = vector.broadcast %parallel_loop3A_290 : i32 to vector<16xi32>
        %parallel_loop3A_292 = arith.addi %parallel_loop3A_99, %parallel_loop3A_291 : vector<16xi32>
        %parallel_loop3A_293 = tpu.vector_load_idx %arg5[%parallel_loop3A_292] : memref<32768xf32, #tpu.memory_space<vmem>>[vector<16xi32>], vector<16xf32>,
        %parallel_loop3A_294 = arith.constant 16 : i32
        %parallel_loop3A_295 = arith.muli %parallel_loop3A_294, %parallel_loop3A_95 : i32
        %parallel_loop3A_296 = arith.constant 19 : i32
        %parallel_loop3A_297 = arith.index_cast %parallel_loop3A_296 : i32 to index
        %parallel_loop3A_298 = arith.index_cast %parallel_loop3A_295 : i32 to index
        %parallel_loop3A_299 = tpu.vector_load %arg9[%parallel_loop3A_297, %parallel_loop3A_298] {strides = array<i32>} : memref<32x1024xf32, #tpu.memory_space<vmem>>, vector<16xf32>,
        tpu.vector_store %arg9[%parallel_loop3A_297, %parallel_loop3A_298], %parallel_loop3A_293 {strides = array<i32>} : memref<32x1024xf32, #tpu.memory_space<vmem>>, vector<16xf32>,
        %parallel_loop3A_300 = arith.constant 20480 : i32
        %parallel_loop3A_301 = vector.broadcast %parallel_loop3A_300 : i32 to vector<16xi32>
        %parallel_loop3A_302 = arith.addi %parallel_loop3A_99, %parallel_loop3A_301 : vector<16xi32>
        %parallel_loop3A_303 = tpu.vector_load_idx %arg5[%parallel_loop3A_302] : memref<32768xf32, #tpu.memory_space<vmem>>[vector<16xi32>], vector<16xf32>,
        %parallel_loop3A_304 = arith.constant 16 : i32
        %parallel_loop3A_305 = arith.muli %parallel_loop3A_304, %parallel_loop3A_95 : i32
        %parallel_loop3A_306 = arith.constant 20 : i32
        %parallel_loop3A_307 = arith.index_cast %parallel_loop3A_306 : i32 to index
        %parallel_loop3A_308 = arith.index_cast %parallel_loop3A_305 : i32 to index
        %parallel_loop3A_309 = tpu.vector_load %arg9[%parallel_loop3A_307, %parallel_loop3A_308] {strides = array<i32>} : memref<32x1024xf32, #tpu.memory_space<vmem>>, vector<16xf32>,
        tpu.vector_store %arg9[%parallel_loop3A_307, %parallel_loop3A_308], %parallel_loop3A_303 {strides = array<i32>} : memref<32x1024xf32, #tpu.memory_space<vmem>>, vector<16xf32>,
        %parallel_loop3A_310 = arith.constant 21504 : i32
        %parallel_loop3A_311 = vector.broadcast %parallel_loop3A_310 : i32 to vector<16xi32>
        %parallel_loop3A_312 = arith.addi %parallel_loop3A_99, %parallel_loop3A_311 : vector<16xi32>
        %parallel_loop3A_313 = tpu.vector_load_idx %arg5[%parallel_loop3A_312] : memref<32768xf32, #tpu.memory_space<vmem>>[vector<16xi32>], vector<16xf32>,
        %parallel_loop3A_314 = arith.constant 16 : i32
        %parallel_loop3A_315 = arith.muli %parallel_loop3A_314, %parallel_loop3A_95 : i32
        %parallel_loop3A_316 = arith.constant 21 : i32
        %parallel_loop3A_317 = arith.index_cast %parallel_loop3A_316 : i32 to index
        %parallel_loop3A_318 = arith.index_cast %parallel_loop3A_315 : i32 to index
        %parallel_loop3A_319 = tpu.vector_load %arg9[%parallel_loop3A_317, %parallel_loop3A_318] {strides = array<i32>} : memref<32x1024xf32, #tpu.memory_space<vmem>>, vector<16xf32>,
        tpu.vector_store %arg9[%parallel_loop3A_317, %parallel_loop3A_318], %parallel_loop3A_313 {strides = array<i32>} : memref<32x1024xf32, #tpu.memory_space<vmem>>, vector<16xf32>,
        %parallel_loop3A_320 = arith.constant 22528 : i32
        %parallel_loop3A_321 = vector.broadcast %parallel_loop3A_320 : i32 to vector<16xi32>
        %parallel_loop3A_322 = arith.addi %parallel_loop3A_99, %parallel_loop3A_321 : vector<16xi32>
        %parallel_loop3A_323 = tpu.vector_load_idx %arg5[%parallel_loop3A_322] : memref<32768xf32, #tpu.memory_space<vmem>>[vector<16xi32>], vector<16xf32>,
        %parallel_loop3A_324 = arith.constant 16 : i32
        %parallel_loop3A_325 = arith.muli %parallel_loop3A_324, %parallel_loop3A_95 : i32
        %parallel_loop3A_326 = arith.constant 22 : i32
        %parallel_loop3A_327 = arith.index_cast %parallel_loop3A_326 : i32 to index
        %parallel_loop3A_328 = arith.index_cast %parallel_loop3A_325 : i32 to index
        %parallel_loop3A_329 = tpu.vector_load %arg9[%parallel_loop3A_327, %parallel_loop3A_328] {strides = array<i32>} : memref<32x1024xf32, #tpu.memory_space<vmem>>, vector<16xf32>,
        tpu.vector_store %arg9[%parallel_loop3A_327, %parallel_loop3A_328], %parallel_loop3A_323 {strides = array<i32>} : memref<32x1024xf32, #tpu.memory_space<vmem>>, vector<16xf32>,
        %parallel_loop3A_330 = arith.constant 23552 : i32
        %parallel_loop3A_331 = vector.broadcast %parallel_loop3A_330 : i32 to vector<16xi32>
        %parallel_loop3A_332 = arith.addi %parallel_loop3A_99, %parallel_loop3A_331 : vector<16xi32>
        %parallel_loop3A_333 = tpu.vector_load_idx %arg5[%parallel_loop3A_332] : memref<32768xf32, #tpu.memory_space<vmem>>[vector<16xi32>], vector<16xf32>,
        %parallel_loop3A_334 = arith.constant 16 : i32
        %parallel_loop3A_335 = arith.muli %parallel_loop3A_334, %parallel_loop3A_95 : i32
        %parallel_loop3A_336 = arith.constant 23 : i32
        %parallel_loop3A_337 = arith.index_cast %parallel_loop3A_336 : i32 to index
        %parallel_loop3A_338 = arith.index_cast %parallel_loop3A_335 : i32 to index
        %parallel_loop3A_339 = tpu.vector_load %arg9[%parallel_loop3A_337, %parallel_loop3A_338] {strides = array<i32>} : memref<32x1024xf32, #tpu.memory_space<vmem>>, vector<16xf32>,
        tpu.vector_store %arg9[%parallel_loop3A_337, %parallel_loop3A_338], %parallel_loop3A_333 {strides = array<i32>} : memref<32x1024xf32, #tpu.memory_space<vmem>>, vector<16xf32>,
        %parallel_loop3A_340 = arith.constant 24576 : i32
        %parallel_loop3A_341 = vector.broadcast %parallel_loop3A_340 : i32 to vector<16xi32>
        %parallel_loop3A_342 = arith.addi %parallel_loop3A_99, %parallel_loop3A_341 : vector<16xi32>
        %parallel_loop3A_343 = tpu.vector_load_idx %arg5[%parallel_loop3A_342] : memref<32768xf32, #tpu.memory_space<vmem>>[vector<16xi32>], vector<16xf32>,
        %parallel_loop3A_344 = arith.constant 16 : i32
        %parallel_loop3A_345 = arith.muli %parallel_loop3A_344, %parallel_loop3A_95 : i32
        %parallel_loop3A_346 = arith.constant 24 : i32
        %parallel_loop3A_347 = arith.index_cast %parallel_loop3A_346 : i32 to index
        %parallel_loop3A_348 = arith.index_cast %parallel_loop3A_345 : i32 to index
        %parallel_loop3A_349 = tpu.vector_load %arg9[%parallel_loop3A_347, %parallel_loop3A_348] {strides = array<i32>} : memref<32x1024xf32, #tpu.memory_space<vmem>>, vector<16xf32>,
        tpu.vector_store %arg9[%parallel_loop3A_347, %parallel_loop3A_348], %parallel_loop3A_343 {strides = array<i32>} : memref<32x1024xf32, #tpu.memory_space<vmem>>, vector<16xf32>,
        %parallel_loop3A_350 = arith.constant 25600 : i32
        %parallel_loop3A_351 = vector.broadcast %parallel_loop3A_350 : i32 to vector<16xi32>
        %parallel_loop3A_352 = arith.addi %parallel_loop3A_99, %parallel_loop3A_351 : vector<16xi32>
        %parallel_loop3A_353 = tpu.vector_load_idx %arg5[%parallel_loop3A_352] : memref<32768xf32, #tpu.memory_space<vmem>>[vector<16xi32>], vector<16xf32>,
        %parallel_loop3A_354 = arith.constant 16 : i32
        %parallel_loop3A_355 = arith.muli %parallel_loop3A_354, %parallel_loop3A_95 : i32
        %parallel_loop3A_356 = arith.constant 25 : i32
        %parallel_loop3A_357 = arith.index_cast %parallel_loop3A_356 : i32 to index
        %parallel_loop3A_358 = arith.index_cast %parallel_loop3A_355 : i32 to index
        %parallel_loop3A_359 = tpu.vector_load %arg9[%parallel_loop3A_357, %parallel_loop3A_358] {strides = array<i32>} : memref<32x1024xf32, #tpu.memory_space<vmem>>, vector<16xf32>,
        tpu.vector_store %arg9[%parallel_loop3A_357, %parallel_loop3A_358], %parallel_loop3A_353 {strides = array<i32>} : memref<32x1024xf32, #tpu.memory_space<vmem>>, vector<16xf32>,
        %parallel_loop3A_360 = arith.constant 26624 : i32
        %parallel_loop3A_361 = vector.broadcast %parallel_loop3A_360 : i32 to vector<16xi32>
        %parallel_loop3A_362 = arith.addi %parallel_loop3A_99, %parallel_loop3A_361 : vector<16xi32>
        %parallel_loop3A_363 = tpu.vector_load_idx %arg5[%parallel_loop3A_362] : memref<32768xf32, #tpu.memory_space<vmem>>[vector<16xi32>], vector<16xf32>,
        %parallel_loop3A_364 = arith.constant 16 : i32
        %parallel_loop3A_365 = arith.muli %parallel_loop3A_364, %parallel_loop3A_95 : i32
        %parallel_loop3A_366 = arith.constant 26 : i32
        %parallel_loop3A_367 = arith.index_cast %parallel_loop3A_366 : i32 to index
        %parallel_loop3A_368 = arith.index_cast %parallel_loop3A_365 : i32 to index
        %parallel_loop3A_369 = tpu.vector_load %arg9[%parallel_loop3A_367, %parallel_loop3A_368] {strides = array<i32>} : memref<32x1024xf32, #tpu.memory_space<vmem>>, vector<16xf32>,
        tpu.vector_store %arg9[%parallel_loop3A_367, %parallel_loop3A_368], %parallel_loop3A_363 {strides = array<i32>} : memref<32x1024xf32, #tpu.memory_space<vmem>>, vector<16xf32>,
        %parallel_loop3A_370 = arith.constant 27648 : i32
        %parallel_loop3A_371 = vector.broadcast %parallel_loop3A_370 : i32 to vector<16xi32>
        %parallel_loop3A_372 = arith.addi %parallel_loop3A_99, %parallel_loop3A_371 : vector<16xi32>
        %parallel_loop3A_373 = tpu.vector_load_idx %arg5[%parallel_loop3A_372] : memref<32768xf32, #tpu.memory_space<vmem>>[vector<16xi32>], vector<16xf32>,
        %parallel_loop3A_374 = arith.constant 16 : i32
        %parallel_loop3A_375 = arith.muli %parallel_loop3A_374, %parallel_loop3A_95 : i32
        %parallel_loop3A_376 = arith.constant 27 : i32
        %parallel_loop3A_377 = arith.index_cast %parallel_loop3A_376 : i32 to index
        %parallel_loop3A_378 = arith.index_cast %parallel_loop3A_375 : i32 to index
        %parallel_loop3A_379 = tpu.vector_load %arg9[%parallel_loop3A_377, %parallel_loop3A_378] {strides = array<i32>} : memref<32x1024xf32, #tpu.memory_space<vmem>>, vector<16xf32>,
        tpu.vector_store %arg9[%parallel_loop3A_377, %parallel_loop3A_378], %parallel_loop3A_373 {strides = array<i32>} : memref<32x1024xf32, #tpu.memory_space<vmem>>, vector<16xf32>,
        %parallel_loop3A_380 = arith.constant 28672 : i32
        %parallel_loop3A_381 = vector.broadcast %parallel_loop3A_380 : i32 to vector<16xi32>
        %parallel_loop3A_382 = arith.addi %parallel_loop3A_99, %parallel_loop3A_381 : vector<16xi32>
        %parallel_loop3A_383 = tpu.vector_load_idx %arg5[%parallel_loop3A_382] : memref<32768xf32, #tpu.memory_space<vmem>>[vector<16xi32>], vector<16xf32>,
        %parallel_loop3A_384 = arith.constant 16 : i32
        %parallel_loop3A_385 = arith.muli %parallel_loop3A_384, %parallel_loop3A_95 : i32
        %parallel_loop3A_386 = arith.constant 28 : i32
        %parallel_loop3A_387 = arith.index_cast %parallel_loop3A_386 : i32 to index
        %parallel_loop3A_388 = arith.index_cast %parallel_loop3A_385 : i32 to index
        %parallel_loop3A_389 = tpu.vector_load %arg9[%parallel_loop3A_387, %parallel_loop3A_388] {strides = array<i32>} : memref<32x1024xf32, #tpu.memory_space<vmem>>, vector<16xf32>,
        tpu.vector_store %arg9[%parallel_loop3A_387, %parallel_loop3A_388], %parallel_loop3A_383 {strides = array<i32>} : memref<32x1024xf32, #tpu.memory_space<vmem>>, vector<16xf32>,
        %parallel_loop3A_390 = arith.constant 29696 : i32
        %parallel_loop3A_391 = vector.broadcast %parallel_loop3A_390 : i32 to vector<16xi32>
        %parallel_loop3A_392 = arith.addi %parallel_loop3A_99, %parallel_loop3A_391 : vector<16xi32>
        %parallel_loop3A_393 = tpu.vector_load_idx %arg5[%parallel_loop3A_392] : memref<32768xf32, #tpu.memory_space<vmem>>[vector<16xi32>], vector<16xf32>,
        %parallel_loop3A_394 = arith.constant 16 : i32
        %parallel_loop3A_395 = arith.muli %parallel_loop3A_394, %parallel_loop3A_95 : i32
        %parallel_loop3A_396 = arith.constant 29 : i32
        %parallel_loop3A_397 = arith.index_cast %parallel_loop3A_396 : i32 to index
        %parallel_loop3A_398 = arith.index_cast %parallel_loop3A_395 : i32 to index
        %parallel_loop3A_399 = tpu.vector_load %arg9[%parallel_loop3A_397, %parallel_loop3A_398] {strides = array<i32>} : memref<32x1024xf32, #tpu.memory_space<vmem>>, vector<16xf32>,
        tpu.vector_store %arg9[%parallel_loop3A_397, %parallel_loop3A_398], %parallel_loop3A_393 {strides = array<i32>} : memref<32x1024xf32, #tpu.memory_space<vmem>>, vector<16xf32>,
        %parallel_loop3A_400 = arith.constant 30720 : i32
        %parallel_loop3A_401 = vector.broadcast %parallel_loop3A_400 : i32 to vector<16xi32>
        %parallel_loop3A_402 = arith.addi %parallel_loop3A_99, %parallel_loop3A_401 : vector<16xi32>
        %parallel_loop3A_403 = tpu.vector_load_idx %arg5[%parallel_loop3A_402] : memref<32768xf32, #tpu.memory_space<vmem>>[vector<16xi32>], vector<16xf32>,
        %parallel_loop3A_404 = arith.constant 16 : i32
        %parallel_loop3A_405 = arith.muli %parallel_loop3A_404, %parallel_loop3A_95 : i32
        %parallel_loop3A_406 = arith.constant 30 : i32
        %parallel_loop3A_407 = arith.index_cast %parallel_loop3A_406 : i32 to index
        %parallel_loop3A_408 = arith.index_cast %parallel_loop3A_405 : i32 to index
        %parallel_loop3A_409 = tpu.vector_load %arg9[%parallel_loop3A_407, %parallel_loop3A_408] {strides = array<i32>} : memref<32x1024xf32, #tpu.memory_space<vmem>>, vector<16xf32>,
        tpu.vector_store %arg9[%parallel_loop3A_407, %parallel_loop3A_408], %parallel_loop3A_403 {strides = array<i32>} : memref<32x1024xf32, #tpu.memory_space<vmem>>, vector<16xf32>,
        %parallel_loop3A_410 = arith.constant 31744 : i32
        %parallel_loop3A_411 = vector.broadcast %parallel_loop3A_410 : i32 to vector<16xi32>
        %parallel_loop3A_412 = arith.addi %parallel_loop3A_99, %parallel_loop3A_411 : vector<16xi32>
        %parallel_loop3A_413 = tpu.vector_load_idx %arg5[%parallel_loop3A_412] : memref<32768xf32, #tpu.memory_space<vmem>>[vector<16xi32>], vector<16xf32>,
        %parallel_loop3A_414 = arith.constant 16 : i32
        %parallel_loop3A_415 = arith.muli %parallel_loop3A_414, %parallel_loop3A_95 : i32
        %parallel_loop3A_416 = arith.constant 31 : i32
        %parallel_loop3A_417 = arith.index_cast %parallel_loop3A_416 : i32 to index
        %parallel_loop3A_418 = arith.index_cast %parallel_loop3A_415 : i32 to index
        %parallel_loop3A_419 = tpu.vector_load %arg9[%parallel_loop3A_417, %parallel_loop3A_418] {strides = array<i32>} : memref<32x1024xf32, #tpu.memory_space<vmem>>, vector<16xf32>,
        tpu.vector_store %arg9[%parallel_loop3A_417, %parallel_loop3A_418], %parallel_loop3A_413 {strides = array<i32>} : memref<32x1024xf32, #tpu.memory_space<vmem>>, vector<16xf32>,
      } {sc.loop_unroll_factor = 2 : i64, sc.parallel_access}
      %not3A_87 = arith.constant true
      %not3A_88 = arith.xori %eq3A_3, %not3A_87 : i1
      %convert_element_type3A_89 = arith.extui %not3A_88 : i1 to i32
      %cond3A_90 = arith.constant 0 : i32
      %cond3A_91 = arith.cmpi ne, %convert_element_type3A_89, %cond3A_90 : i32
      scf.if %cond3A_91 {
        %dma_start3A_95 = arith.constant 0 : i32
        %dma_start3A_96 = tpu.memref_slice %arg4[%add3A_64, %mul3A_2, %dma_start3A_95] : memref<50x1000x1024xf32, #tpu.memory_space<hbm>> -> memref<1x32x1024xf32, #tpu.memory_space<hbm>>
        %dma_start3A_97 = tpu.memref_squeeze %dma_start3A_96 : memref<1x32x1024xf32, #tpu.memory_space<hbm>> -> memref<32x1024xf32, #tpu.memory_space<hbm>>
        %dma_start3A_98 = arith.constant 0 : i32
        %dma_start3A_99 = tpu.memref_slice %arg4[%add3A_64, %mul3A_2, %dma_start3A_98] : memref<50x1000x1024xf32, #tpu.memory_space<hbm>> -> memref<1x32x1024xf32, #tpu.memory_space<hbm>>
        %dma_start3A_100 = tpu.memref_squeeze %dma_start3A_99 : memref<1x32x1024xf32, #tpu.memory_space<hbm>> -> memref<32x1024xf32, #tpu.memory_space<hbm>>
        tpu.enqueue_dma source(%arg9 : memref<32x1024xf32, #tpu.memory_space<vmem>>) target(%dma_start3A_100 : memref<32x1024xf32, #tpu.memory_space<hbm>>) target_semaphore(%arg13 : memref<!tpu.dma_semaphore, #tpu.memory_space<semaphore_mem>>)
      } else {
      }
      %convert_element_type3A_92 = arith.extui %eq3A_3 : i1 to i32
      %cond3A_93 = arith.constant 0 : i32
      %cond3A_94 = arith.cmpi ne, %convert_element_type3A_92, %cond3A_93 : i32
      scf.if %cond3A_94 {
        %dma_start3A_95 = arith.constant 0 : i32
        %dma_start3A_96 = arith.constant 0 : i32
        %dma_start3A_97 = tpu.memref_slice %arg9[%dma_start3A_95, %dma_start3A_96] : memref<32x1024xf32, #tpu.memory_space<vmem>> -> memref<8x1024xf32, #tpu.memory_space<vmem>>
        %dma_start3A_98 = arith.constant 0 : i32
        %dma_start3A_99 = tpu.memref_slice %arg4[%add3A_64, %mul3A_2, %dma_start3A_98] : memref<50x1000x1024xf32, #tpu.memory_space<hbm>> -> memref<1x8x1024xf32, #tpu.memory_space<hbm>>
        %dma_start3A_100 = tpu.memref_squeeze %dma_start3A_99 : memref<1x8x1024xf32, #tpu.memory_space<hbm>> -> memref<8x1024xf32, #tpu.memory_space<hbm>>
        %dma_start3A_101 = arith.constant 0 : i32
        %dma_start3A_102 = tpu.memref_slice %arg4[%add3A_64, %mul3A_2, %dma_start3A_101] : memref<50x1000x1024xf32, #tpu.memory_space<hbm>> -> memref<1x8x1024xf32, #tpu.memory_space<hbm>>
        %dma_start3A_103 = tpu.memref_squeeze %dma_start3A_102 : memref<1x8x1024xf32, #tpu.memory_space<hbm>> -> memref<8x1024xf32, #tpu.memory_space<hbm>>
        %dma_start3A_104 = arith.constant 0 : i32
        %dma_start3A_105 = arith.constant 0 : i32
        %dma_start3A_106 = tpu.memref_slice %arg9[%dma_start3A_104, %dma_start3A_105] : memref<32x1024xf32, #tpu.memory_space<vmem>> -> memref<8x1024xf32, #tpu.memory_space<vmem>>
        tpu.enqueue_dma source(%dma_start3A_106 : memref<8x1024xf32, #tpu.memory_space<vmem>>) target(%dma_start3A_103 : memref<8x1024xf32, #tpu.memory_space<hbm>>) target_semaphore(%arg13 : memref<!tpu.dma_semaphore, #tpu.memory_space<semaphore_mem>>)
      } else {
      }
    }
    %scan3A_16 = arith.constant 25 : i32
    %not3A = arith.constant true
    %not3A_17 = arith.xori %eq3A_3, %not3A : i1
    %convert_element_type3A = arith.extui %not3A_17 : i1 to i32
    %cond3A = arith.constant 0 : i32
    %cond3A_18 = arith.cmpi ne, %convert_element_type3A, %cond3A : i32
    scf.if %cond3A_18 {
      %dma_wait3A = arith.constant 0 : i32
      %dma_wait3A_30 = arith.constant 0 : i32
      %dma_wait3A_31 = arith.constant 0 : i32
      %dma_wait3A_32 = tpu.memref_slice %arg4[%dma_wait3A, %dma_wait3A_30, %dma_wait3A_31] : memref<50x1000x1024xf32, #tpu.memory_space<hbm>> -> memref<1x32x1024xf32, #tpu.memory_space<hbm>>
      %dma_wait3A_33 = tpu.memref_squeeze %dma_wait3A_32 : memref<1x32x1024xf32, #tpu.memory_space<hbm>> -> memref<32x1024xf32, #tpu.memory_space<hbm>>
      %dma_wait3A_34 = arith.constant 0 : i32
      %dma_wait3A_35 = arith.constant 0 : i32
      %dma_wait3A_36 = tpu.memref_slice %arg4[%dma_wait3A, %dma_wait3A_34, %dma_wait3A_35] : memref<50x1000x1024xf32, #tpu.memory_space<hbm>> -> memref<1x32x1024xf32, #tpu.memory_space<hbm>>
      %dma_wait3A_37 = tpu.memref_squeeze %dma_wait3A_36 : memref<1x32x1024xf32, #tpu.memory_space<hbm>> -> memref<32x1024xf32, #tpu.memory_space<hbm>>
      tpu.wait_dma2 semaphore(%arg12 : memref<!tpu.dma_semaphore, #tpu.memory_space<semaphore_mem>>) src(%arg8 : memref<32x1024xf32, #tpu.memory_space<vmem>>) dst(%dma_wait3A_37 : memref<32x1024xf32, #tpu.memory_space<hbm>>)
    } else {
    }
    %convert_element_type3A_19 = arith.extui %eq3A_3 : i1 to i32
    %cond3A_20 = arith.constant 0 : i32
    %cond3A_21 = arith.cmpi ne, %convert_element_type3A_19, %cond3A_20 : i32
    scf.if %cond3A_21 {
      %dma_wait3A = arith.constant 0 : i32
      %dma_wait3A_30 = arith.constant 0 : i32
      %dma_wait3A_31 = arith.constant 0 : i32
      %dma_wait3A_32 = tpu.memref_slice %arg8[%dma_wait3A_30, %dma_wait3A_31] : memref<32x1024xf32, #tpu.memory_space<vmem>> -> memref<8x1024xf32, #tpu.memory_space<vmem>>
      %dma_wait3A_33 = arith.constant 0 : i32
      %dma_wait3A_34 = arith.constant 0 : i32
      %dma_wait3A_35 = tpu.memref_slice %arg4[%dma_wait3A, %dma_wait3A_33, %dma_wait3A_34] : memref<50x1000x1024xf32, #tpu.memory_space<hbm>> -> memref<1x8x1024xf32, #tpu.memory_space<hbm>>
      %dma_wait3A_36 = tpu.memref_squeeze %dma_wait3A_35 : memref<1x8x1024xf32, #tpu.memory_space<hbm>> -> memref<8x1024xf32, #tpu.memory_space<hbm>>
      %dma_wait3A_37 = arith.constant 0 : i32
      %dma_wait3A_38 = arith.constant 0 : i32
      %dma_wait3A_39 = tpu.memref_slice %arg4[%dma_wait3A, %dma_wait3A_37, %dma_wait3A_38] : memref<50x1000x1024xf32, #tpu.memory_space<hbm>> -> memref<1x8x1024xf32, #tpu.memory_space<hbm>>
      %dma_wait3A_40 = tpu.memref_squeeze %dma_wait3A_39 : memref<1x8x1024xf32, #tpu.memory_space<hbm>> -> memref<8x1024xf32, #tpu.memory_space<hbm>>
      %dma_wait3A_41 = arith.constant 0 : i32
      %dma_wait3A_42 = arith.constant 0 : i32
      %dma_wait3A_43 = tpu.memref_slice %arg8[%dma_wait3A_41, %dma_wait3A_42] : memref<32x1024xf32, #tpu.memory_space<vmem>> -> memref<8x1024xf32, #tpu.memory_space<vmem>>
      tpu.wait_dma2 semaphore(%arg12 : memref<!tpu.dma_semaphore, #tpu.memory_space<semaphore_mem>>) src(%dma_wait3A_43 : memref<8x1024xf32, #tpu.memory_space<vmem>>) dst(%dma_wait3A_40 : memref<8x1024xf32, #tpu.memory_space<hbm>>)
    } else {
    }
    %not3A_22 = arith.constant true
    %not3A_23 = arith.xori %eq3A_3, %not3A_22 : i1
    %convert_element_type3A_24 = arith.extui %not3A_23 : i1 to i32
    %cond3A_25 = arith.constant 0 : i32
    %cond3A_26 = arith.cmpi ne, %convert_element_type3A_24, %cond3A_25 : i32
    scf.if %cond3A_26 {
      %dma_wait3A = arith.constant 0 : i32
      %dma_wait3A_30 = arith.constant 0 : i32
      %dma_wait3A_31 = arith.constant 0 : i32
      %dma_wait3A_32 = tpu.memref_slice %arg4[%dma_wait3A, %dma_wait3A_30, %dma_wait3A_31] : memref<50x1000x1024xf32, #tpu.memory_space<hbm>> -> memref<1x32x1024xf32, #tpu.memory_space<hbm>>
      %dma_wait3A_33 = tpu.memref_squeeze %dma_wait3A_32 : memref<1x32x1024xf32, #tpu.memory_space<hbm>> -> memref<32x1024xf32, #tpu.memory_space<hbm>>
      %dma_wait3A_34 = arith.constant 0 : i32
      %dma_wait3A_35 = arith.constant 0 : i32
      %dma_wait3A_36 = tpu.memref_slice %arg4[%dma_wait3A, %dma_wait3A_34, %dma_wait3A_35] : memref<50x1000x1024xf32, #tpu.memory_space<hbm>> -> memref<1x32x1024xf32, #tpu.memory_space<hbm>>
      %dma_wait3A_37 = tpu.memref_squeeze %dma_wait3A_36 : memref<1x32x1024xf32, #tpu.memory_space<hbm>> -> memref<32x1024xf32, #tpu.memory_space<hbm>>
      tpu.wait_dma2 semaphore(%arg13 : memref<!tpu.dma_semaphore, #tpu.memory_space<semaphore_mem>>) src(%arg9 : memref<32x1024xf32, #tpu.memory_space<vmem>>) dst(%dma_wait3A_37 : memref<32x1024xf32, #tpu.memory_space<hbm>>)
    } else {
    }
    %convert_element_type3A_27 = arith.extui %eq3A_3 : i1 to i32
    %cond3A_28 = arith.constant 0 : i32
    %cond3A_29 = arith.cmpi ne, %convert_element_type3A_27, %cond3A_28 : i32
    scf.if %cond3A_29 {
      %dma_wait3A = arith.constant 0 : i32
      %dma_wait3A_30 = arith.constant 0 : i32
      %dma_wait3A_31 = arith.constant 0 : i32
      %dma_wait3A_32 = tpu.memref_slice %arg9[%dma_wait3A_30, %dma_wait3A_31] : memref<32x1024xf32, #tpu.memory_space<vmem>> -> memref<8x1024xf32, #tpu.memory_space<vmem>>
      %dma_wait3A_33 = arith.constant 0 : i32
      %dma_wait3A_34 = arith.constant 0 : i32
      %dma_wait3A_35 = tpu.memref_slice %arg4[%dma_wait3A, %dma_wait3A_33, %dma_wait3A_34] : memref<50x1000x1024xf32, #tpu.memory_space<hbm>> -> memref<1x8x1024xf32, #tpu.memory_space<hbm>>
      %dma_wait3A_36 = tpu.memref_squeeze %dma_wait3A_35 : memref<1x8x1024xf32, #tpu.memory_space<hbm>> -> memref<8x1024xf32, #tpu.memory_space<hbm>>
      %dma_wait3A_37 = arith.constant 0 : i32
      %dma_wait3A_38 = arith.constant 0 : i32
      %dma_wait3A_39 = tpu.memref_slice %arg4[%dma_wait3A, %dma_wait3A_37, %dma_wait3A_38] : memref<50x1000x1024xf32, #tpu.memory_space<hbm>> -> memref<1x8x1024xf32, #tpu.memory_space<hbm>>
      %dma_wait3A_40 = tpu.memref_squeeze %dma_wait3A_39 : memref<1x8x1024xf32, #tpu.memory_space<hbm>> -> memref<8x1024xf32, #tpu.memory_space<hbm>>
      %dma_wait3A_41 = arith.constant 0 : i32
      %dma_wait3A_42 = arith.constant 0 : i32
      %dma_wait3A_43 = tpu.memref_slice %arg9[%dma_wait3A_41, %dma_wait3A_42] : memref<32x1024xf32, #tpu.memory_space<vmem>> -> memref<8x1024xf32, #tpu.memory_space<vmem>>
      tpu.wait_dma2 semaphore(%arg13 : memref<!tpu.dma_semaphore, #tpu.memory_space<semaphore_mem>>) src(%dma_wait3A_43 : memref<8x1024xf32, #tpu.memory_space<vmem>>) dst(%dma_wait3A_40 : memref<8x1024xf32, #tpu.memory_space<hbm>>)
    } else {
    }
    return
  }
}

</mosaic_0001>

<sc_bundles>
// kernel: kernel.3.cloned.1.call-start
scs
__scs_entry_jumppad:
0x0: {  	(pc) =	sbr.rel $0x88, $3  }
0x1: {  	(tag) =	ssettag $0x0;
	lr =	simm.s32 $0x1  }
0x2: {  	[smem:$0x3F9F] =	sst lr;
	_ =	strace $0xD0000000  }
0x3: {  	_ = 	snop  }
0x4: {  	_ = 	snop  }
0x5: {  	_ = 	snop  }
0x6: {  	_ = 	snop  }
0x7: {  	_ = 	snop  }
__scs_overlays_trampoline_lowered:
0x8: {  	[smem:$0x3FAE] =	sst s0  }
0x9: {  	[smem:$0x3FAF] =	sst s1  }
0xa: {  	[smem:$0x3FB0] =	sst s2  }
0xb: {  	[smem:$0x3FB1] =	sst s3  }
0xc: {  	[smem:$0x3FB2] =	sst s4  }
0xd: {  	[smem:$0x3FB3] =	sst s5  }
0xe: {  	[smem:$0x3FB4] =	sst s6  }
0xf: {  	[smem:$0x3FB5] =	sst s7  }
0x10: {  	[smem:$0x3FB6] =	sst s8  }
0x11: {  	[smem:$0x3FB7] =	sst s9;
	s0 =	simm.s32 @!p0 $0x0  }
0x12: {  	s1 =	sld [smem:$0x3F9D];
	s0 =	simm.s32 @p0 $0x1  }
0x13: {  	[smem:$0x3FB8] =	sst s0;
	s0 =	simm.s32 @!p1 $0x0  }
0x14: {  	s2 =	sld [smem:$0x3F9C];
	s0 =	simm.s32 @p1 $0x1  }
0x15: {  	[smem:$0x3FB9] =	sst s0;
	s0 =	simm.s32 @!p2 $0x0  }
0x16: {  	s3 =	sld [smem:$0x3FDB];
	s0 =	simm.s32 @p2 $0x1  }
0x17: {  	s4 =	simm.s32 $0x1BF5;
	[smem:$0x3FBB] =	sst s0  }
0x18: {  	s0 =	sld [smem:$0x3F9E];
	_ =	swait.ge [sflag:s4], $0x0  }
0x19: {  	s7 =	sld [smem:$0x3F9F]  }
0x1a: {  	s8 =	sadd.s32 $0xFFFFE003, lr  }
0x1b: {  	s9 =	sadd.s32 $0xFFFFFEF7, lr;
	s5 =	simm.s32 $0xFFFFFFFF;
	p2 =	slt.u32 s8, $0xFFFFF086  }
0x1c: {  	p1 =	slt.u32 s9, $0xF7A;
	s5 =	simm.s32 @!p2 $0x0  }
0x1d: {  	s5 =	simm.s32 @p1 $0x1;
	p0 =	seq.s32 s7, s2  }
0x1e: {  	s7 =	smul.u32 @!p0 $0xF7A, s2;
	p2 =	seq.s32 @!p0 s5, $0x0  }
0x1f: {  	s9 =	smul.u32 $0xF7A, s1;
	s8 =	simm.s32 @!p0 $0x1BF5;
	p2 =	por !p2, p0  }
0x20: {  	[sflag:s8] =	ssyncset.s32 @!p0 $0xFFFFF086;
	s6 =	sadd.s32 @!p0 s3, s7;
	s7 =	simm.s32 @!p0 $0x108  }
0x21: {  	s3 =	sadd.s32 s3, s9;
	s6 =	sadd.s32 @!p0 $0x88, s6;
	s7 =	simm.s32 @p2 $0x1082  }
0x22: {  	[simem:s7], [sflag:s8] =	dma.local @!p0 [hbm:s6], $0xF7A  }
0x23: {  	s9 =	sor.u32 $0xD0000000, s2;
	s6 =	simm.s32 $0x108;
	_ =	swait.ge @!p0 [sflag:s8], $0x0  }
0x24: {  	s3 =	sadd.s32 $0x88, s3;
	s6 =	simm.s32 @!p1 $0x1082;
	[sflag:s4] =	ssyncset.s32 $0xFFFFF086  }
0x25: {  	[simem:s6], [sflag:s4] =	dma.local [hbm:s3], $0xF7A  }
0x26: {  	[smem:$0x3F9F] =	sst s1;
	(tag) =	ssettag s2;
	_ =	strace s9  }
0x27: {  	s1 =	sld [smem:$0x3FAF]  }
0x28: {  	s2 =	sld [smem:$0x3FB0]  }
0x29: {  	s4 =	sld [smem:$0x3FB2]  }
0x2a: {  	p0 =	seq.s32 s5, $0x0;
	s5 =	sld [smem:$0x3FB3]  }
0x2b: {  	s6 =	sld [smem:$0x3FB4]  }
0x2c: {  	s7 =	sld [smem:$0x3FB5]  }
0x2d: {  	s3 =	simm.s32 $0x108;
	s8 =	sld [smem:$0x3FB6]  }
0x2e: {  	s3 =	simm.s32 @!p0 $0x1082;
	s9 =	sld [smem:$0x3FB7]  }
0x2f: {  	lr =	sadd.s32 s0, s3;
	s0 =	sld [smem:$0x3FAE]  }
0x30: {  	s3 =	sld [smem:$0x3FB1]  }
0x31: {  	[smem:$0x3FBA] =	sst s10  }
0x32: {  	s10 =	sld [smem:$0x3FB8];
	_ =	sdelay $0x3  }
0x33: {  	p0 =	seq.s32 s10, $0x1;
	s10 =	sld [smem:$0x3FBA];
	_ =	sdelay $0x3  }
0x34: {  	[smem:$0x3FBA] =	sst s10  }
0x35: {  	s10 =	sld [smem:$0x3FB9];
	_ =	sdelay $0x3  }
0x36: {  	p1 =	seq.s32 s10, $0x1;
	s10 =	sld [smem:$0x3FBA];
	_ =	sdelay $0x3  }
0x37: {  	[smem:$0x3FBA] =	sst s10  }
0x38: {  	s10 =	sld [smem:$0x3FBB]  }
0x39: {  	_ = 	snop;
	(pc) =	sbr.ind lr, $3  }
0x3a: {  	_ = 	snop  }
0x3b: {  	_ = 	snop  }
0x3c: {  	p2 =	seq.s32 s10, $0x1;
	s10 =	sld [smem:$0x3FBA]  }
0x3d: {  	_ =	shalt  }
0x3e: {  	_ =	shalt  }
0x3f: {  	_ =	shalt  }
0x40: {  	_ =	shalt  }
0x41: {  	_ =	shalt  }
0x42: {  	_ =	shalt  }
0x43: {  	_ =	shalt  }
0x44: {  	_ =	shalt  }
0x45: {  	_ =	shalt  }
0x46: {  	_ =	shalt  }
0x47: {  	_ =	shalt  }
0x48: {  	_ =	shalt  }
0x49: {  	_ =	shalt  }
0x4a: {  	_ =	shalt  }
0x4b: {  	_ =	shalt  }
0x4c: {  	_ =	shalt  }
0x4d: {  	_ =	shalt  }
0x4e: {  	_ =	shalt  }
0x4f: {  	_ =	shalt  }
0x50: {  	_ =	shalt  }
0x51: {  	_ =	shalt  }
0x52: {  	_ =	shalt  }
0x53: {  	_ =	shalt  }
0x54: {  	_ =	shalt  }
0x55: {  	_ =	shalt  }
0x56: {  	_ =	shalt  }
0x57: {  	_ =	shalt  }
0x58: {  	_ =	shalt  }
0x59: {  	_ =	shalt  }
0x5a: {  	_ =	shalt  }
0x5b: {  	_ =	shalt  }
0x5c: {  	_ =	shalt  }
0x5d: {  	_ =	shalt  }
0x5e: {  	_ =	shalt  }
0x5f: {  	_ =	shalt  }
0x60: {  	_ =	shalt  }
0x61: {  	_ =	shalt  }
0x62: {  	_ =	shalt  }
0x63: {  	_ =	shalt  }
0x64: {  	_ =	shalt  }
0x65: {  	_ =	shalt  }
0x66: {  	_ =	shalt  }
0x67: {  	_ =	shalt  }
0x68: {  	_ =	shalt  }
0x69: {  	_ =	shalt  }
0x6a: {  	_ =	shalt  }
0x6b: {  	_ =	shalt  }
0x6c: {  	_ =	shalt  }
0x6d: {  	_ =	shalt  }
0x6e: {  	_ =	shalt  }
0x6f: {  	_ =	shalt  }
0x70: {  	_ =	shalt  }
0x71: {  	_ =	shalt  }
0x72: {  	_ =	shalt  }
0x73: {  	_ =	shalt  }
0x74: {  	_ =	shalt  }
0x75: {  	_ =	shalt  }
0x76: {  	_ =	shalt  }
0x77: {  	_ =	shalt  }
0x78: {  	_ =	shalt  }
0x79: {  	_ =	shalt  }
0x7a: {  	_ =	shalt  }
0x7b: {  	_ =	shalt  }
0x7c: {  	_ =	shalt  }
0x7d: {  	_ =	shalt  }
0x7e: {  	_ =	shalt  }
0x7f: {  	_ =	shalt  }
0x80: {  	_ =	shalt  }
0x81: {  	_ =	shalt  }
0x82: {  	_ =	shalt  }
0x83: {  	_ =	shalt  }
0x84: {  	_ =	shalt  }
0x85: {  	_ =	shalt  }
0x86: {  	_ =	shalt  }
0x87: {  	_ =	shalt  }
.Lfunc_end0:
.L_simem_size_0:
called_computation_lowered:
.L_overlay_start_0:
0x88: {  	s2 =	sld [smem:$0x3FD9]  }
0x89: {  	s3 =	sld [smem:$0x3FFE];
	_ =	sdelay $0x1  }
0x8a: {  	s1 =	srdreg.scid  }
0x8b: {  	s0 =	sand.u32 $0x1, s1  }
0x8c: {  	s17 =	sshll.u32 s0, $0xA;
	s2 =	sadd.s32 s3, s2  }
0x8d: {  	s2 =	sadd.s32 s2, s17  }
0x8e: {  	[smem:$0x3FC6] =	sst s2  }
0x8f: {  	_ = 	snop  }
0x90: {  	s2 =	sld [smem:$0x3FC9]  }
0x91: {  	s18 =	sld [smem:$0x3FD0];
	(tm) =	ssettm $0x1  }
0x92: {  	s4 =	sld [smem:$0x3FFB];
	_ =	sdelay $0x3  }
0x93: {  	_ =	strace s4  }
0x94: {  	s4 =	sld [smem:$0x3FFC];
	_ =	sdelay $0x3  }
0x95: {  	_ =	strace s4  }
0x96: {  	s4 =	sld [smem:$0x3FFD];
	_ =	sdelay $0x3  }
0x97: {  	_ =	strace s4  }
0x98: {  	_ =	strace $0x8FFFFFFF  }
0x99: {  	s19 =	sld [smem:$0x3FDB];
	_ =	sdelay $0x1  }
0x9a: {  	s5 =	simm.s32 $_scs_section_size  }
0x9b: {  	s6 =	simm.s32 $_size__tile_overlayer_lowered;
	s7 =	simm.s32 $_tile_overlayer_lowered  }
0x9c: {  	s22 =	simm.s32 $0x1BFF;
	s21 =	sshll.u32 s7, $0x1;
	s4 =	sadd.s32 s5, s19  }
0x9d: {  	s8 =	simm.s32 $0x0;
	s20 =	sshll.u32 s6, $0x1;
	s6 =	sadd.s32 s21, s4  }
0x9e: {  	[timem:s8], [sflag:s22] =	dma.local [hbm:s6], s20  }
0x9f: {  	_ =	swait.ge [sflag:s22], s20  }
0xa0: {  	s5 =	ssub.s32 $0x0, s20;
	[sflag:s22] =	ssyncset.done $0x0  }
0xa1: {  	[sflag:s22] =	ssyncadd.s32 s5;
	_ =	sdelay $0x1  }
0xa2: {  	s23 =	simm.s32 $0x1B8B  }
0xa3: {  	_ =	swait.ge [sflag:s23], $0x1  }
0xa4: {  	[sflag:s23] =	ssyncset.done $0x0  }
0xa5: {  	s25 =	simm.s32 $0x1B8E;
	s24 =	sld [smem:$0x3FFE];
	[sflag:s23] =	ssyncadd.s32 $0xFFFFFFFF  }
0xa6: {  	s26 =	simm.s32 $execute0_lowered;
	[smem:$0x3FD2] =	sst s25  }
0xa7: {  	s6 =	sshll.u32 s26, $0x1;
	_ =	strace $0x80000046;
	[dreg:$0x1] =	wrdreg $0xFFFFFFFF  }
0xa8: {  	s28 =	simm.s32 $_size_execute0_lowered;
	s4 =	sadd.s32 s4, s6;
	[dreg:$0x0] =	wrdreg $0x0  }
0xa9: {  	s6 =	sshll.u32 s28, $0x1;
	[dreg:$0x2] =	wrdreg s4  }
0xaa: {  	[dreg:$0x3] =	wrdreg s6  }
0xab: {  	[dreg:$0x4] =	wrdreg $0xC0  }
0xac: {  	_ =	task [dreg:s8], $0x5FFFF  }
0xad: {  	[dreg:$0x1] =	wrdreg $0xFFFFFFFF  }
0xae: {  	[dreg:$0x0] =	wrdreg $0x60  }
0xaf: {  	[dreg:$0x2] =	wrdreg s24  }
0xb0: {  	[dreg:$0x3] =	wrdreg s2  }
0xb1: {  	[dreg:$0x4] =	wrdreg s18  }
0xb2: {  	[dreg:$0x5] =	wrdreg $0x9  }
0xb3: {  	_ =	task.clear_ibuf [dreg:s8], $0x6FFFF;
	_ =	strace $0x90000046  }
0xb4: {  	s29 =	simm.s32 $0x9;
	_ =	strace $0x80000048  }
0xb5: {  	_ =	swait.ge [sflag:s29], $0x1  }
0xb6: {  	[sflag:s29] =	ssyncadd.s32 $0xFFFFFFFF  }
0xb7: {  	_ =	strace $0x90000048  }
0xb8: {  	_ =	sfence  }
0xb9: {  	s30 =	sld [smem:$0x0];
	_ =	sdelay $0x2  }
0xba: {  	s31 =	sshll.u32 s1, $0xD;
	s1 =	sshrl.u32 s1, $0x2  }
0xbb: {  	s3 =	sand.u32 $0x4000, s31;
	s1 =	sadd.s32 s1, s30  }
0xbc: {  	s0 =	sor.u32 s3, s0;
	s1 =	sshll.u32 s1, $0x11  }
0xbd: {  	s0 =	sor.u32 s1, s0  }
0xbe: {  	s0 =	sadd.s32 $0x8F2B, s0  }
0xbf: {  	[sflag:s0] =	ssyncadd.remote.s32 $0x1  }
0xc0: {  	_ =	sfence.sel $0xFFFF  }
0xc1: {  	[dreg:$0x0] =	wrdreg $0xFFFFFFFF;
	(pc) =	sbr.abs _section_cstart, $3  }
0xc2: {  	[dreg:$0x1] =	wrdreg $0xFFFFFFFF  }
0xc3: {  	_ =	task.clear_ibuf [dreg:s8], $0x2FFFF;
	_ =	strace $0x9FFFFFFF  }
0xc4: {  	(tm) =	ssettm $0x7FFFFFFF  }
0xc5: {  	_ =	shalt  }
tec
execute0_lowered:
.L_overlay_start_1:
0x0: {  	(tag) =	ssettag $0x1  }
0x1: {  	s0 =	rddreg [dreg:$0x0]  }
0x2: {  	s1 =	srdreg.scid;
	s2 =	stileid.u32;
	s5 =	simm.s32 $0x0  }
0x3: {  	s1 =	sand.u32 $0x1, s1;
	s2 =	sshll.u32 s2, $0x1;
	[smem:$0x7FF] =	sst s5  }
0x4: {  	s3 =	sor.u32 s1, s2;
	s1 =	ssub.s32 $0x2, s1;
	_ =	strace $0x80000047  }
.Ltmp0:
0x5: {  	s2 =	sshll.u32 s3, $0xC;
	s29 =	sshrl.u32 s1, $0x1;
	(pc) =	sbr.rel .LBB2_1-.Ltmp0, $4  }
0x6: {  	s30 =	sshll.u32 s3, $0xF;
	[dreg:$0x4] =	wrdreg s3;
	s0 =	sadd.s32 s2, s0  }
0x7: {  	s1 =	ssub.s32 s1, s29;
	[dreg:$0x6] =	wrdreg s30;
	s0 =	sadd.s32 $0x400, s0  }
0x8: {  	p0 =	seq.s32 s3, $0x1F;
	s31 =	smax.u32 s1, $0x1;
	[dreg:$0x5] =	wrdreg s0  }
0x9: {  	p1 =	sne.s32 s3, $0x1F;
	s1 =	simm.s32 $0x0;
	[dreg:$0x7] =	wrdreg s31  }
.LBB2_12:
0xa: {  	s0 =	simm.s32 $0x3  }
0xb: {  	_ =	swait.ge [sflag:s0], $0x8000  }
0xc: {  	[sflag:s0] =	ssyncset.done $0x0  }
0xd: {  	s31 =	simm.s32 $0x4;
	[sflag:s0] =	ssyncadd.s32 $0xFFFF8000  }
0xe: {  	_ =	swait.ge [sflag:s31], $0x8000  }
0xf: {  	[sflag:s31] =	ssyncset.done $0x0  }
0x10: {  	s1 =	rddreg [dreg:$0x8];
	[sflag:s31] =	ssyncadd.s32 $0xFFFF8000  }
.LBB2_13:
0x11: {  	s1 =	sadd.s32 $0x1, s1;
	s0 =	rddreg [dreg:$0x7]  }
0x12: {  	p2 =	sne.s32 s1, s0  }
.Ltmp1:
0x13: {  	_ = 	snop;
	(pc) =	sbr.rel @!p2 .LBB2_14-.Ltmp1, $1  }
0x14: {  	_ =	sdelay $0x3  }
.LBB2_1:
0x15: {  	[dreg:$0x8] =	wrdreg s1  }
0x16: {  	s0 =	rddreg [dreg:$0x5];
	s30 =	simm.s32 $0x5  }
0x17: {  	[tilespmem:s5], [sflag:$0x5] =	stream.linear.gather [hbm4b:s0+s5], $0x8000, $0x38;
	[tilespmem:$0x18800] =	vst v63  }
.Ltmp2:
0x18: {  	_ =	swait.ge [sflag:s30], $0x8000;
	(pc) =	sbr.rel .LBB2_2-.Ltmp2, $4  }
0x19: {  	[sflag:s30] =	ssyncset.done $0x0  }
0x1a: {  	s31 =	simm.s32 $0x80;
	s2 =	simm.s32 $0x400;
	[sflag:s30] =	ssyncadd.s32 $0xFFFF8000  }
0x1b: {  	s3 =	simm.s32 $0x8000;
	s20 =	simm.s32 $0x0;
	s0 =	rddreg [dreg:$0x1]  }
0x1c: {  	[tilespmem:s3], [sflag:$0x1] =	stream.strided.gather [hbm4b:s0+s31], $0x400, s2, s31, $0x38;
	[tilespmem:$0x18800] =	vst v63  }
.LBB2_11:
0x1d: {  	p2 =	sne.s32 s20, $0x19  }
.Ltmp3:
0x1e: {  	s1 =	rddreg [dreg:$0x6];
	(pc) =	sbr.rel @!p2 .LBB2_12-.Ltmp3, $4  }
0x1f: {  	s0 =	sadd.s32 s1, s0  }
0x20: {  	s30 =	rddreg [dreg:$0x2];
	s0 =	sshrl.u32 s0, $0x3  }
0x21: {  	s31 =	simm.s32 $0x10800;
	s0 =	sadd.s32 s30, s0  }
0x22: {  	[hbm4b:s0+s5] =	stream.linear.scatter [tilespmem:s31], [sflag:$0x4], $0x8000, $0x38;
	[tilespmem:$0x18800] =	vst v63  }
.LBB2_2:
0x23: {  	s3 =	simm.s32 $0x1  }
0x24: {  	s1 =	sshllo.u32 s20, $0x1;
	s0 =	sshll.u32 s20, $0x8;
	_ =	swait.ge [sflag:s3], $0x400  }
0x25: {  	s23 =	simm.s32 $0x80;
	[dreg:$0x9] =	wrdreg s1;
	[sflag:s3] =	ssyncset.done $0x0  }
0x26: {  	s0 =	sand.u32 $0x1C00, s0;
	s1 =	sshll.u32 s1, $0x4;
	s2 =	rddreg [dreg:$0x1]  }
0x27: {  	s24 =	simm.s32 $0x400;
	s1 =	sand.u32 $0x70, s1;
	s0 =	sadd.s32 s2, s0  }
0x28: {  	s25 =	simm.s32 $0x8400;
	[sflag:s3] =	ssyncadd.s32 $0xFFFFFC00;
	s0 =	sadd.s32 s1, s0  }
0x29: {  	[tilespmem:s25], [sflag:$0x2] =	stream.strided.gather [hbm4b:s0+s23], $0x400, s24, s23, $0x38;
	[tilespmem:$0x18800] =	vst v63  }
0x2a: {  	p2 =	seq.s32 s20, $0x0;
	s0 =	rddreg [dreg:$0x4]  }
0x2b: {  	p3 =	seq.s32 @!p2 s0, $0x1F  }
0x2c: {  	p4 =	por !p3, p2  }
0x2d: {  	s0 =	simm.s32 @!p4 $0x3  }
0x2e: {  	_ =	swait.ge @!p4 [sflag:s0], $0x2000  }
0x2f: {  	p2 =	por p3, p2;
	[sflag:s0] =	ssyncset.done @!p4 $0x0  }
0x30: {  	s26 =	simm.s32 $0x0;
	[sflag:s0] =	ssyncadd.s32 @!p4 $0xFFFFE000;
	s0 =	simm.s32 @!p2 $0x3  }
0x31: {  	s12 =	sand.u32 $0x60, s26;
	_ =	swait.ge @!p2 [sflag:s0], $0x8000  }
0x32: {  	s30 =	sand.u32 $0x380, s26;
	s6 =	sor.u32 $0x10, s12;
	[sflag:s0] =	ssyncset.done @!p2 $0x0  }
0x33: {  	s3 =	sor.u32 s6, s30;
	[sflag:s0] =	ssyncadd.s32 @!p2 $0xFFFF8000  }
0x34: {  	v7 =	vld [tilespmem:s3+$0x8000];
	_ =	sdelay $0x7  }
0x35: {  	v0 =	vld.idx.msk [tilespmem:v7+s5+$0x0], $0xffff  }
0x36: {  	s4 =	simm.s32 $0x8000;
	v1 =	vadd.s32 $0x400, v7  }
0x37: {  	s8 =	sand.u32 $0x1C00, s26;
	v2 =	vld [tilespmem:s4+$0x0]  }
0x38: {  	s7 =	sadd.s32 $0x8800, s8  }
0x39: {  	s9 =	sor.u32 s6, s7  }
0x3a: {  	[tilespmem:s9+$0x0] =	vst v0  }
0x3b: {  	v0 =	vld.idx.msk [tilespmem:v1+s5+$0x0], $0xffff  }
0x3c: {  	v1 =	vadd.s32 $0x800, v7;
	_ =	sdelay $0x2  }
0x3d: {  	v3 =	vld.idx.msk [tilespmem:v2+s5+$0x0], $0xffff  }
0x3e: {  	[tilespmem:s9+$0x80] =	vst v0;
	v0 =	vadd.s32 $0x400, v2  }
0x3f: {  	v1 =	vld.idx.msk [tilespmem:v1+s5+$0x0], $0xffff  }
0x40: {  	v4 =	vadd.s32 $0xC00, v7  }
0x41: {  	s10 =	sor.u32 s12, s7  }
0x42: {  	[tilespmem:s10+$0x0] =	vst v3  }
0x43: {  	v0 =	vld.idx.msk [tilespmem:v0+s5+$0x0], $0xffff  }
0x44: {  	[tilespmem:s9+$0x100] =	vst v1;
	v1 =	vadd.s32 $0x800, v2  }
0x45: {  	v3 =	vld.idx.msk [tilespmem:v4+s5+$0x0], $0xffff  }
0x46: {  	v4 =	vadd.s32 $0x1000, v7;
	_ =	sdelay $0x1  }
0x47: {  	[tilespmem:s10+$0x80] =	vst v0  }
0x48: {  	v0 =	vld.idx.msk [tilespmem:v1+s5+$0x0], $0xffff  }
0x49: {  	v1 =	vadd.s32 $0xC00, v2;
	[tilespmem:s9+$0x180] =	vst v3  }
0x4a: {  	v3 =	vld.idx.msk [tilespmem:v4+s5+$0x0], $0xffff  }
0x4b: {  	v4 =	vadd.s32 $0x1400, v7;
	_ =	sdelay $0x1  }
0x4c: {  	[tilespmem:s10+$0x100] =	vst v0  }
0x4d: {  	v0 =	vld.idx.msk [tilespmem:v1+s5+$0x0], $0xffff  }
0x4e: {  	v1 =	vadd.s32 $0x1000, v2;
	[tilespmem:s9+$0x200] =	vst v3  }
0x4f: {  	v3 =	vld.idx.msk [tilespmem:v4+s5+$0x0], $0xffff  }
0x50: {  	v4 =	vadd.s32 $0x1800, v7;
	_ =	sdelay $0x1  }
0x51: {  	[tilespmem:s10+$0x180] =	vst v0  }
0x52: {  	v0 =	vld.idx.msk [tilespmem:v1+s5+$0x0], $0xffff  }
0x53: {  	v1 =	vadd.s32 $0x1400, v2;
	[tilespmem:s9+$0x280] =	vst v3  }
0x54: {  	s11 =	sand.u32 $0x3, s26;
	v3 =	vld.idx.msk [tilespmem:v4+s5+$0x0], $0xffff  }
0x55: {  	s0 =	sshll.u32 s11, $0x5;
	v4 =	vadd.s32 $0x1C00, v7  }
0x56: {  	s13 =	sadd.s32 $0x0, s0  }
0x57: {  	s4 =	sadd.s32 $0x10, s13;
	[tilespmem:s10+$0x200] =	vst v0  }
0x58: {  	s14 =	sor.u32 $0x300, s4;
	v0 =	vld.idx.msk [tilespmem:v1+s5+$0x0], $0xffff  }
0x59: {  	v1 =	vadd.s32 $0x1800, v2;
	[tilespmem:s14+$0x8800] =	vst v3  }
0x5a: {  	v3 =	vld.idx.msk [tilespmem:v4+s5+$0x0], $0xffff  }
0x5b: {  	s0 =	simm.s32 $0x20;
	v4 =	vadd.s32 $0x2000, v7  }
0x5c: {  	s22 =	sand.u32 $0x60, s0  }
0x5d: {  	s16 =	sand.u32 $0x380, s0;
	s23 =	sor.u32 $0x10, s22;
	[tilespmem:s10+$0x280] =	vst v0  }
0x5e: {  	s15 =	sor.u32 $0x380, s4;
	s3 =	sor.u32 s23, s16;
	v1 =	vld.idx.msk [tilespmem:v1+s5+$0x0], $0xffff  }
0x5f: {  	v0 =	vld [tilespmem:s3+$0x8000];
	[tilespmem:s15+$0x8800] =	vst v3;
	v3 =	vadd.s32 $0x1C00, v2  }
0x60: {  	v4 =	vld.idx.msk [tilespmem:v4+s5+$0x0], $0xffff  }
0x61: {  	v5 =	vadd.s32 $0x2400, v7  }
0x62: {  	s2 =	sor.u32 $0x300, s13  }
0x63: {  	s17 =	sadd.s32 $0xA800, s8;
	[tilespmem:s2+$0x8800] =	vst v1  }
0x64: {  	s18 =	simm.s32 $0x8020;
	s19 =	sor.u32 s6, s17;
	v3 =	vld.idx.msk [tilespmem:v3+s5+$0x0], $0xffff  }
0x65: {  	v6 =	vadd.s32 $0x2000, v2;
	v1 =	vld [tilespmem:s18+$0x0];
	[tilespmem:s19+$0x0] =	vst v4  }
0x66: {  	v4 =	vld.idx.msk [tilespmem:v5+s5+$0x0], $0xffff  }
0x67: {  	s1 =	sor.u32 s26, s26;
	v5 =	vadd.s32 $0x2800, v7  }
0x68: {  	s1 =	sor.u32 $0x380, s1;
	v8 =	vld.idx.msk [tilespmem:v0+s5+$0x0], $0xffff  }
0x69: {  	s7 =	sadd.s32 $0xA880, s8;
	s2 =	simm.s32 $0x100;
	[tilespmem:s1+$0x8800] =	vst v3;
	v3 =	vadd.s32 $0x400, v0  }
0x6a: {  	s21 =	sor.u32 s6, s7;
	s24 =	sand.u32 $0x1C00, s2;
	v6 =	vld.idx.msk [tilespmem:v6+s5+$0x0], $0xffff  }
0x6b: {  	v9 =	vadd.s32 $0x2400, v2;
	s25 =	sadd.s32 $0x8800, s24;
	[tilespmem:s21+$0x0] =	vst v4  }
0x6c: {  	s26 =	sor.u32 s23, s25;
	v4 =	vld.idx.msk [tilespmem:v5+s5+$0x0], $0xffff  }
0x6d: {  	[tilespmem:s26+$0x0] =	vst v8;
	v8 =	vadd.s32 $0x2C00, v7;
	v5 =	vld.idx.msk [tilespmem:v1+s5+$0x0], $0xffff  }
0x6e: {  	s4 =	sor.u32 s12, s17;
	v10 =	vadd.s32 $0x400, v1;
	v3 =	vld.idx.msk [tilespmem:v3+s5+$0x0], $0xffff  }
0x6f: {  	s30 =	sadd.s32 $0xA900, s8;
	[tilespmem:s4+$0x0] =	vst v6;
	v6 =	vadd.s32 $0x800, v0  }
0x70: {  	s9 =	sor.u32 s6, s30;
	v9 =	vld.idx.msk [tilespmem:v9+s5+$0x0], $0xffff  }
0x71: {  	v11 =	vadd.s32 $0x2800, v2;
	s1 =	sor.u32 s22, s25;
	[tilespmem:s9+$0x0] =	vst v4  }
0x72: {  	[tilespmem:s1+$0x0] =	vst v5;
	v4 =	vld.idx.msk [tilespmem:v8+s5+$0x0], $0xffff  }
0x73: {  	v5 =	vld.idx.msk [tilespmem:v10+s5+$0x0], $0xffff;
	[tilespmem:s26+$0x80] =	vst v3;
	v3 =	vadd.s32 $0x3000, v7  }
0x74: {  	s7 =	sor.u32 s12, s7;
	v8 =	vadd.s32 $0x800, v1;
	v6 =	vld.idx.msk [tilespmem:v6+s5+$0x0], $0xffff  }
0x75: {  	s10 =	sadd.s32 $0xA980, s8;
	[tilespmem:s7+$0x0] =	vst v9;
	v9 =	vadd.s32 $0xC00, v0  }
0x76: {  	s11 =	sor.u32 s6, s10;
	v10 =	vld.idx.msk [tilespmem:v11+s5+$0x0], $0xffff  }
0x77: {  	v11 =	vadd.s32 $0x2C00, v2;
	[tilespmem:s11+$0x0] =	vst v4  }
0x78: {  	[tilespmem:s1+$0x80] =	vst v5;
	v3 =	vld.idx.msk [tilespmem:v3+s5+$0x0], $0xffff  }
0x79: {  	v5 =	vadd.s32 $0x3400, v7;
	v4 =	vld.idx.msk [tilespmem:v8+s5+$0x0], $0xffff;
	[tilespmem:s26+$0x100] =	vst v6  }
0x7a: {  	s4 =	sor.u32 s12, s30;
	v6 =	vadd.s32 $0xC00, v1;
	v8 =	vld.idx.msk [tilespmem:v9+s5+$0x0], $0xffff  }
0x7b: {  	s13 =	sadd.s32 $0xAA00, s8;
	v9 =	vadd.s32 $0x1000, v0;
	[tilespmem:s4+$0x0] =	vst v10  }
0x7c: {  	s14 =	sor.u32 s6, s13;
	v10 =	vld.idx.msk [tilespmem:v11+s5+$0x0], $0xffff  }
0x7d: {  	v11 =	vadd.s32 $0x3000, v2;
	[tilespmem:s14+$0x0] =	vst v3  }
0x7e: {  	[tilespmem:s1+$0x100] =	vst v4;
	v3 =	vld.idx.msk [tilespmem:v5+s5+$0x0], $0xffff  }
0x7f: {  	v4 =	vld.idx.msk [tilespmem:v6+s5+$0x0], $0xffff;
	v5 =	vadd.s32 $0x3800, v7;
	[tilespmem:s26+$0x180] =	vst v8  }
0x80: {  	s7 =	sor.u32 s12, s10;
	v6 =	vadd.s32 $0x1000, v1;
	v8 =	vld.idx.msk [tilespmem:v9+s5+$0x0], $0xffff  }
0x81: {  	s15 =	sadd.s32 $0xAA80, s8;
	v9 =	vadd.s32 $0x1400, v0;
	[tilespmem:s7+$0x0] =	vst v10  }
0x82: {  	s16 =	sor.u32 s6, s15;
	v10 =	vld.idx.msk [tilespmem:v11+s5+$0x0], $0xffff  }
0x83: {  	v11 =	vadd.s32 $0x3400, v2;
	[tilespmem:s16+$0x0] =	vst v3  }
0x84: {  	[tilespmem:s1+$0x180] =	vst v4;
	v3 =	vld.idx.msk [tilespmem:v5+s5+$0x0], $0xffff  }
0x85: {  	v4 =	vld.idx.msk [tilespmem:v6+s5+$0x0], $0xffff;
	v5 =	vadd.s32 $0x3C00, v7;
	[tilespmem:s26+$0x200] =	vst v8  }
0x86: {  	s4 =	sor.u32 s12, s13;
	v6 =	vadd.s32 $0x1400, v1;
	v8 =	vld.idx.msk [tilespmem:v9+s5+$0x0], $0xffff  }
0x87: {  	s17 =	sadd.s32 $0xAB00, s8;
	v9 =	vadd.s32 $0x1800, v0;
	[tilespmem:s4+$0x0] =	vst v10  }
0x88: {  	s18 =	sor.u32 s6, s17;
	v10 =	vld.idx.msk [tilespmem:v11+s5+$0x0], $0xffff  }
0x89: {  	v11 =	vadd.s32 $0x3800, v2;
	[tilespmem:s18+$0x0] =	vst v3  }
0x8a: {  	[tilespmem:s1+$0x200] =	vst v4;
	v3 =	vld.idx.msk [tilespmem:v5+s5+$0x0], $0xffff  }
0x8b: {  	s19 =	simm.s32 $0x1;
	v4 =	vld.idx.msk [tilespmem:v6+s5+$0x0], $0xffff;
	v5 =	vadd.s32 $0x4000, v7;
	[tilespmem:s26+$0x280] =	vst v8  }
0x8c: {  	s3 =	sand.u32 $0x3, s19;
	s7 =	sor.u32 s12, s15;
	v6 =	vadd.s32 $0x1800, v1;
	v8 =	vld.idx.msk [tilespmem:v9+s5+$0x0], $0xffff  }
0x8d: {  	s3 =	sshll.u32 s3, $0x5;
	s21 =	sadd.s32 $0xAB80, s8;
	v9 =	vadd.s32 $0x1C00, v0;
	[tilespmem:s7+$0x0] =	vst v10  }
0x8e: {  	s3 =	sadd.s32 $0x100, s3;
	s25 =	sor.u32 s6, s21;
	v10 =	vld.idx.msk [tilespmem:v11+s5+$0x0], $0xffff  }
0x8f: {  	s26 =	sadd.s32 $0x10, s3;
	v11 =	vadd.s32 $0x3C00, v2;
	[tilespmem:s25+$0x0] =	vst v3  }
0x90: {  	s30 =	sor.u32 $0x300, s26;
	[tilespmem:s1+$0x280] =	vst v4;
	v3 =	vld.idx.msk [tilespmem:v5+s5+$0x0], $0xffff  }
0x91: {  	v4 =	vld.idx.msk [tilespmem:v6+s5+$0x0], $0xffff;
	v5 =	vadd.s32 $0x4400, v7;
	[tilespmem:s30+$0x8800] =	vst v8  }
0x92: {  	s4 =	sor.u32 s12, s17;
	v6 =	vadd.s32 $0x1C00, v1;
	v8 =	vld.idx.msk [tilespmem:v9+s5+$0x0], $0xffff  }
0x93: {  	s10 =	sadd.s32 $0xC800, s8;
	[tilespmem:s4+$0x0] =	vst v10  }
0x94: {  	s11 =	sor.u32 s6, s10;
	s1 =	simm.s32 $0x40;
	v9 =	vadd.s32 $0x2000, v0;
	v10 =	vld.idx.msk [tilespmem:v11+s5+$0x0], $0xffff  }
0x95: {  	s3 =	sor.u32 $0x300, s3;
	s25 =	sand.u32 $0x60, s1;
	v11 =	vadd.s32 $0x4000, v2;
	[tilespmem:s11+$0x0] =	vst v3  }
0x96: {  	s13 =	sor.u32 $0x380, s26;
	s14 =	sand.u32 $0x380, s1;
	s26 =	sor.u32 $0x10, s25;
	[tilespmem:s3+$0x8800] =	vst v4;
	v5 =	vld.idx.msk [tilespmem:v5+s5+$0x0], $0xffff  }
0x97: {  	s3 =	sor.u32 s26, s14;
	v6 =	vld.idx.msk [tilespmem:v6+s5+$0x0], $0xffff;
	[tilespmem:s13+$0x8800] =	vst v8;
	v8 =	vadd.s32 $0x4800, v7  }
0x98: {  	s7 =	sor.u32 s12, s21;
	v3 =	vld [tilespmem:s3+$0x8000]  }
0x99: {  	s15 =	sadd.s32 $0xC880, s8;
	v9 =	vld.idx.msk [tilespmem:v9+s5+$0x0], $0xffff;
	[tilespmem:s7+$0x0] =	vst v10;
	v10 =	vadd.s32 $0x2000, v1  }
0x9a: {  	v12 =	vadd.s32 $0x2400, v0;
	s16 =	simm.s32 $0x8040;
	s17 =	sor.u32 s6, s15;
	v11 =	vld.idx.msk [tilespmem:v11+s5+$0x0], $0xffff  }
0x9b: {  	v13 =	vadd.s32 $0x4400, v2;
	s0 =	sor.u32 s2, s0;
	v4 =	vld [tilespmem:s16+$0x0];
	[tilespmem:s17+$0x0] =	vst v5  }
0x9c: {  	s0 =	sor.u32 $0x380, s0;
	s18 =	sadd.s32 $0xA800, s24;
	v5 =	vld.idx.msk [tilespmem:v8+s5+$0x0], $0xffff  }
0x9d: {  	s19 =	sor.u32 s23, s18;
	[tilespmem:s0+$0x8800] =	vst v6;
	v6 =	vadd.s32 $0x4C00, v7  }
0x9e: {  	s21 =	sor.u32 s12, s10;
	[tilespmem:s19+$0x0] =	vst v9;
	v8 =	vld.idx.msk [tilespmem:v10+s5+$0x0], $0xffff  }
0x9f: {  	s30 =	sadd.s32 $0xC900, s8;
	v9 =	vadd.s32 $0x2400, v1;
	v10 =	vld.idx.msk [tilespmem:v12+s5+$0x0], $0xffff;
	[tilespmem:s21+$0x0] =	vst v11  }
0xa0: {  	s10 =	sor.u32 s6, s30;
	v12 =	vadd.s32 $0x2800, v0;
	v11 =	vld.idx.msk [tilespmem:v13+s5+$0x0], $0xffff  }
0xa1: {  	v14 =	vld.idx.msk [tilespmem:v3+s5+$0x0], $0xffff;
	v13 =	vadd.s32 $0x4800, v2;
	[tilespmem:s10+$0x0] =	vst v5  }
0xa2: {  	s2 =	simm.s32 $0x200;
	s11 =	sor.u32 s22, s18;
	s13 =	sadd.s32 $0xA880, s24;
	v5 =	vld.idx.msk [tilespmem:v6+s5+$0x0], $0xffff;
	v6 =	vadd.s32 $0x400, v3  }
0xa3: {  	s28 =	sand.u32 $0x1C00, s2;
	s14 =	sor.u32 s23, s13;
	v15 =	vld.idx.msk [tilespmem:v4+s5+$0x0], $0xffff;
	[tilespmem:s11+$0x0] =	vst v8;
	v8 =	vadd.s32 $0x5000, v7  }
0xa4: {  	s15 =	sor.u32 s12, s15;
	s16 =	sadd.s32 $0x8800, s28;
	[tilespmem:s14+$0x0] =	vst v10;
	v10 =	vadd.s32 $0x400, v4;
	v9 =	vld.idx.msk [tilespmem:v9+s5+$0x0], $0xffff  }
0xa5: {  	s0 =	sor.u32 s26, s16;
	s10 =	sadd.s32 $0xC980, s8;
	[tilespmem:s15+$0x0] =	vst v11;
	v11 =	vld.idx.msk [tilespmem:v12+s5+$0x0], $0xffff;
	v12 =	vadd.s32 $0x2800, v1  }
0xa6: {  	[tilespmem:s0+$0x0] =	vst v14;
	v14 =	vadd.s32 $0x2C00, v0;
	s11 =	sor.u32 s6, s10;
	v13 =	vld.idx.msk [tilespmem:v13+s5+$0x0], $0xffff  }
0xa7: {  	s3 =	sor.u32 s25, s16;
	v6 =	vld.idx.msk [tilespmem:v6+s5+$0x0], $0xffff;
	[tilespmem:s11+$0x0] =	vst v5;
	v5 =	vadd.s32 $0x4C00, v2  }
0xa8: {  	s18 =	sadd.s32 $0xA900, s24;
	s17 =	sor.u32 s22, s13;
	[tilespmem:s3+$0x0] =	vst v15;
	v15 =	vadd.s32 $0x800, v3;
	v8 =	vld.idx.msk [tilespmem:v8+s5+$0x0], $0xffff  }
0xa9: {  	s19 =	sor.u32 s23, s18;
	v10 =	vld.idx.msk [tilespmem:v10+s5+$0x0], $0xffff;
	[tilespmem:s17+$0x0] =	vst v9;
	v9 =	vadd.s32 $0x5400, v7  }
0xaa: {  	s4 =	sor.u32 s12, s30;
	v12 =	vld.idx.msk [tilespmem:v12+s5+$0x0], $0xffff;
	[tilespmem:s19+$0x0] =	vst v11;
	v11 =	vadd.s32 $0x800, v4  }
0xab: {  	v16 =	vadd.s32 $0x2C00, v1;
	s21 =	sadd.s32 $0xCA00, s8;
	v14 =	vld.idx.msk [tilespmem:v14+s5+$0x0], $0xffff;
	[tilespmem:s4+$0x0] =	vst v13  }
0xac: {  	s30 =	sor.u32 s6, s21;
	[tilespmem:s0+$0x80] =	vst v6;
	v6 =	vadd.s32 $0x3000, v0;
	v5 =	vld.idx.msk [tilespmem:v5+s5+$0x0], $0xffff  }
0xad: {  	v13 =	vld.idx.msk [tilespmem:v15+s5+$0x0], $0xffff;
	[tilespmem:s30+$0x0] =	vst v8;
	v8 =	vadd.s32 $0x5000, v2  }
0xae: {  	s13 =	sadd.s32 $0xA980, s24;
	s11 =	sor.u32 s22, s18;
	[tilespmem:s3+$0x80] =	vst v10;
	v10 =	vadd.s32 $0xC00, v3;
	v9 =	vld.idx.msk [tilespmem:v9+s5+$0x0], $0xffff  }
0xaf: {  	s14 =	sor.u32 s23, s13;
	v11 =	vld.idx.msk [tilespmem:v11+s5+$0x0], $0xffff;
	[tilespmem:s11+$0x0] =	vst v12;
	v12 =	vadd.s32 $0x5800, v7  }
0xb0: {  	s10 =	sor.u32 s12, s10;
	v15 =	vld.idx.msk [tilespmem:v16+s5+$0x0], $0xffff;
	[tilespmem:s14+$0x0] =	vst v14;
	v14 =	vadd.s32 $0xC00, v4  }
0xb1: {  	s15 =	sadd.s32 $0xCA80, s8;
	v16 =	vadd.s32 $0x3000, v1;
	v6 =	vld.idx.msk [tilespmem:v6+s5+$0x0], $0xffff;
	[tilespmem:s10+$0x0] =	vst v5  }
0xb2: {  	s16 =	sor.u32 s6, s15;
	v5 =	vadd.s32 $0x3400, v0;
	[tilespmem:s0+$0x100] =	vst v13;
	v8 =	vld.idx.msk [tilespmem:v8+s5+$0x0], $0xffff  }
0xb3: {  	v10 =	vld.idx.msk [tilespmem:v10+s5+$0x0], $0xffff;
	[tilespmem:s16+$0x0] =	vst v9  }
0xb4: {  	s9 =	sor.u32 s22, s13;
	s17 =	sadd.s32 $0xAA00, s24;
	v9 =	vadd.s32 $0x5400, v2;
	[tilespmem:s3+$0x100] =	vst v11;
	v11 =	vld.idx.msk [tilespmem:v12+s5+$0x0], $0xffff  }
0xb5: {  	s18 =	sor.u32 s23, s17;
	v13 =	vadd.s32 $0x1000, v3;
	v12 =	vld.idx.msk [tilespmem:v14+s5+$0x0], $0xffff;
	[tilespmem:s9+$0x0] =	vst v15  }
0xb6: {  	v14 =	vld.idx.msk [tilespmem:v16+s5+$0x0], $0xffff;
	[tilespmem:s18+$0x0] =	vst v6;
	v6 =	vadd.s32 $0x5C00, v7  }
0xb7: {  	s19 =	simm.s32 $0x8060;
	s4 =	sor.u32 s12, s21;
	v15 =	vadd.s32 $0x1000, v4;
	v16 =	vld.idx.msk [tilespmem:v5+s5+$0x0], $0xffff  }
0xb8: {  	v17 =	vadd.s32 $0x3400, v1;
	s21 =	sadd.s32 $0xCB00, s8;
	v5 =	vld [tilespmem:s19+$0x0];
	[tilespmem:s4+$0x0] =	vst v8  }
0xb9: {  	s30 =	sor.u32 s6, s21;
	v8 =	vadd.s32 $0x3800, v0;
	[tilespmem:s0+$0x180] =	vst v10;
	v9 =	vld.idx.msk [tilespmem:v9+s5+$0x0], $0xffff  }
0xba: {  	v10 =	vld.idx.msk [tilespmem:v13+s5+$0x0], $0xffff;
	[tilespmem:s30+$0x0] =	vst v11;
	v11 =	vadd.s32 $0x5800, v2  }
0xbb: {  	s11 =	sadd.s32 $0xAA80, s24;
	s10 =	sor.u32 s22, s17;
	[tilespmem:s3+$0x180] =	vst v12;
	v12 =	vadd.s32 $0x1400, v3;
	v6 =	vld.idx.msk [tilespmem:v6+s5+$0x0], $0xffff  }
0xbc: {  	s13 =	sor.u32 s23, s11;
	v13 =	vld.idx.msk [tilespmem:v15+s5+$0x0], $0xffff;
	[tilespmem:s10+$0x0] =	vst v14;
	v14 =	vadd.s32 $0x6000, v7  }
0xbd: {  	s7 =	sor.u32 s12, s15;
	v15 =	vld.idx.msk [tilespmem:v17+s5+$0x0], $0xffff;
	[tilespmem:s13+$0x0] =	vst v16;
	v16 =	vadd.s32 $0x1400, v4  }
0xbe: {  	s14 =	sadd.s32 $0xCB80, s8;
	v17 =	vadd.s32 $0x3800, v1;
	v8 =	vld.idx.msk [tilespmem:v8+s5+$0x0], $0xffff;
	[tilespmem:s7+$0x0] =	vst v9  }
0xbf: {  	s15 =	sor.u32 s6, s14;
	v9 =	vadd.s32 $0x3C00, v0;
	[tilespmem:s0+$0x200] =	vst v10;
	v10 =	vld.idx.msk [tilespmem:v11+s5+$0x0], $0xffff  }
0xc0: {  	v11 =	vld.idx.msk [tilespmem:v12+s5+$0x0], $0xffff;
	[tilespmem:s15+$0x0] =	vst v6;
	v6 =	vadd.s32 $0x5C00, v2  }
0xc1: {  	s17 =	sadd.s32 $0xAB00, s24;
	s16 =	sor.u32 s22, s11;
	[tilespmem:s3+$0x200] =	vst v13;
	v13 =	vadd.s32 $0x1800, v3;
	v12 =	vld.idx.msk [tilespmem:v14+s5+$0x0], $0xffff  }
0xc2: {  	s18 =	sor.u32 s23, s17;
	v14 =	vld.idx.msk [tilespmem:v16+s5+$0x0], $0xffff;
	[tilespmem:s16+$0x0] =	vst v15;
	v15 =	vadd.s32 $0x6400, v7  }
0xc3: {  	s4 =	sor.u32 s12, s21;
	v16 =	vld.idx.msk [tilespmem:v17+s5+$0x0], $0xffff;
	[tilespmem:s18+$0x0] =	vst v8;
	v8 =	vadd.s32 $0x1800, v4  }
0xc4: {  	v17 =	vadd.s32 $0x3C00, v1;
	v9 =	vld.idx.msk [tilespmem:v9+s5+$0x0], $0xffff;
	[tilespmem:s4+$0x0] =	vst v10;
	s4 =	sadd.s32 $0xE800, s8  }
0xc5: {  	v10 =	vadd.s32 $0x4000, v0;
	[tilespmem:s0+$0x280] =	vst v11;
	s19 =	sor.u32 s6, s4;
	s0 =	simm.s32 $0x2;
	v6 =	vld.idx.msk [tilespmem:v6+s5+$0x0], $0xffff  }
0xc6: {  	v11 =	vld.idx.msk [tilespmem:v13+s5+$0x0], $0xffff;
	s21 =	sand.u32 $0x3, s0;
	[tilespmem:s19+$0x0] =	vst v12;
	v12 =	vadd.s32 $0x6000, v2  }
0xc7: {  	s30 =	sadd.s32 $0xAB80, s24;
	s10 =	sor.u32 s22, s17;
	[tilespmem:s3+$0x280] =	vst v14;
	s9 =	sshll.u32 s21, $0x5;
	v14 =	vadd.s32 $0x1C00, v3;
	v13 =	vld.idx.msk [tilespmem:v15+s5+$0x0], $0xffff  }
0xc8: {  	s11 =	sor.u32 s23, s30;
	v8 =	vld.idx.msk [tilespmem:v8+s5+$0x0], $0xffff;
	[tilespmem:s10+$0x0] =	vst v16;
	s9 =	sadd.s32 $0x200, s9;
	v15 =	vadd.s32 $0x6800, v7  }
0xc9: {  	s7 =	sor.u32 s12, s14;
	v16 =	vld.idx.msk [tilespmem:v17+s5+$0x0], $0xffff;
	[tilespmem:s11+$0x0] =	vst v9;
	v9 =	vadd.s32 $0x1C00, v4;
	s13 =	sadd.s32 $0x10, s9  }
0xca: {  	s15 =	sadd.s32 $0xE880, s8;
	v17 =	vadd.s32 $0x4000, v1;
	v10 =	vld.idx.msk [tilespmem:v10+s5+$0x0], $0xffff;
	s14 =	sor.u32 $0x300, s13;
	[tilespmem:s7+$0x0] =	vst v6  }
0xcb: {  	s16 =	sor.u32 s6, s15;
	[tilespmem:s14+$0x8800] =	vst v11;
	v6 =	vadd.s32 $0x4400, v0;
	v11 =	vld.idx.msk [tilespmem:v12+s5+$0x0], $0xffff  }
0xcc: {  	s9 =	sor.u32 $0x300, s9;
	v12 =	vld.idx.msk [tilespmem:v14+s5+$0x0], $0xffff;
	[tilespmem:s16+$0x0] =	vst v13  }
0xcd: {  	s17 =	sadd.s32 $0xC800, s24;
	s3 =	sor.u32 s22, s30;
	v13 =	vadd.s32 $0x6400, v2;
	[tilespmem:s9+$0x8800] =	vst v8;
	s9 =	simm.s32 $0x60;
	v8 =	vld.idx.msk [tilespmem:v15+s5+$0x0], $0xffff  }
0xce: {  	s18 =	sor.u32 s23, s17;
	v14 =	vadd.s32 $0x2000, v3;
	v9 =	vld.idx.msk [tilespmem:v9+s5+$0x0], $0xffff;
	[tilespmem:s3+$0x0] =	vst v16;
	s29 =	sand.u32 $0x60, s9  }
0xcf: {  	v15 =	vadd.s32 $0x6C00, v7;
	s21 =	sand.u32 $0x380, s9;
	v16 =	vld.idx.msk [tilespmem:v17+s5+$0x0], $0xffff;
	[tilespmem:s18+$0x0] =	vst v10;
	s31 =	sor.u32 $0x10, s29  }
0xd0: {  	s1 =	sor.u32 s2, s1;
	s4 =	sor.u32 s12, s4;
	v17 =	vadd.s32 $0x2000, v4;
	v10 =	vld.idx.msk [tilespmem:v6+s5+$0x0], $0xffff;
	s2 =	sor.u32 s31, s21  }
0xd1: {  	s10 =	sor.u32 $0x380, s13;
	s3 =	sadd.s32 $0xE900, s8;
	[tilespmem:s4+$0x0] =	vst v11;
	v6 =	vld [tilespmem:s2+$0x8000]  }
0xd2: {  	s19 =	sor.u32 s6, s3;
	[tilespmem:s10+$0x8800] =	vst v12;
	v11 =	vadd.s32 $0x4800, v0;
	v12 =	vld.idx.msk [tilespmem:v13+s5+$0x0], $0xffff  }
0xd3: {  	s1 =	sor.u32 $0x380, s1;
	v13 =	vld.idx.msk [tilespmem:v14+s5+$0x0], $0xffff;
	v14 =	vadd.s32 $0x4400, v1;
	[tilespmem:s19+$0x0] =	vst v8  }
0xd4: {  	s30 =	sadd.s32 $0xC880, s24;
	s14 =	sor.u32 s22, s17;
	[tilespmem:s1+$0x8800] =	vst v9;
	v9 =	vadd.s32 $0x2400, v3;
	v15 =	vld.idx.msk [tilespmem:v15+s5+$0x0], $0xffff  }
0xd5: {  	s13 =	sor.u32 s23, s30;
	v8 =	vadd.s32 $0x6800, v2;
	v17 =	vld.idx.msk [tilespmem:v17+s5+$0x0], $0xffff;
	[tilespmem:s14+$0x0] =	vst v16  }
0xd6: {  	s15 =	sor.u32 s12, s15;
	s16 =	sadd.s32 $0xA800, s28;
	v16 =	vld.idx.msk [tilespmem:v5+s5+$0x0], $0xffff;
	[tilespmem:s13+$0x0] =	vst v10  }
0xd7: {  	s17 =	sor.u32 s26, s16;
	v10 =	vadd.s32 $0x7000, v7;
	v11 =	vld.idx.msk [tilespmem:v11+s5+$0x0], $0xffff;
	[tilespmem:s15+$0x0] =	vst v12  }
0xd8: {  	s4 =	sadd.s32 $0xE980, s8;
	v14 =	vld.idx.msk [tilespmem:v14+s5+$0x0], $0xffff;
	[tilespmem:s17+$0x0] =	vst v13;
	v12 =	vadd.s32 $0x4C00, v0  }
0xd9: {  	s18 =	sor.u32 s6, s4;
	v13 =	vadd.s32 $0x2400, v4;
	v9 =	vld.idx.msk [tilespmem:v9+s5+$0x0], $0xffff  }
0xda: {  	s11 =	sadd.s32 $0xC900, s24;
	s2 =	sor.u32 s25, s16;
	v8 =	vld.idx.msk [tilespmem:v8+s5+$0x0], $0xffff;
	[tilespmem:s18+$0x0] =	vst v15;
	v15 =	vadd.s32 $0x4800, v1  }
0xdb: {  	v18 =	vadd.s32 $0x2800, v3;
	s19 =	sor.u32 s23, s11;
	v19 =	vld.idx.msk [tilespmem:v6+s5+$0x0], $0xffff;
	[tilespmem:s2+$0x0] =	vst v17  }
0xdc: {  	s21 =	sor.u32 s22, s30;
	s30 =	sadd.s32 $0xA880, s28;
	v17 =	vadd.s32 $0x6C00, v2;
	s18 =	simm.s32 $0x300;
	v10 =	vld.idx.msk [tilespmem:v10+s5+$0x0], $0xffff;
	[tilespmem:s19+$0x0] =	vst v11  }
0xdd: {  	s16 =	sor.u32 s26, s30;
	s1 =	sand.u32 $0x1C00, s18;
	v11 =	vadd.s32 $0x7400, v7;
	v12 =	vld.idx.msk [tilespmem:v12+s5+$0x0], $0xffff;
	[tilespmem:s21+$0x0] =	vst v14  }
0xde: {  	v20 =	vadd.s32 $0x400, v5;
	s3 =	sor.u32 s12, s3;
	s13 =	sadd.s32 $0x8800, s1;
	v13 =	vld.idx.msk [tilespmem:v13+s5+$0x0], $0xffff;
	[tilespmem:s16+$0x0] =	vst v9  }
0xdf: {  	s7 =	sadd.s32 $0xEA00, s8;
	v14 =	vadd.s32 $0x400, v6;
	s2 =	sor.u32 s29, s13;
	[tilespmem:s3+$0x0] =	vst v8;
	v9 =	vld.idx.msk [tilespmem:v15+s5+$0x0], $0xffff  }
0xe0: {  	s17 =	sor.u32 s6, s7;
	[tilespmem:s2+$0x0] =	vst v16;
	v15 =	vadd.s32 $0x5000, v0;
	v18 =	vld.idx.msk [tilespmem:v18+s5+$0x0], $0xffff  }
0xe1: {  	s14 =	sadd.s32 $0xC980, s24;
	s3 =	sor.u32 s31, s13;
	v8 =	vld.idx.msk [tilespmem:v17+s5+$0x0], $0xffff;
	[tilespmem:s17+$0x0] =	vst v10;
	v10 =	vadd.s32 $0x2800, v4  }
0xe2: {  	s15 =	sor.u32 s23, s14;
	[tilespmem:s3+$0x0] =	vst v19;
	v19 =	vadd.s32 $0x2C00, v3;
	v11 =	vld.idx.msk [tilespmem:v11+s5+$0x0], $0xffff  }
0xe3: {  	s10 =	sor.u32 s25, s30;
	s19 =	sadd.s32 $0xA900, s28;
	v17 =	vld.idx.msk [tilespmem:v20+s5+$0x0], $0xffff;
	[tilespmem:s15+$0x0] =	vst v12;
	v12 =	vadd.s32 $0x7800, v7  }
0xe4: {  	s21 =	sor.u32 s26, s19;
	v16 =	vadd.s32 $0x4C00, v1;
	v14 =	vld.idx.msk [tilespmem:v14+s5+$0x0], $0xffff;
	[tilespmem:s10+$0x0] =	vst v13  }
0xe5: {  	s11 =	sor.u32 s22, s11;
	v20 =	vadd.s32 $0x800, v6;
	s15 =	sadd.s32 $0xEA80, s8;
	v15 =	vld.idx.msk [tilespmem:v15+s5+$0x0], $0xffff;
	[tilespmem:s21+$0x0] =	vst v18  }
0xe6: {  	s30 =	sor.u32 s6, s15;
	v18 =	vadd.s32 $0x800, v5;
	[tilespmem:s11+$0x0] =	vst v9;
	v10 =	vld.idx.msk [tilespmem:v10+s5+$0x0], $0xffff  }
0xe7: {  	v13 =	vadd.s32 $0x5400, v0;
	v19 =	vld.idx.msk [tilespmem:v19+s5+$0x0], $0xffff;
	[tilespmem:s30+$0x0] =	vst v11  }
0xe8: {  	s10 =	sadd.s32 $0xCA00, s24;
	[tilespmem:s2+$0x80] =	vst v17;
	v11 =	vadd.s32 $0x2C00, v4;
	v9 =	vld.idx.msk [tilespmem:v12+s5+$0x0], $0xffff  }
0xe9: {  	s16 =	sor.u32 s23, s10;
	[tilespmem:s3+$0x80] =	vst v14;
	v12 =	vadd.s32 $0x3000, v3;
	v14 =	vld.idx.msk [tilespmem:v16+s5+$0x0], $0xffff  }
0xea: {  	s13 =	sadd.s32 $0xA980, s28;
	s17 =	sor.u32 s25, s19;
	v16 =	vld.idx.msk [tilespmem:v20+s5+$0x0], $0xffff;
	[tilespmem:s16+$0x0] =	vst v15  }
0xeb: {  	s19 =	sor.u32 s26, s13;
	v7 =	vadd.s32 $0x7C00, v7;
	v17 =	vld.idx.msk [tilespmem:v18+s5+$0x0], $0xffff;
	s16 =	sadd.s32 $0xEB00, s8;
	[tilespmem:s17+$0x0] =	vst v10  }
0xec: {  	v15 =	vadd.s32 $0x5000, v1;
	v13 =	vld.idx.msk [tilespmem:v13+s5+$0x0], $0xffff;
	[tilespmem:s19+$0x0] =	vst v19;
	s21 =	sor.u32 s6, s16  }
0xed: {  	s30 =	sshll.u32 s20, $0x1;
	v18 =	vadd.s32 $0xC00, v6;
	v11 =	vld.idx.msk [tilespmem:v11+s5+$0x0], $0xffff;
	[tilespmem:s21+$0x0] =	vst v9  }
0xee: {  	s14 =	sor.u32 s22, s14;
	v20 =	vadd.s32 $0xC00, v5;
	v12 =	vld.idx.msk [tilespmem:v12+s5+$0x0], $0xffff;
	[dreg:$0xa] =	wrdreg s30  }
0xef: {  	v19 =	vadd.s32 $0x5800, v0;
	[tilespmem:s14+$0x0] =	vst v14  }
0xf0: {  	v9 =	vadd.s32 $0x3000, v4;
	s21 =	sadd.s32 $0xCA80, s24;
	v21 =	vld.idx.msk [tilespmem:v7+s5+$0x0], $0xffff;
	[tilespmem:s3+$0x100] =	vst v16  }
0xf1: {  	v22 =	vadd.s32 $0x3400, v3;
	s11 =	sor.u32 s25, s13;
	s19 =	sor.u32 s12, s7;
	s7 =	sor.u32 s23, s21;
	[tilespmem:s2+$0x100] =	vst v17;
	v10 =	vld.idx.msk [tilespmem:v15+s5+$0x0], $0xffff  }
0xf2: {  	s13 =	sadd.s32 $0xEB80, s8;
	s17 =	sor.u32 s12, s15;
	s15 =	sadd.s32 $0xAA00, s28;
	[tilespmem:s7+$0x0] =	vst v13;
	v15 =	vld.idx.msk [tilespmem:v18+s5+$0x0], $0xffff  }
0xf3: {  	s8 =	sor.u32 s12, s16;
	s16 =	sor.u32 s18, s9;
	s30 =	sor.u32 s26, s15;
	v16 =	vld.idx.msk [tilespmem:v20+s5+$0x0], $0xffff;
	[tilespmem:s11+$0x0] =	vst v11;
	v11 =	vadd.s32 $0x5400, v1  }
0xf4: {  	s14 =	sor.u32 s12, s4;
	s12 =	sor.u32 s12, s13;
	s4 =	sor.u32 s6, s13;
	v17 =	vadd.s32 $0x1000, v6;
	v7 =	vld.idx.msk [tilespmem:v19+s5+$0x0], $0xffff  }
0xf5: {  	s13 =	sor.u32 s22, s10;
	s6 =	simm.s32 $0x6;
	s7 =	sor.u32 s22, s21;
	[tilespmem:s30+$0x0] =	vst v12;
	v14 =	vld.idx.msk [tilespmem:v9+s5+$0x0], $0xffff;
	v9 =	vadd.s32 $0x5C00, v0  }
0xf6: {  	s21 =	sor.u32 s25, s15;
	v18 =	vadd.s32 $0x1000, v5;
	s11 =	sor.u32 $0x380, s16;
	s16 =	simm.s32 $0x8080;
	v12 =	vld.idx.msk [tilespmem:v22+s5+$0x0], $0xffff;
	[tilespmem:s4+$0x0] =	vst v21  }
.LBB2_3:
0xf7: {  	v13 =	vld [tilespmem:s16+$0x0];
	v19 =	vadd.s32 $0x3400, v4;
	[tilespmem:s13+$0x0] =	vst v10;
	s4 =	sadd.s32 $0xCB00, s24;
	s10 =	smov.u32 s23;
	s23 =	smov.u32 s26  }
0xf8: {  	v10 =	vadd.s32 $0x3800, v3;
	s26 =	smov.u32 s31;
	[tilespmem:s3+$0x180] =	vst v15;
	v11 =	vld.idx.msk [tilespmem:v11+s5+$0x0], $0xffff;
	s13 =	sor.u32 s22, s4;
	s4 =	sor.u32 s10, s4  }
0xf9: {  	v15 =	vld.idx.msk [tilespmem:v17+s5+$0x0], $0xffff;
	[tilespmem:s4+$0x0] =	vst v7;
	v7 =	vadd.s32 $0x7000, v2;
	s4 =	smov.u32 s24;
	s24 =	smov.u32 s28;
	s28 =	smov.u32 s1  }
0xfa: {  	[tilespmem:s2+$0x180] =	vst v16;
	s1 =	sadd.s32 $0xAA80, s24;
	v16 =	vadd.s32 $0x5800, v1;
	v9 =	vld.idx.msk [tilespmem:v9+s5+$0x0], $0xffff  }
0xfb: {  	v17 =	vld.idx.msk [tilespmem:v18+s5+$0x0], $0xffff;
	v18 =	vadd.s32 $0x1400, v6;
	[tilespmem:s21+$0x0] =	vst v14;
	s15 =	sor.u32 s25, s1;
	s1 =	sor.u32 s23, s1  }
0xfc: {  	v14 =	vld.idx.msk [tilespmem:v19+s5+$0x0], $0xffff;
	[tilespmem:s1+$0x0] =	vst v12;
	v12 =	vadd.s32 $0x6000, v0  }
0xfd: {  	v19 =	vadd.s32 $0x1400, v5;
	v10 =	vld.idx.msk [tilespmem:v10+s5+$0x0], $0xffff;
	[tilespmem:s14+$0x0] =	vst v8  }
0xfe: {  	v8 =	vadd.s32 $0x3800, v4;
	[tilespmem:s7+$0x0] =	vst v11;
	s7 =	sadd.s32 $0xCB80, s4;
	v7 =	vld.idx.msk [tilespmem:v7+s5+$0x0], $0xffff  }
0xff: {  	v11 =	vadd.s32 $0x3C00, v3;
	[tilespmem:s3+$0x200] =	vst v15;
	v15 =	vld.idx.msk [tilespmem:v16+s5+$0x0], $0xffff;
	s1 =	sor.u32 s22, s7;
	s7 =	sor.u32 s10, s7  }
0x100: {  	v16 =	vld.idx.msk [tilespmem:v18+s5+$0x0], $0xffff;
	[tilespmem:s7+$0x0] =	vst v9;
	v9 =	vadd.s32 $0x7400, v2  }
0x101: {  	s7 =	sadd.s32 $0xAB00, s24;
	[tilespmem:s2+$0x200] =	vst v17;
	v17 =	vadd.s32 $0x5C00, v1;
	v12 =	vld.idx.msk [tilespmem:v12+s5+$0x0], $0xffff  }
0x102: {  	s14 =	sor.u32 s25, s7;
	s7 =	sor.u32 s23, s7;
	v18 =	vld.idx.msk [tilespmem:v19+s5+$0x0], $0xffff;
	v19 =	vadd.s32 $0x1800, v6;
	[tilespmem:s15+$0x0] =	vst v14  }
0x103: {  	v8 =	vld.idx.msk [tilespmem:v8+s5+$0x0], $0xffff;
	[tilespmem:s7+$0x0] =	vst v10;
	v10 =	vadd.s32 $0x6400, v0  }
0x104: {  	v14 =	vadd.s32 $0x1800, v5;
	v11 =	vld.idx.msk [tilespmem:v11+s5+$0x0], $0xffff;
	[tilespmem:s19+$0x0] =	vst v7  }
0x105: {  	s7 =	sadd.s32 $0xE800, s4;
	v7 =	vadd.s32 $0x3C00, v4;
	[tilespmem:s13+$0x0] =	vst v15;
	v9 =	vld.idx.msk [tilespmem:v9+s5+$0x0], $0xffff  }
0x106: {  	v15 =	vadd.s32 $0x4000, v3;
	[tilespmem:s3+$0x280] =	vst v16;
	v16 =	vld.idx.msk [tilespmem:v17+s5+$0x0], $0xffff;
	s3 =	sor.u32 s22, s7;
	s7 =	sor.u32 s10, s7  }
0x107: {  	s0 =	sadd.s32 $0x1, s0;
	v17 =	vld.idx.msk [tilespmem:v19+s5+$0x0], $0xffff;
	[tilespmem:s7+$0x0] =	vst v12;
	v12 =	vadd.s32 $0x7800, v2  }
0x108: {  	s7 =	sand.u32 $0x3, s0;
	[tilespmem:s2+$0x280] =	vst v18;
	s2 =	sadd.s32 $0xAB80, s24;
	v18 =	vadd.s32 $0x6000, v1;
	v10 =	vld.idx.msk [tilespmem:v10+s5+$0x0], $0xffff  }
0x109: {  	v19 =	vadd.s32 $0x1C00, v6;
	s7 =	sshll.u32 s7, $0x5;
	v14 =	vld.idx.msk [tilespmem:v14+s5+$0x0], $0xffff;
	[tilespmem:s14+$0x0] =	vst v8;
	s13 =	sor.u32 s25, s2;
	s2 =	sor.u32 s23, s2  }
0x10a: {  	s7 =	sadd.s32 s7, s18;
	v8 =	vadd.s32 $0x6800, v0;
	v7 =	vld.idx.msk [tilespmem:v7+s5+$0x0], $0xffff;
	[tilespmem:s2+$0x0] =	vst v11  }
0x10b: {  	s2 =	sor.u32 $0x300, s7;
	v11 =	vadd.s32 $0x1C00, v5;
	s7 =	sadd.s32 $0x10, s7;
	v15 =	vld.idx.msk [tilespmem:v15+s5+$0x0], $0xffff;
	[tilespmem:s17+$0x0] =	vst v9  }
0x10c: {  	s15 =	sadd.s32 $0xE880, s4;
	s14 =	sor.u32 $0x300, s7;
	v9 =	vadd.s32 $0x4000, v4;
	[tilespmem:s1+$0x0] =	vst v16;
	v12 =	vld.idx.msk [tilespmem:v12+s5+$0x0], $0xffff  }
0x10d: {  	v16 =	vadd.s32 $0x4400, v3;
	s1 =	sor.u32 s22, s15;
	[tilespmem:s14+$0x8800] =	vst v17;
	v17 =	vld.idx.msk [tilespmem:v18+s5+$0x0], $0xffff;
	s14 =	sor.u32 s10, s15  }
0x10e: {  	v18 =	vld.idx.msk [tilespmem:v19+s5+$0x0], $0xffff;
	[tilespmem:s14+$0x0] =	vst v10;
	v10 =	vadd.s32 $0x7C00, v2;
	v2 =	vmovc v1;
	v1 =	vmovc v4;
	v4 =	vmov v5;
	v5 =	vmov v13  }
0x10f: {  	[tilespmem:s2+$0x8800] =	vst v14;
	s2 =	sadd.s32 $0xC800, s24;
	v13 =	vadd.s32 $0x6400, v2;
	v8 =	vld.idx.msk [tilespmem:v8+s5+$0x0], $0xffff  }
0x110: {  	v14 =	vadd.s32 $0x2000, v6;
	v11 =	vld.idx.msk [tilespmem:v11+s5+$0x0], $0xffff;
	[tilespmem:s13+$0x0] =	vst v7;
	s13 =	sor.u32 s25, s2;
	s2 =	sor.u32 s23, s2  }
0x111: {  	v7 =	vld.idx.msk [tilespmem:v9+s5+$0x0], $0xffff;
	[tilespmem:s2+$0x0] =	vst v15;
	v9 =	vadd.s32 $0x6C00, v0  }
0x112: {  	v15 =	vld.idx.msk [tilespmem:v16+s5+$0x0], $0xffff;
	[tilespmem:s8+$0x0] =	vst v12  }
0x113: {  	s9 =	sadd.s32 $0x20, s9;
	s2 =	sor.u32 $0x380, s7;
	v12 =	vadd.s32 $0x2000, v4;
	[tilespmem:s3+$0x0] =	vst v17;
	s3 =	sadd.s32 $0xE900, s4;
	v10 =	vld.idx.msk [tilespmem:v10+s5+$0x0], $0xffff  }
0x114: {  	s6 =	sadd.s32 $0x2, s6;
	s15 =	sand.u32 $0x60, s9;
	v16 =	vadd.s32 $0x4800, v3;
	[tilespmem:s2+$0x8800] =	vst v18;
	v13 =	vld.idx.msk [tilespmem:v13+s5+$0x0], $0xffff;
	s2 =	sor.u32 s10, s3  }
0x115: {  	p2 =	slt.u32 s6, $0x3E;
	s31 =	sor.u32 $0x10, s15;
	s7 =	sand.u32 $0x380, s9;
	v17 =	vadd.s32 $0x4400, v1;
	v14 =	vld.idx.msk [tilespmem:v14+s5+$0x0], $0xffff;
	[tilespmem:s2+$0x0] =	vst v8  }
0x116: {  	s3 =	sor.u32 s22, s3;
	s2 =	sor.u32 s31, s7;
	s7 =	sadd.s32 $0xC880, s24;
	v8 =	vadd.s32 $0x6800, v2;
	[tilespmem:s11+$0x8800] =	vst v11;
	v9 =	vld.idx.msk [tilespmem:v9+s5+$0x0], $0xffff  }
0x117: {  	v18 =	vadd.s32 $0x2400, v6;
	v11 =	vld [tilespmem:s2+$0x8000];
	[tilespmem:s13+$0x0] =	vst v7;
	s2 =	sor.u32 s25, s7;
	s7 =	sor.u32 s23, s7  }
0x118: {  	v7 =	vld.idx.msk [tilespmem:v12+s5+$0x0], $0xffff;
	[tilespmem:s7+$0x0] =	vst v15;
	v12 =	vadd.s32 $0x7000, v0  }
0x119: {  	s7 =	sadd.s32 $0xA800, s28;
	v15 =	vld.idx.msk [tilespmem:v16+s5+$0x0], $0xffff;
	[tilespmem:s12+$0x0] =	vst v10  }
0x11a: {  	s8 =	sor.u32 s29, s7;
	s7 =	sor.u32 s26, s7;
	v10 =	vld.idx.msk [tilespmem:v17+s5+$0x0], $0xffff;
	[tilespmem:s1+$0x0] =	vst v13;
	s1 =	sadd.s32 $0xE980, s4  }
0x11b: {  	v13 =	vadd.s32 $0x4C00, v3;
	[tilespmem:s7+$0x0] =	vst v14;
	v8 =	vld.idx.msk [tilespmem:v8+s5+$0x0], $0xffff;
	s14 =	sor.u32 s22, s1;
	s1 =	sor.u32 s10, s1  }
0x11c: {  	v14 =	vadd.s32 $0x2400, v4;
	v16 =	vld.idx.msk [tilespmem:v18+s5+$0x0], $0xffff;
	[tilespmem:s1+$0x0] =	vst v9  }
0x11d: {  	v9 =	vadd.s32 $0x4800, v1;
	s1 =	sadd.s32 $0xC900, s24;
	v12 =	vld.idx.msk [tilespmem:v12+s5+$0x0], $0xffff  }
0x11e: {  	s7 =	sor.u32 s25, s1;
	s1 =	sor.u32 s23, s1;
	v17 =	vld.idx.msk [tilespmem:v5+s5+$0x0], $0xffff;
	[tilespmem:s8+$0x0] =	vst v7;
	v7 =	vadd.s32 $0x2800, v6  }
0x11f: {  	v18 =	vld.idx.msk [tilespmem:v11+s5+$0x0], $0xffff;
	[tilespmem:s1+$0x0] =	vst v15;
	v15 =	vadd.s32 $0x7400, v0  }
0x120: {  	s8 =	sadd.s32 $0xA880, s28;
	[tilespmem:s2+$0x0] =	vst v10;
	v10 =	vld.idx.msk [tilespmem:v13+s5+$0x0], $0xffff;
	v13 =	vadd.s32 $0x6C00, v2  }
0x121: {  	s18 =	sadd.s32 $0x100, s18;
	s13 =	sadd.s32 $0xEA00, s4;
	v19 =	vadd.s32 $0x400, v11;
	s2 =	sor.u32 s26, s8;
	v14 =	vld.idx.msk [tilespmem:v14+s5+$0x0], $0xffff;
	[tilespmem:s3+$0x0] =	vst v8  }
0x122: {  	s1 =	sand.u32 $0x1C00, s18;
	s3 =	sor.u32 s18, s9;
	[tilespmem:s2+$0x0] =	vst v16;
	v9 =	vld.idx.msk [tilespmem:v9+s5+$0x0], $0xffff;
	v16 =	vadd.s32 $0x5000, v3;
	s2 =	sor.u32 s10, s13  }
0x123: {  	v20 =	vadd.s32 $0x400, v5;
	s12 =	sadd.s32 $0x8800, s1;
	s8 =	sor.u32 s29, s8;
	s11 =	sor.u32 $0x380, s3;
	v7 =	vld.idx.msk [tilespmem:v7+s5+$0x0], $0xffff;
	[tilespmem:s2+$0x0] =	vst v12  }
0x124: {  	s17 =	sadd.s32 $0xC980, s24;
	s3 =	sor.u32 s31, s12;
	s2 =	sor.u32 s15, s12;
	v12 =	vadd.s32 $0x2800, v4;
	v15 =	vld.idx.msk [tilespmem:v15+s5+$0x0], $0xffff  }
0x125: {  	s19 =	sor.u32 s22, s13;
	s12 =	sor.u32 s25, s17;
	s17 =	sor.u32 s23, s17;
	[tilespmem:s3+$0x0] =	vst v18;
	v18 =	vadd.s32 $0x2C00, v6;
	v8 =	vld.idx.msk [tilespmem:v13+s5+$0x0], $0xffff  }
0x126: {  	v13 =	vld.idx.msk [tilespmem:v19+s5+$0x0], $0xffff;
	[tilespmem:s17+$0x0] =	vst v10;
	v10 =	vadd.s32 $0x7800, v0  }
0x127: {  	s13 =	sadd.s32 $0xA900, s28;
	[tilespmem:s2+$0x0] =	vst v17;
	v17 =	vadd.s32 $0x4C00, v1;
	v16 =	vld.idx.msk [tilespmem:v16+s5+$0x0], $0xffff  }
0x128: {  	s21 =	sadd.s32 $0xEA80, s4;
	v19 =	vld.idx.msk [tilespmem:v20+s5+$0x0], $0xffff;
	v20 =	vadd.s32 $0x800, v11;
	[tilespmem:s8+$0x0] =	vst v14;
	s8 =	sor.u32 s29, s13;
	s13 =	sor.u32 s26, s13  }
0x129: {  	s17 =	sor.u32 s22, s21;
	v12 =	vld.idx.msk [tilespmem:v12+s5+$0x0], $0xffff;
	[tilespmem:s13+$0x0] =	vst v7;
	v7 =	vadd.s32 $0x5400, v3;
	s13 =	sor.u32 s10, s21  }
0x12a: {  	v14 =	vadd.s32 $0x800, v5;
	v18 =	vld.idx.msk [tilespmem:v18+s5+$0x0], $0xffff;
	[tilespmem:s13+$0x0] =	vst v15  }
0x12b: {  	v15 =	vadd.s32 $0x2C00, v4;
	[tilespmem:s7+$0x0] =	vst v9;
	s7 =	sadd.s32 $0xCA00, s24;
	v9 =	vld.idx.msk [tilespmem:v10+s5+$0x0], $0xffff  }
0x12c: {  	v10 =	vadd.s32 $0x3000, v6;
	[tilespmem:s3+$0x80] =	vst v13;
	v13 =	vld.idx.msk [tilespmem:v17+s5+$0x0], $0xffff;
	s13 =	sor.u32 s25, s7;
	s7 =	sor.u32 s23, s7  }
0x12d: {  	v17 =	vld.idx.msk [tilespmem:v20+s5+$0x0], $0xffff;
	[tilespmem:s7+$0x0] =	vst v16;
	v16 =	vadd.s32 $0x7C00, v0;
	v0 =	vmovc v3;
	v3 =	vmov v6;
	v6 =	vmov v11  }
0x12e: {  	s7 =	sadd.s32 $0xA980, s28;
	v11 =	vadd.s32 $0x5000, v1;
	[tilespmem:s2+$0x80] =	vst v19;
	v7 =	vld.idx.msk [tilespmem:v7+s5+$0x0], $0xffff  }
0x12f: {  	s30 =	sadd.s32 $0xEB00, s4;
	v19 =	vadd.s32 $0xC00, v6;
	s21 =	sor.u32 s29, s7;
	s7 =	sor.u32 s26, s7;
	v14 =	vld.idx.msk [tilespmem:v14+s5+$0x0], $0xffff;
	[tilespmem:s8+$0x0] =	vst v12  }
0x130: {  	s8 =	sor.u32 s22, s30;
	v12 =	vld.idx.msk [tilespmem:v15+s5+$0x0], $0xffff;
	[tilespmem:s7+$0x0] =	vst v18;
	v18 =	vadd.s32 $0x5800, v0;
	s7 =	sor.u32 s10, s30  }
0x131: {  	v20 =	vadd.s32 $0xC00, v5;
	v21 =	vld.idx.msk [tilespmem:v10+s5+$0x0], $0xffff;
	[tilespmem:s7+$0x0] =	vst v9  }
0x132: {  	v9 =	vadd.s32 $0x3000, v4;
	[tilespmem:s12+$0x0] =	vst v13;
	s12 =	sadd.s32 $0xCA80, s24;
	v13 =	vld.idx.msk [tilespmem:v16+s5+$0x0], $0xffff  }
0x133: {  	v22 =	vadd.s32 $0x3400, v3;
	[tilespmem:s3+$0x100] =	vst v17;
	v10 =	vld.idx.msk [tilespmem:v11+s5+$0x0], $0xffff;
	s7 =	sor.u32 s25, s12;
	s12 =	sor.u32 s23, s12  }
.Ltmp4:
0x134: {  	v15 =	vld.idx.msk [tilespmem:v19+s5+$0x0], $0xffff;
	[tilespmem:s12+$0x0] =	vst v7;
	(pc) =	sbr.rel @p2 .LBB2_3-.Ltmp4, $4  }
0x135: {  	v11 =	vadd.s32 $0x5400, v1;
	s12 =	sadd.s32 $0xAA00, s28;
	[tilespmem:s2+$0x100] =	vst v14;
	v7 =	vld.idx.msk [tilespmem:v18+s5+$0x0], $0xffff  }
0x136: {  	s4 =	sadd.s32 $0xEB80, s4;
	v17 =	vadd.s32 $0x1000, v6;
	v16 =	vld.idx.msk [tilespmem:v20+s5+$0x0], $0xffff;
	[tilespmem:s21+$0x0] =	vst v12;
	s21 =	sor.u32 s29, s12;
	s12 =	sor.u32 s26, s12  }
0x137: {  	v14 =	vld.idx.msk [tilespmem:v9+s5+$0x0], $0xffff;
	[tilespmem:s12+$0x0] =	vst v21;
	v9 =	vadd.s32 $0x5C00, v0;
	s12 =	sor.u32 s22, s4;
	s4 =	sor.u32 s10, s4;
	s22 =	smov.u32 s25  }
0x138: {  	s16 =	sadd.s32 $0x20, s16;
	v18 =	vadd.s32 $0x1000, v5;
	s25 =	smov.u32 s29;
	s29 =	smov.u32 s15;
	v12 =	vld.idx.msk [tilespmem:v22+s5+$0x0], $0xffff;
	[tilespmem:s4+$0x0] =	vst v13  }
0x139: {  	_ =	sdelay $0x2  }
0x13a: {  	[tilespmem:s3+$0x180] =	vst v15  }
0x13b: {  	v13 =	vld.idx.msk [tilespmem:v17+s5+$0x0], $0xffff;
	[tilespmem:s2+$0x180] =	vst v16  }
0x13c: {  	v22 =	vadd.s32 $0x1400, v6;
	v21 =	vld.idx.msk [tilespmem:v18+s5+$0x0], $0xffff  }
0x13d: {  	v23 =	vadd.s32 $0x1400, v5;
	_ =	sdelay $0x2  }
0x13e: {  	[tilespmem:s3+$0x200] =	vst v13  }
0x13f: {  	v13 =	vld.idx.msk [tilespmem:v22+s5+$0x0], $0xffff;
	[tilespmem:s2+$0x200] =	vst v21  }
0x140: {  	v24 =	vadd.s32 $0x1800, v6;
	v15 =	vld.idx.msk [tilespmem:v23+s5+$0x0], $0xffff  }
0x141: {  	v25 =	vadd.s32 $0x1800, v5;
	_ =	sdelay $0x2  }
0x142: {  	s0 =	sadd.s32 $0x1, s0;
	[tilespmem:s3+$0x280] =	vst v13  }
0x143: {  	s0 =	sand.u32 $0x3, s0;
	v13 =	vld.idx.msk [tilespmem:v24+s5+$0x0], $0xffff;
	[tilespmem:s2+$0x280] =	vst v15  }
0x144: {  	v26 =	vadd.s32 $0x1C00, v6;
	s0 =	sshll.u32 s0, $0x5;
	v15 =	vld.idx.msk [tilespmem:v25+s5+$0x0], $0xffff  }
0x145: {  	v27 =	vadd.s32 $0x1C00, v5;
	s0 =	sadd.s32 s0, s18  }
0x146: {  	s18 =	sadd.s32 $0x10, s0  }
0x147: {  	s30 =	sor.u32 $0x300, s18  }
0x148: {  	s0 =	sor.u32 $0x300, s0;
	[tilespmem:s30+$0x8800] =	vst v13  }
0x149: {  	v13 =	vld.idx.msk [tilespmem:v26+s5+$0x0], $0xffff;
	[tilespmem:s0+$0x8800] =	vst v15  }
0x14a: {  	v28 =	vadd.s32 $0x2000, v6;
	v15 =	vld.idx.msk [tilespmem:v27+s5+$0x0], $0xffff  }
0x14b: {  	v29 =	vadd.s32 $0x2000, v5;
	_ =	sdelay $0x1  }
0x14c: {  	s2 =	sor.u32 $0x380, s18  }
0x14d: {  	[tilespmem:s2+$0x8800] =	vst v13  }
0x14e: {  	v13 =	vld.idx.msk [tilespmem:v28+s5+$0x0], $0xffff;
	[tilespmem:s11+$0x8800] =	vst v15  }
0x14f: {  	v30 =	vadd.s32 $0x2400, v6;
	v31 =	vld.idx.msk [tilespmem:v29+s5+$0x0], $0xffff  }
0x150: {  	v32 =	vadd.s32 $0x2400, v5  }
0x151: {  	s3 =	sadd.s32 $0xA800, s1  }
0x152: {  	s4 =	sor.u32 s31, s3  }
0x153: {  	s0 =	sor.u32 s29, s3;
	[tilespmem:s4+$0x0] =	vst v13  }
0x154: {  	v13 =	vld.idx.msk [tilespmem:v30+s5+$0x0], $0xffff;
	[tilespmem:s0+$0x0] =	vst v31  }
0x155: {  	v33 =	vadd.s32 $0x2800, v6;
	v16 =	vld.idx.msk [tilespmem:v32+s5+$0x0], $0xffff  }
0x156: {  	v34 =	vadd.s32 $0x2800, v5  }
0x157: {  	s6 =	sadd.s32 $0xA880, s1  }
0x158: {  	s9 =	sor.u32 s31, s6  }
0x159: {  	s0 =	sor.u32 s29, s6;
	[tilespmem:s9+$0x0] =	vst v13  }
0x15a: {  	v13 =	vld.idx.msk [tilespmem:v33+s5+$0x0], $0xffff;
	[tilespmem:s0+$0x0] =	vst v16  }
0x15b: {  	v35 =	vadd.s32 $0x2C00, v6;
	v16 =	vld.idx.msk [tilespmem:v34+s5+$0x0], $0xffff  }
0x15c: {  	v36 =	vadd.s32 $0x2C00, v5  }
0x15d: {  	s10 =	sadd.s32 $0xA900, s1  }
0x15e: {  	s11 =	sor.u32 s31, s10  }
0x15f: {  	s0 =	sor.u32 s29, s10;
	[tilespmem:s11+$0x0] =	vst v13  }
0x160: {  	v13 =	vld.idx.msk [tilespmem:v35+s5+$0x0], $0xffff;
	[tilespmem:s0+$0x0] =	vst v16  }
0x161: {  	v37 =	vadd.s32 $0x3000, v6;
	v16 =	vld.idx.msk [tilespmem:v36+s5+$0x0], $0xffff  }
0x162: {  	v38 =	vadd.s32 $0x3000, v5  }
0x163: {  	s15 =	sadd.s32 $0xA980, s1  }
0x164: {  	s16 =	sor.u32 s31, s15  }
0x165: {  	s0 =	sor.u32 s29, s15;
	[tilespmem:s16+$0x0] =	vst v13  }
0x166: {  	v39 =	vadd.s32 $0x3400, v4;
	v15 =	vld.idx.msk [tilespmem:v37+s5+$0x0], $0xffff;
	[tilespmem:s0+$0x0] =	vst v16  }
0x167: {  	v40 =	vadd.s32 $0x3400, v6;
	v17 =	vld.idx.msk [tilespmem:v38+s5+$0x0], $0xffff  }
0x168: {  	v41 =	vadd.s32 $0x3400, v5  }
0x169: {  	s18 =	sadd.s32 $0xAA00, s1  }
0x16a: {  	[tilespmem:s21+$0x0] =	vst v14;
	s30 =	sor.u32 s31, s18  }
0x16b: {  	v42 =	vadd.s32 $0x3800, v3;
	v13 =	vld.idx.msk [tilespmem:v39+s5+$0x0], $0xffff;
	s0 =	sor.u32 s29, s18;
	[tilespmem:s30+$0x0] =	vst v15  }
0x16c: {  	v43 =	vadd.s32 $0x3800, v4;
	v16 =	vld.idx.msk [tilespmem:v40+s5+$0x0], $0xffff;
	[tilespmem:s0+$0x0] =	vst v17  }
0x16d: {  	v44 =	vadd.s32 $0x3800, v6;
	s2 =	sadd.s32 $0xAA80, s28;
	v18 =	vld.idx.msk [tilespmem:v41+s5+$0x0], $0xffff  }
0x16e: {  	v19 =	vadd.s32 $0x3800, v5;
	s3 =	sor.u32 s26, s2  }
0x16f: {  	[tilespmem:s3+$0x0] =	vst v12;
	s4 =	sadd.s32 $0xAA80, s1;
	s0 =	sor.u32 s25, s2  }
0x170: {  	v12 =	vld.idx.msk [tilespmem:v42+s5+$0x0], $0xffff;
	s6 =	sor.u32 s31, s4;
	[tilespmem:s0+$0x0] =	vst v13  }
0x171: {  	v45 =	vadd.s32 $0x3C00, v3;
	s2 =	sor.u32 s29, s4;
	v46 =	vld.idx.msk [tilespmem:v43+s5+$0x0], $0xffff;
	[tilespmem:s6+$0x0] =	vst v16  }
0x172: {  	v47 =	vadd.s32 $0x3C00, v4;
	v16 =	vld.idx.msk [tilespmem:v44+s5+$0x0], $0xffff;
	[tilespmem:s2+$0x0] =	vst v18  }
0x173: {  	v48 =	vadd.s32 $0x3C00, v6;
	s9 =	sadd.s32 $0xAB00, s28;
	v18 =	vld.idx.msk [tilespmem:v19+s5+$0x0], $0xffff  }
0x174: {  	v49 =	vadd.s32 $0x3C00, v5;
	s10 =	sor.u32 s26, s9  }
0x175: {  	[tilespmem:s10+$0x0] =	vst v12;
	s11 =	sadd.s32 $0xAB00, s1;
	s0 =	sor.u32 s25, s9  }
0x176: {  	v12 =	vld.idx.msk [tilespmem:v45+s5+$0x0], $0xffff;
	s15 =	sor.u32 s31, s11;
	[tilespmem:s0+$0x0] =	vst v46  }
0x177: {  	v50 =	vadd.s32 $0x4000, v3;
	s2 =	sor.u32 s29, s11;
	v14 =	vld.idx.msk [tilespmem:v47+s5+$0x0], $0xffff;
	[tilespmem:s15+$0x0] =	vst v16  }
0x178: {  	v51 =	vadd.s32 $0x4000, v4;
	v16 =	vld.idx.msk [tilespmem:v48+s5+$0x0], $0xffff;
	[tilespmem:s2+$0x0] =	vst v18  }
0x179: {  	v52 =	vadd.s32 $0x4000, v6;
	s16 =	sadd.s32 $0xAB80, s28;
	v18 =	vld.idx.msk [tilespmem:v49+s5+$0x0], $0xffff  }
0x17a: {  	v53 =	vadd.s32 $0x4000, v5;
	s18 =	sor.u32 s26, s16  }
0x17b: {  	s21 =	sadd.s32 $0xAB80, s1;
	[tilespmem:s18+$0x0] =	vst v12;
	s0 =	sor.u32 s25, s16  }
0x17c: {  	v12 =	vld.idx.msk [tilespmem:v50+s5+$0x0], $0xffff;
	s30 =	sor.u32 s31, s21;
	[tilespmem:s0+$0x0] =	vst v14  }
0x17d: {  	v54 =	vadd.s32 $0x4400, v3;
	s2 =	sor.u32 s29, s21;
	v14 =	vld.idx.msk [tilespmem:v51+s5+$0x0], $0xffff;
	[tilespmem:s30+$0x0] =	vst v16  }
0x17e: {  	v55 =	vadd.s32 $0x4400, v4;
	v16 =	vld.idx.msk [tilespmem:v52+s5+$0x0], $0xffff;
	[tilespmem:s2+$0x0] =	vst v18  }
0x17f: {  	v56 =	vadd.s32 $0x4400, v6;
	s3 =	sadd.s32 $0xC800, s28;
	v18 =	vld.idx.msk [tilespmem:v53+s5+$0x0], $0xffff  }
0x180: {  	v57 =	vadd.s32 $0x4400, v5;
	s4 =	sor.u32 s26, s3  }
0x181: {  	[tilespmem:s4+$0x0] =	vst v12;
	s6 =	sadd.s32 $0xC800, s1;
	s0 =	sor.u32 s25, s3  }
0x182: {  	v12 =	vld.idx.msk [tilespmem:v54+s5+$0x0], $0xffff;
	s9 =	sor.u32 s31, s6;
	[tilespmem:s0+$0x0] =	vst v14  }
0x183: {  	v58 =	vadd.s32 $0x4800, v3;
	s2 =	sor.u32 s29, s6;
	v14 =	vld.idx.msk [tilespmem:v55+s5+$0x0], $0xffff;
	[tilespmem:s9+$0x0] =	vst v16  }
0x184: {  	v59 =	vadd.s32 $0x4800, v4;
	v16 =	vld.idx.msk [tilespmem:v56+s5+$0x0], $0xffff;
	[tilespmem:s2+$0x0] =	vst v18  }
0x185: {  	v60 =	vadd.s32 $0x4800, v6;
	s10 =	sadd.s32 $0xC880, s28;
	v18 =	vld.idx.msk [tilespmem:v57+s5+$0x0], $0xffff  }
0x186: {  	v61 =	vadd.s32 $0x4800, v5;
	s11 =	sor.u32 s26, s10  }
0x187: {  	[tilespmem:s11+$0x0] =	vst v12;
	s15 =	sadd.s32 $0xC880, s1;
	s0 =	sor.u32 s25, s10  }
0x188: {  	v12 =	vld.idx.msk [tilespmem:v58+s5+$0x0], $0xffff;
	s16 =	sor.u32 s31, s15;
	[tilespmem:s0+$0x0] =	vst v14  }
0x189: {  	v62 =	vadd.s32 $0x4C00, v3;
	s18 =	sor.u32 s29, s15;
	v14 =	vld.idx.msk [tilespmem:v59+s5+$0x0], $0xffff;
	[tilespmem:s16+$0x0] =	vst v16  }
0x18a: {  	v63 =	vadd.s32 $0x4C00, v4;
	v16 =	vld.idx.msk [tilespmem:v60+s5+$0x0], $0xffff;
	[tilespmem:s18+$0x0] =	vst v18  }
0x18b: {  	[tilespmem:s13+$0x0] =	vst v10;
	v21 =	vadd.s32 $0x4C00, v6;
	s21 =	sadd.s32 $0xC900, s28;
	v18 =	vld.idx.msk [tilespmem:v61+s5+$0x0], $0xffff  }
0x18c: {  	[tilespmem:s14+$0x0] =	vst v8;
	v11 =	vld.idx.msk [tilespmem:v11+s5+$0x0], $0xffff;
	v22 =	vadd.s32 $0x4C00, v5;
	s30 =	sor.u32 s26, s21  }
0x18d: {  	s3 =	sadd.s32 $0xC900, s1;
	[tilespmem:s30+$0x0] =	vst v12;
	s0 =	sor.u32 s25, s21  }
0x18e: {  	v28 =	vadd.s32 $0x5800, v1;
	s4 =	sor.u32 s31, s3;
	v12 =	vld.idx.msk [tilespmem:v62+s5+$0x0], $0xffff;
	[tilespmem:s0+$0x0] =	vst v14  }
0x18f: {  	v23 =	vadd.s32 $0x5000, v3;
	s9 =	sor.u32 s29, s3;
	v14 =	vld.idx.msk [tilespmem:v63+s5+$0x0], $0xffff;
	[tilespmem:s4+$0x0] =	vst v16  }
0x190: {  	v24 =	vadd.s32 $0x5000, v4;
	s6 =	sadd.s32 $0xCB00, s24;
	v16 =	vld.idx.msk [tilespmem:v21+s5+$0x0], $0xffff;
	[tilespmem:s9+$0x0] =	vst v18  }
0x191: {  	[tilespmem:s7+$0x0] =	vst v11;
	v25 =	vadd.s32 $0x5000, v6;
	s11 =	sadd.s32 $0xC980, s28;
	s10 =	sor.u32 s23, s6;
	v10 =	vld.idx.msk [tilespmem:v22+s5+$0x0], $0xffff  }
0x192: {  	v26 =	vadd.s32 $0x5000, v5;
	s13 =	sor.u32 s26, s11;
	[tilespmem:s10+$0x0] =	vst v7  }
0x193: {  	s14 =	sadd.s32 $0xC980, s1;
	[tilespmem:s13+$0x0] =	vst v12;
	v12 =	vld.idx.msk [tilespmem:v28+s5+$0x0], $0xffff;
	s0 =	sor.u32 s25, s11  }
0x194: {  	v27 =	vadd.s32 $0x7000, v2;
	s15 =	sor.u32 s31, s14;
	v13 =	vld.idx.msk [tilespmem:v23+s5+$0x0], $0xffff;
	[tilespmem:s0+$0x0] =	vst v14  }
0x195: {  	v29 =	vadd.s32 $0x5400, v3;
	s2 =	sor.u32 s29, s14;
	v15 =	vld.idx.msk [tilespmem:v24+s5+$0x0], $0xffff;
	[tilespmem:s15+$0x0] =	vst v16  }
0x196: {  	v30 =	vadd.s32 $0x5400, v4;
	v7 =	vld.idx.msk [tilespmem:v25+s5+$0x0], $0xffff;
	[tilespmem:s2+$0x0] =	vst v10  }
0x197: {  	v31 =	vadd.s32 $0x5400, v6;
	s6 =	sor.u32 s22, s6;
	s4 =	sadd.s32 $0xCA00, s28;
	v8 =	vld.idx.msk [tilespmem:v26+s5+$0x0], $0xffff  }
0x198: {  	v33 =	vadd.s32 $0x5400, v5;
	v9 =	vld.idx.msk [tilespmem:v9+s5+$0x0], $0xffff;
	[tilespmem:s6+$0x0] =	vst v12;
	s18 =	sor.u32 s26, s4  }
0x199: {  	v32 =	vld.idx.msk [tilespmem:v27+s5+$0x0], $0xffff;
	v41 =	vadd.s32 $0x5C00, v1;
	s21 =	sadd.s32 $0xCA00, s1;
	s4 =	sor.u32 s25, s4;
	[tilespmem:s18+$0x0] =	vst v13  }
0x19a: {  	v35 =	vadd.s32 $0x7400, v2;
	s30 =	sor.u32 s31, s21;
	v14 =	vld.idx.msk [tilespmem:v29+s5+$0x0], $0xffff;
	[tilespmem:s4+$0x0] =	vst v15  }
0x19b: {  	v36 =	vadd.s32 $0x5800, v3;
	s0 =	sadd.s32 $0xCB80, s24;
	s2 =	sor.u32 s29, s21;
	v15 =	vld.idx.msk [tilespmem:v30+s5+$0x0], $0xffff;
	[tilespmem:s30+$0x0] =	vst v7  }
0x19c: {  	v37 =	vadd.s32 $0x5800, v4;
	s16 =	sor.u32 s23, s0;
	v10 =	vld.idx.msk [tilespmem:v31+s5+$0x0], $0xffff;
	[tilespmem:s2+$0x0] =	vst v8  }
0x19d: {  	s7 =	sadd.s32 $0xCA80, s28;
	v38 =	vadd.s32 $0x5800, v6;
	[tilespmem:s16+$0x0] =	vst v9;
	v9 =	vld.idx.msk [tilespmem:v33+s5+$0x0], $0xffff  }
0x19e: {  	[tilespmem:s19+$0x0] =	vst v32;
	v40 =	vadd.s32 $0x5800, v5;
	v46 =	vld.idx.msk [tilespmem:v41+s5+$0x0], $0xffff;
	s9 =	sor.u32 s26, s7  }
0x19f: {  	v34 =	vadd.s32 $0x6000, v0;
	s10 =	sadd.s32 $0xCA80, s1;
	s3 =	sor.u32 s25, s7;
	v13 =	vld.idx.msk [tilespmem:v35+s5+$0x0], $0xffff;
	[tilespmem:s9+$0x0] =	vst v14  }
0x1a0: {  	v48 =	vadd.s32 $0x7800, v2;
	s11 =	sor.u32 s31, s10;
	v7 =	vld.idx.msk [tilespmem:v36+s5+$0x0], $0xffff;
	[tilespmem:s3+$0x0] =	vst v15  }
0x1a1: {  	v43 =	vadd.s32 $0x5C00, v3;
	s2 =	sor.u32 s29, s10;
	v8 =	vld.idx.msk [tilespmem:v37+s5+$0x0], $0xffff;
	[tilespmem:s11+$0x0] =	vst v10  }
0x1a2: {  	v44 =	vadd.s32 $0x5C00, v4;
	s0 =	sor.u32 s22, s0;
	v11 =	vld.idx.msk [tilespmem:v38+s5+$0x0], $0xffff;
	[tilespmem:s2+$0x0] =	vst v9  }
0x1a3: {  	v45 =	vadd.s32 $0x5C00, v6;
	[tilespmem:s0+$0x0] =	vst v46;
	s15 =	sadd.s32 $0xCB00, s28;
	v12 =	vld.idx.msk [tilespmem:v40+s5+$0x0], $0xffff  }
0x1a4: {  	v47 =	vadd.s32 $0x5C00, v5;
	v39 =	vld.idx.msk [tilespmem:v34+s5+$0x0], $0xffff;
	[tilespmem:s17+$0x0] =	vst v13;
	s16 =	sor.u32 s26, s15  }
0x1a5: {  	v42 =	vadd.s32 $0x6400, v0;
	s17 =	sadd.s32 $0xCB00, s1;
	v53 =	vld.idx.msk [tilespmem:v48+s5+$0x0], $0xffff;
	[tilespmem:s16+$0x0] =	vst v7;
	s2 =	sor.u32 s25, s15  }
0x1a6: {  	v49 =	vadd.s32 $0x6000, v1;
	s18 =	sor.u32 s31, s17;
	v10 =	vld.idx.msk [tilespmem:v43+s5+$0x0], $0xffff;
	[tilespmem:s2+$0x0] =	vst v8  }
0x1a7: {  	v50 =	vadd.s32 $0x6000, v3;
	s13 =	sadd.s32 $0xE800, s24;
	s4 =	sor.u32 s29, s17;
	v9 =	vld.idx.msk [tilespmem:v44+s5+$0x0], $0xffff;
	[tilespmem:s18+$0x0] =	vst v11  }
0x1a8: {  	v51 =	vadd.s32 $0x6000, v4;
	s14 =	sor.u32 s23, s13;
	v15 =	vld.idx.msk [tilespmem:v45+s5+$0x0], $0xffff;
	[tilespmem:s4+$0x0] =	vst v12  }
0x1a9: {  	v52 =	vadd.s32 $0x6000, v6;
	[tilespmem:s14+$0x0] =	vst v39;
	s30 =	sadd.s32 $0xCB80, s28;
	v13 =	vld.idx.msk [tilespmem:v47+s5+$0x0], $0xffff  }
0x1aa: {  	v54 =	vadd.s32 $0x6000, v5;
	v14 =	vld.idx.msk [tilespmem:v42+s5+$0x0], $0xffff;
	s6 =	sor.u32 s26, s30;
	[tilespmem:s8+$0x0] =	vst v53  }
0x1ab: {  	v62 =	vadd.s32 $0x7C00, v2;
	s7 =	sadd.s32 $0xCB80, s1;
	v7 =	vld.idx.msk [tilespmem:v49+s5+$0x0], $0xffff;
	[tilespmem:s6+$0x0] =	vst v10;
	s4 =	sor.u32 s25, s30  }
0x1ac: {  	v56 =	vadd.s32 $0x6400, v1;
	s9 =	sor.u32 s31, s7;
	v8 =	vld.idx.msk [tilespmem:v50+s5+$0x0], $0xffff;
	[tilespmem:s4+$0x0] =	vst v9  }
0x1ad: {  	s19 =	sadd.s32 $0xE880, s24;
	v57 =	vadd.s32 $0x6400, v3;
	s0 =	sor.u32 s29, s7;
	v11 =	vld.idx.msk [tilespmem:v51+s5+$0x0], $0xffff;
	[tilespmem:s9+$0x0] =	vst v15  }
0x1ae: {  	v58 =	vadd.s32 $0x6400, v4;
	s21 =	sor.u32 s23, s19;
	v12 =	vld.idx.msk [tilespmem:v52+s5+$0x0], $0xffff;
	[tilespmem:s0+$0x0] =	vst v13  }
0x1af: {  	v59 =	vadd.s32 $0x6400, v6;
	s10 =	sor.u32 s22, s13;
	[tilespmem:s21+$0x0] =	vst v14;
	s11 =	sadd.s32 $0xE800, s28;
	v14 =	vld.idx.msk [tilespmem:v54+s5+$0x0], $0xffff  }
0x1b0: {  	v61 =	vadd.s32 $0x6400, v5;
	v2 =	vld.idx.msk [tilespmem:v62+s5+$0x0], $0xffff;
	s13 =	sor.u32 s26, s11;
	[tilespmem:s10+$0x0] =	vst v7  }
0x1b1: {  	v55 =	vadd.s32 $0x6800, v0;
	s14 =	sadd.s32 $0xE800, s1;
	s3 =	sor.u32 s25, s11;
	v10 =	vld.idx.msk [tilespmem:v56+s5+$0x0], $0xffff;
	[tilespmem:s13+$0x0] =	vst v8  }
0x1b2: {  	v63 =	vadd.s32 $0x6800, v1;
	s15 =	sor.u32 s31, s14;
	v9 =	vld.idx.msk [tilespmem:v57+s5+$0x0], $0xffff;
	[tilespmem:s3+$0x0] =	vst v11  }
0x1b3: {  	v20 =	vadd.s32 $0x6800, v3;
	s0 =	sor.u32 s29, s14;
	v21 =	vld.idx.msk [tilespmem:v58+s5+$0x0], $0xffff;
	[tilespmem:s15+$0x0] =	vst v12  }
0x1b4: {  	v22 =	vadd.s32 $0x6800, v4;
	v23 =	vld.idx.msk [tilespmem:v59+s5+$0x0], $0xffff;
	[tilespmem:s0+$0x0] =	vst v14  }
0x1b5: {  	v24 =	vadd.s32 $0x6800, v6;
	[tilespmem:s12+$0x0] =	vst v2;
	s2 =	sor.u32 s22, s19;
	s18 =	sadd.s32 $0xE880, s28;
	v7 =	vld.idx.msk [tilespmem:v61+s5+$0x0], $0xffff  }
0x1b6: {  	v25 =	vadd.s32 $0x6800, v5;
	v60 =	vld.idx.msk [tilespmem:v55+s5+$0x0], $0xffff;
	s19 =	sor.u32 s26, s18;
	[tilespmem:s2+$0x0] =	vst v10  }
0x1b7: {  	v26 =	vadd.s32 $0x6C00, v0;
	s21 =	sadd.s32 $0xE880, s1;
	v8 =	vld.idx.msk [tilespmem:v63+s5+$0x0], $0xffff;
	[tilespmem:s19+$0x0] =	vst v9;
	s0 =	sor.u32 s25, s18  }
0x1b8: {  	v27 =	vadd.s32 $0x6C00, v1;
	s30 =	sor.u32 s31, s21;
	v11 =	vld.idx.msk [tilespmem:v20+s5+$0x0], $0xffff;
	[tilespmem:s0+$0x0] =	vst v21  }
0x1b9: {  	v28 =	vadd.s32 $0x6C00, v3;
	s16 =	sadd.s32 $0xE900, s24;
	s4 =	sor.u32 s29, s21;
	v13 =	vld.idx.msk [tilespmem:v22+s5+$0x0], $0xffff;
	[tilespmem:s30+$0x0] =	vst v23  }
0x1ba: {  	v29 =	vadd.s32 $0x6C00, v4;
	s17 =	sor.u32 s23, s16;
	v14 =	vld.idx.msk [tilespmem:v24+s5+$0x0], $0xffff;
	[tilespmem:s4+$0x0] =	vst v7  }
0x1bb: {  	s7 =	sadd.s32 $0xE900, s28;
	v30 =	vadd.s32 $0x6C00, v6;
	[tilespmem:s17+$0x0] =	vst v60;
	s6 =	sor.u32 s22, s16;
	v10 =	vld.idx.msk [tilespmem:v25+s5+$0x0], $0xffff  }
0x1bc: {  	v32 =	vadd.s32 $0x6C00, v5;
	s8 =	sor.u32 s26, s7;
	v31 =	vld.idx.msk [tilespmem:v26+s5+$0x0], $0xffff;
	[tilespmem:s6+$0x0] =	vst v8  }
0x1bd: {  	v33 =	vadd.s32 $0x7000, v0;
	s10 =	sadd.s32 $0xE900, s1;
	s9 =	sor.u32 s25, s7;
	v9 =	vld.idx.msk [tilespmem:v27+s5+$0x0], $0xffff;
	[tilespmem:s8+$0x0] =	vst v11  }
0x1be: {  	v34 =	vadd.s32 $0x7000, v1;
	s11 =	sor.u32 s31, s10;
	v12 =	vld.idx.msk [tilespmem:v28+s5+$0x0], $0xffff;
	[tilespmem:s9+$0x0] =	vst v13  }
0x1bf: {  	v35 =	vadd.s32 $0x7000, v3;
	s12 =	sadd.s32 $0xE980, s24;
	s2 =	sor.u32 s29, s10;
	v7 =	vld.idx.msk [tilespmem:v29+s5+$0x0], $0xffff;
	[tilespmem:s11+$0x0] =	vst v14  }
0x1c0: {  	v36 =	vadd.s32 $0x7000, v4;
	s13 =	sor.u32 s23, s12;
	v2 =	vld.idx.msk [tilespmem:v30+s5+$0x0], $0xffff;
	[tilespmem:s2+$0x0] =	vst v10  }
0x1c1: {  	v37 =	vadd.s32 $0x7000, v6;
	[tilespmem:s13+$0x0] =	vst v31;
	s14 =	sadd.s32 $0xE980, s28;
	s0 =	sor.u32 s22, s12;
	v8 =	vld.idx.msk [tilespmem:v32+s5+$0x0], $0xffff  }
0x1c2: {  	v38 =	vadd.s32 $0x7000, v5;
	v15 =	vld.idx.msk [tilespmem:v33+s5+$0x0], $0xffff;
	s15 =	sor.u32 s26, s14;
	[tilespmem:s0+$0x0] =	vst v9  }
0x1c3: {  	v39 =	vadd.s32 $0x7400, v0;
	s16 =	sadd.s32 $0xE980, s1;
	v11 =	vld.idx.msk [tilespmem:v34+s5+$0x0], $0xffff;
	[tilespmem:s15+$0x0] =	vst v12;
	s2 =	sor.u32 s25, s14  }
0x1c4: {  	v40 =	vadd.s32 $0x7400, v1;
	s17 =	sor.u32 s31, s16;
	v13 =	vld.idx.msk [tilespmem:v35+s5+$0x0], $0xffff;
	[tilespmem:s2+$0x0] =	vst v7  }
0x1c5: {  	v41 =	vadd.s32 $0x7400, v3;
	s18 =	sadd.s32 $0xEA00, s24;
	s0 =	sor.u32 s29, s16;
	v7 =	vld.idx.msk [tilespmem:v36+s5+$0x0], $0xffff;
	[tilespmem:s17+$0x0] =	vst v2  }
0x1c6: {  	v42 =	vadd.s32 $0x7400, v4;
	s19 =	sor.u32 s23, s18;
	v43 =	vld.idx.msk [tilespmem:v37+s5+$0x0], $0xffff;
	[tilespmem:s0+$0x0] =	vst v8  }
0x1c7: {  	v44 =	vadd.s32 $0x7400, v6;
	s21 =	sor.u32 s22, s18;
	[tilespmem:s19+$0x0] =	vst v15;
	s30 =	sadd.s32 $0xEA00, s28;
	v9 =	vld.idx.msk [tilespmem:v38+s5+$0x0], $0xffff  }
0x1c8: {  	v45 =	vadd.s32 $0x7400, v5;
	v15 =	vld.idx.msk [tilespmem:v39+s5+$0x0], $0xffff;
	s3 =	sor.u32 s26, s30;
	[tilespmem:s21+$0x0] =	vst v11  }
0x1c9: {  	v46 =	vadd.s32 $0x7800, v0;
	s6 =	sadd.s32 $0xEA00, s1;
	s4 =	sor.u32 s25, s30;
	v12 =	vld.idx.msk [tilespmem:v40+s5+$0x0], $0xffff;
	[tilespmem:s3+$0x0] =	vst v13  }
0x1ca: {  	v47 =	vadd.s32 $0x7800, v1;
	s7 =	sor.u32 s31, s6;
	v2 =	vld.idx.msk [tilespmem:v41+s5+$0x0], $0xffff;
	[tilespmem:s4+$0x0] =	vst v7  }
0x1cb: {  	v48 =	vadd.s32 $0x7800, v3;
	s8 =	sadd.s32 $0xEA80, s24;
	s2 =	sor.u32 s29, s6;
	v8 =	vld.idx.msk [tilespmem:v42+s5+$0x0], $0xffff;
	[tilespmem:s7+$0x0] =	vst v43  }
0x1cc: {  	v49 =	vadd.s32 $0x7800, v4;
	s9 =	sor.u32 s23, s8;
	v10 =	vld.idx.msk [tilespmem:v44+s5+$0x0], $0xffff;
	[tilespmem:s2+$0x0] =	vst v9  }
0x1cd: {  	v50 =	vadd.s32 $0x7800, v6;
	s10 =	sadd.s32 $0xEA80, s28;
	[tilespmem:s9+$0x0] =	vst v15;
	s0 =	sor.u32 s22, s8;
	v11 =	vld.idx.msk [tilespmem:v45+s5+$0x0], $0xffff  }
0x1ce: {  	v51 =	vadd.s32 $0x7800, v5;
	v15 =	vld.idx.msk [tilespmem:v46+s5+$0x0], $0xffff;
	s11 =	sor.u32 s26, s10;
	[tilespmem:s0+$0x0] =	vst v12  }
0x1cf: {  	v52 =	vadd.s32 $0x7C00, v0;
	s12 =	sadd.s32 $0xEA80, s1;
	v13 =	vld.idx.msk [tilespmem:v47+s5+$0x0], $0xffff;
	[tilespmem:s11+$0x0] =	vst v2;
	s2 =	sor.u32 s25, s10  }
0x1d0: {  	v53 =	vadd.s32 $0x7C00, v1;
	s13 =	sor.u32 s31, s12;
	v2 =	vld.idx.msk [tilespmem:v48+s5+$0x0], $0xffff;
	[tilespmem:s2+$0x0] =	vst v8  }
0x1d1: {  	v54 =	vadd.s32 $0x7C00, v3;
	s14 =	sadd.s32 $0xEB00, s24;
	s0 =	sor.u32 s29, s12;
	v55 =	vld.idx.msk [tilespmem:v49+s5+$0x0], $0xffff;
	[tilespmem:s13+$0x0] =	vst v10  }
0x1d2: {  	v56 =	vadd.s32 $0x7C00, v4;
	s15 =	sor.u32 s23, s14;
	v57 =	vld.idx.msk [tilespmem:v50+s5+$0x0], $0xffff;
	[tilespmem:s0+$0x0] =	vst v11  }
0x1d3: {  	v58 =	vadd.s32 $0x7C00, v6;
	s16 =	sadd.s32 $0xEB00, s28;
	[tilespmem:s15+$0x0] =	vst v15;
	s2 =	sor.u32 s22, s14;
	v59 =	vld.idx.msk [tilespmem:v51+s5+$0x0], $0xffff  }
0x1d4: {  	v60 =	vadd.s32 $0x7C00, v5;
	v0 =	vld.idx.msk [tilespmem:v52+s5+$0x0], $0xffff;
	s17 =	sor.u32 s26, s16;
	[tilespmem:s2+$0x0] =	vst v13  }
0x1d5: {  	s18 =	sadd.s32 $0xEB00, s1;
	v1 =	vld.idx.msk [tilespmem:v53+s5+$0x0], $0xffff;
	[tilespmem:s17+$0x0] =	vst v2;
	s0 =	sor.u32 s25, s16  }
0x1d6: {  	s19 =	sor.u32 s31, s18;
	v2 =	vld.idx.msk [tilespmem:v54+s5+$0x0], $0xffff;
	[tilespmem:s0+$0x0] =	vst v55  }
0x1d7: {  	s21 =	sadd.s32 $0xEB80, s24;
	s2 =	sor.u32 s29, s18;
	v61 =	vld.idx.msk [tilespmem:v56+s5+$0x0], $0xffff;
	[tilespmem:s19+$0x0] =	vst v57  }
0x1d8: {  	s23 =	sor.u32 s23, s21;
	v62 =	vld.idx.msk [tilespmem:v58+s5+$0x0], $0xffff;
	[tilespmem:s2+$0x0] =	vst v59  }
0x1d9: {  	s24 =	sadd.s32 $0xEB80, s28;
	[tilespmem:s23+$0x0] =	vst v0;
	s0 =	sor.u32 s22, s21;
	v63 =	vld.idx.msk [tilespmem:v60+s5+$0x0], $0xffff  }
0x1da: {  	s28 =	sor.u32 s26, s24;
	s3 =	smul.u32 $0x1F4000, s20;
	[tilespmem:s0+$0x0] =	vst v1  }
0x1db: {  	s30 =	sadd.s32 $0xEB80, s1;
	[tilespmem:s28+$0x0] =	vst v2;
	s2 =	sor.u32 s25, s24  }
0x1dc: {  	s1 =	sor.u32 s31, s30;
	s4 =	rddreg [dreg:$0x2];
	[tilespmem:s2+$0x0] =	vst v61;
	s2 =	sshrl.u32 @p0 s3, $0x3  }
0x1dd: {  	s0 =	sor.u32 s29, s30;
	[tilespmem:s1+$0x0] =	vst v62;
	s1 =	sadd.s32 @p0 s4, s2  }
0x1de: {  	s2 =	simm.s32 @p0 $0x8800;
	[tilespmem:s0+$0x0] =	vst v63;
	s0 =	sadd.s32 @p0 $0x1F000, s1;
	s1 =	simm.s32 @p0 $0x0  }
0x1df: {  	[hbm4b:s0+s1] =	stream.linear.scatter @p0 [tilespmem:s2], [sflag:$0x3], $0x2000, $0x38;
	[tilespmem:$0x18800] =	vst v63  }
0x1e0: {  	s0 =	rddreg [dreg:$0x6]  }
0x1e1: {  	s0 =	sadd.s32 @!p0 s0, s3  }
0x1e2: {  	s0 =	sshrl.u32 @!p0 s0, $0x3  }
0x1e3: {  	s1 =	simm.s32 @!p0 $0x0;
	s2 =	simm.s32 @!p0 $0x8800;
	s0 =	sadd.s32 @!p0 s4, s0  }
0x1e4: {  	[hbm4b:s0+s1] =	stream.linear.scatter @!p0 [tilespmem:s2], [sflag:$0x3], $0x8000, $0x38;
	[tilespmem:$0x18800] =	vst v63  }
0x1e5: {  	p2 =	seq.s32 s20, $0x18;
	s31 =	simm.s32 $0x2;
	s0 =	rddreg [dreg:$0xa]  }
0x1e6: {  	p3 =	seq.s32 @!p2 s20, $0x0;
	s0 =	sadd.s32 @!p2 $0x2, s0;
	_ =	swait.ge [sflag:s31], $0x400  }
0x1e7: {  	s3 =	simm.s32 @!p2 $0x8000;
	s1 =	sshll.u32 @!p2 s0, $0x4;
	[sflag:s31] =	ssyncset.done $0x0  }
0x1e8: {  	s0 =	sshll.u32 @!p2 s0, $0x7;
	s1 =	sand.u32 @!p2 $0x60, s1;
	s2 =	rddreg [dreg:$0x1]  }
0x1e9: {  	s0 =	sand.u32 @!p2 $0x3C00, s0;
	[sflag:s31] =	ssyncadd.s32 $0xFFFFFC00;
	s1 =	sadd.s32 @!p2 s2, s1  }
0x1ea: {  	s2 =	simm.s32 @!p2 $0x400;
	s0 =	sadd.s32 @!p2 s0, s1;
	s1 =	simm.s32 @!p2 $0x80  }
0x1eb: {  	[tilespmem:s3], [sflag:$0x1] =	stream.strided.gather @!p2 [hbm4b:s0+s1], $0x400, s2, s1, $0x38;
	[tilespmem:$0x18800] =	vst v63  }
0x1ec: {  	p2 =	por p2, !p3  }
.Ltmp5:
0x1ed: {  	_ = 	snop;
	(pc) =	sbr.rel @!p2 .LBB2_6-.Ltmp5, $1  }
0x1ee: {  	_ =	sdelay $0x3  }
0x1ef: {  	s0 =	simm.s32 @p0 $0x4  }
0x1f0: {  	_ =	swait.ge @p0 [sflag:s0], $0x2000  }
0x1f1: {  	[sflag:s0] =	ssyncset.done @p0 $0x0  }
0x1f2: {  	[sflag:s0] =	ssyncadd.s32 @p0 $0xFFFFE000;
	s0 =	simm.s32 @!p0 $0x4  }
0x1f3: {  	_ =	swait.ge @!p0 [sflag:s0], $0x8000  }
0x1f4: {  	[sflag:s0] =	ssyncset.done @!p0 $0x0  }
0x1f5: {  	[sflag:s0] =	ssyncadd.s32 @!p0 $0xFFFF8000  }
.LBB2_6:
0x1f6: {  	s1 =	simm.s32 $0x0  }
0x1f7: {  	s6 =	sand.u32 $0x60, s1  }
0x1f8: {  	s0 =	sand.u32 $0x380, s1;
	s12 =	sor.u32 $0x10, s6  }
0x1f9: {  	s0 =	sor.u32 s12, s0  }
0x1fa: {  	v7 =	vld [tilespmem:s0+$0x8400];
	_ =	sdelay $0x7  }
0x1fb: {  	v0 =	vld.idx.msk [tilespmem:v7+s5+$0x0], $0xffff  }
0x1fc: {  	s2 =	simm.s32 $0x8400;
	v1 =	vadd.s32 $0x400, v7  }
0x1fd: {  	s31 =	sand.u32 $0x1C00, s1;
	v2 =	vld [tilespmem:s2+$0x0]  }
0x1fe: {  	s3 =	sadd.s32 $0x10800, s31  }
0x1ff: {  	s2 =	sor.u32 s12, s3  }
0x200: {  	[tilespmem:s2+$0x0] =	vst v0  }
0x201: {  	v0 =	vld.idx.msk [tilespmem:v1+s5+$0x0], $0xffff  }
0x202: {  	v1 =	vadd.s32 $0x800, v7;
	_ =	sdelay $0x2  }
0x203: {  	v3 =	vld.idx.msk [tilespmem:v2+s5+$0x0], $0xffff  }
0x204: {  	[tilespmem:s2+$0x80] =	vst v0;
	v0 =	vadd.s32 $0x400, v2  }
0x205: {  	v1 =	vld.idx.msk [tilespmem:v1+s5+$0x0], $0xffff  }
0x206: {  	v4 =	vadd.s32 $0xC00, v7  }
0x207: {  	s3 =	sor.u32 s6, s3  }
0x208: {  	[tilespmem:s3+$0x0] =	vst v3  }
0x209: {  	v0 =	vld.idx.msk [tilespmem:v0+s5+$0x0], $0xffff  }
0x20a: {  	[tilespmem:s2+$0x100] =	vst v1;
	v1 =	vadd.s32 $0x800, v2  }
0x20b: {  	v3 =	vld.idx.msk [tilespmem:v4+s5+$0x0], $0xffff  }
0x20c: {  	v4 =	vadd.s32 $0x1000, v7;
	_ =	sdelay $0x1  }
0x20d: {  	[tilespmem:s3+$0x80] =	vst v0  }
0x20e: {  	v0 =	vld.idx.msk [tilespmem:v1+s5+$0x0], $0xffff  }
0x20f: {  	v1 =	vadd.s32 $0xC00, v2;
	[tilespmem:s2+$0x180] =	vst v3  }
0x210: {  	v3 =	vld.idx.msk [tilespmem:v4+s5+$0x0], $0xffff  }
0x211: {  	v4 =	vadd.s32 $0x1400, v7;
	_ =	sdelay $0x1  }
0x212: {  	[tilespmem:s3+$0x100] =	vst v0  }
0x213: {  	v0 =	vld.idx.msk [tilespmem:v1+s5+$0x0], $0xffff  }
0x214: {  	v1 =	vadd.s32 $0x1000, v2;
	[tilespmem:s2+$0x200] =	vst v3  }
0x215: {  	v3 =	vld.idx.msk [tilespmem:v4+s5+$0x0], $0xffff  }
0x216: {  	v4 =	vadd.s32 $0x1800, v7;
	_ =	sdelay $0x1  }
0x217: {  	[tilespmem:s3+$0x180] =	vst v0  }
0x218: {  	v0 =	vld.idx.msk [tilespmem:v1+s5+$0x0], $0xffff  }
0x219: {  	v1 =	vadd.s32 $0x1400, v2;
	[tilespmem:s2+$0x280] =	vst v3  }
0x21a: {  	s4 =	sand.u32 $0x3, s1;
	v3 =	vld.idx.msk [tilespmem:v4+s5+$0x0], $0xffff  }
0x21b: {  	s0 =	sshll.u32 s4, $0x5;
	v4 =	vadd.s32 $0x1C00, v7  }
0x21c: {  	s7 =	sadd.s32 $0x0, s0  }
0x21d: {  	s4 =	sadd.s32 $0x10, s7;
	[tilespmem:s3+$0x200] =	vst v0  }
0x21e: {  	s8 =	sor.u32 $0x300, s4;
	v0 =	vld.idx.msk [tilespmem:v1+s5+$0x0], $0xffff  }
0x21f: {  	v1 =	vadd.s32 $0x1800, v2;
	[tilespmem:s8+$0x10800] =	vst v3  }
0x220: {  	v3 =	vld.idx.msk [tilespmem:v4+s5+$0x0], $0xffff  }
0x221: {  	s0 =	simm.s32 $0x20;
	v4 =	vadd.s32 $0x2000, v7  }
0x222: {  	s22 =	sand.u32 $0x60, s0  }
0x223: {  	s10 =	sand.u32 $0x380, s0;
	s23 =	sor.u32 $0x10, s22;
	[tilespmem:s3+$0x280] =	vst v0  }
0x224: {  	s9 =	sor.u32 $0x380, s4;
	s3 =	sor.u32 s23, s10;
	v1 =	vld.idx.msk [tilespmem:v1+s5+$0x0], $0xffff  }
0x225: {  	v0 =	vld [tilespmem:s3+$0x8400];
	[tilespmem:s9+$0x10800] =	vst v3;
	v3 =	vadd.s32 $0x1C00, v2  }
0x226: {  	v4 =	vld.idx.msk [tilespmem:v4+s5+$0x0], $0xffff  }
0x227: {  	v5 =	vadd.s32 $0x2400, v7  }
0x228: {  	s2 =	sor.u32 $0x300, s7  }
0x229: {  	s11 =	sadd.s32 $0x12800, s31;
	[tilespmem:s2+$0x10800] =	vst v1  }
0x22a: {  	s13 =	simm.s32 $0x8420;
	s14 =	sor.u32 s12, s11;
	v3 =	vld.idx.msk [tilespmem:v3+s5+$0x0], $0xffff  }
0x22b: {  	v6 =	vadd.s32 $0x2000, v2;
	v1 =	vld [tilespmem:s13+$0x0];
	[tilespmem:s14+$0x0] =	vst v4  }
0x22c: {  	v4 =	vld.idx.msk [tilespmem:v5+s5+$0x0], $0xffff  }
0x22d: {  	s1 =	sor.u32 s1, s1;
	v5 =	vadd.s32 $0x2800, v7  }
0x22e: {  	s1 =	sor.u32 $0x380, s1;
	v8 =	vld.idx.msk [tilespmem:v0+s5+$0x0], $0xffff  }
0x22f: {  	s7 =	sadd.s32 $0x12880, s31;
	s2 =	simm.s32 $0x100;
	[tilespmem:s1+$0x10800] =	vst v3;
	v3 =	vadd.s32 $0x400, v0  }
0x230: {  	s15 =	sor.u32 s12, s7;
	s24 =	sand.u32 $0x1C00, s2;
	v6 =	vld.idx.msk [tilespmem:v6+s5+$0x0], $0xffff  }
0x231: {  	v9 =	vadd.s32 $0x2400, v2;
	s16 =	sadd.s32 $0x10800, s24;
	[tilespmem:s15+$0x0] =	vst v4  }
0x232: {  	s17 =	sor.u32 s23, s16;
	v4 =	vld.idx.msk [tilespmem:v5+s5+$0x0], $0xffff  }
0x233: {  	[tilespmem:s17+$0x0] =	vst v8;
	v8 =	vadd.s32 $0x2C00, v7;
	v5 =	vld.idx.msk [tilespmem:v1+s5+$0x0], $0xffff  }
0x234: {  	s4 =	sor.u32 s6, s11;
	v10 =	vadd.s32 $0x400, v1;
	v3 =	vld.idx.msk [tilespmem:v3+s5+$0x0], $0xffff  }
0x235: {  	s18 =	sadd.s32 $0x12900, s31;
	[tilespmem:s4+$0x0] =	vst v6;
	v6 =	vadd.s32 $0x800, v0  }
0x236: {  	s8 =	sor.u32 s12, s18;
	v9 =	vld.idx.msk [tilespmem:v9+s5+$0x0], $0xffff  }
0x237: {  	v11 =	vadd.s32 $0x2800, v2;
	s1 =	sor.u32 s22, s16;
	[tilespmem:s8+$0x0] =	vst v4  }
0x238: {  	[tilespmem:s1+$0x0] =	vst v5;
	v4 =	vld.idx.msk [tilespmem:v8+s5+$0x0], $0xffff  }
0x239: {  	v5 =	vld.idx.msk [tilespmem:v10+s5+$0x0], $0xffff;
	[tilespmem:s17+$0x80] =	vst v3;
	v3 =	vadd.s32 $0x3000, v7  }
0x23a: {  	s7 =	sor.u32 s6, s7;
	v8 =	vadd.s32 $0x800, v1;
	v6 =	vld.idx.msk [tilespmem:v6+s5+$0x0], $0xffff  }
0x23b: {  	s19 =	sadd.s32 $0x12980, s31;
	[tilespmem:s7+$0x0] =	vst v9;
	v9 =	vadd.s32 $0xC00, v0  }
0x23c: {  	s21 =	sor.u32 s12, s19;
	v10 =	vld.idx.msk [tilespmem:v11+s5+$0x0], $0xffff  }
0x23d: {  	v11 =	vadd.s32 $0x2C00, v2;
	[tilespmem:s21+$0x0] =	vst v4  }
0x23e: {  	[tilespmem:s1+$0x80] =	vst v5;
	v3 =	vld.idx.msk [tilespmem:v3+s5+$0x0], $0xffff  }
0x23f: {  	v5 =	vadd.s32 $0x3400, v7;
	v4 =	vld.idx.msk [tilespmem:v8+s5+$0x0], $0xffff;
	[tilespmem:s17+$0x100] =	vst v6  }
0x240: {  	s4 =	sor.u32 s6, s18;
	v6 =	vadd.s32 $0xC00, v1;
	v8 =	vld.idx.msk [tilespmem:v9+s5+$0x0], $0xffff  }
0x241: {  	s25 =	sadd.s32 $0x12A00, s31;
	v9 =	vadd.s32 $0x1000, v0;
	[tilespmem:s4+$0x0] =	vst v10  }
0x242: {  	s26 =	sor.u32 s12, s25;
	v10 =	vld.idx.msk [tilespmem:v11+s5+$0x0], $0xffff  }
0x243: {  	v11 =	vadd.s32 $0x3000, v2;
	[tilespmem:s26+$0x0] =	vst v3  }
0x244: {  	[tilespmem:s1+$0x100] =	vst v4;
	v3 =	vld.idx.msk [tilespmem:v5+s5+$0x0], $0xffff  }
0x245: {  	v4 =	vld.idx.msk [tilespmem:v6+s5+$0x0], $0xffff;
	v5 =	vadd.s32 $0x3800, v7;
	[tilespmem:s17+$0x180] =	vst v8  }
0x246: {  	s7 =	sor.u32 s6, s19;
	v6 =	vadd.s32 $0x1000, v1;
	v8 =	vld.idx.msk [tilespmem:v9+s5+$0x0], $0xffff  }
0x247: {  	s9 =	sadd.s32 $0x12A80, s31;
	v9 =	vadd.s32 $0x1400, v0;
	[tilespmem:s7+$0x0] =	vst v10  }
0x248: {  	s10 =	sor.u32 s12, s9;
	v10 =	vld.idx.msk [tilespmem:v11+s5+$0x0], $0xffff  }
0x249: {  	v11 =	vadd.s32 $0x3400, v2;
	[tilespmem:s10+$0x0] =	vst v3  }
0x24a: {  	[tilespmem:s1+$0x180] =	vst v4;
	v3 =	vld.idx.msk [tilespmem:v5+s5+$0x0], $0xffff  }
0x24b: {  	v4 =	vld.idx.msk [tilespmem:v6+s5+$0x0], $0xffff;
	v5 =	vadd.s32 $0x3C00, v7;
	[tilespmem:s17+$0x200] =	vst v8  }
0x24c: {  	s4 =	sor.u32 s6, s25;
	v6 =	vadd.s32 $0x1400, v1;
	v8 =	vld.idx.msk [tilespmem:v9+s5+$0x0], $0xffff  }
0x24d: {  	s11 =	sadd.s32 $0x12B00, s31;
	v9 =	vadd.s32 $0x1800, v0;
	[tilespmem:s4+$0x0] =	vst v10  }
0x24e: {  	s13 =	sor.u32 s12, s11;
	v10 =	vld.idx.msk [tilespmem:v11+s5+$0x0], $0xffff  }
0x24f: {  	v11 =	vadd.s32 $0x3800, v2;
	[tilespmem:s13+$0x0] =	vst v3  }
0x250: {  	[tilespmem:s1+$0x200] =	vst v4;
	v3 =	vld.idx.msk [tilespmem:v5+s5+$0x0], $0xffff  }
0x251: {  	s14 =	simm.s32 $0x1;
	v4 =	vld.idx.msk [tilespmem:v6+s5+$0x0], $0xffff;
	v5 =	vadd.s32 $0x4000, v7;
	[tilespmem:s17+$0x280] =	vst v8  }
0x252: {  	s3 =	sand.u32 $0x3, s14;
	s7 =	sor.u32 s6, s9;
	v6 =	vadd.s32 $0x1800, v1;
	v8 =	vld.idx.msk [tilespmem:v9+s5+$0x0], $0xffff  }
0x253: {  	s3 =	sshll.u32 s3, $0x5;
	s15 =	sadd.s32 $0x12B80, s31;
	v9 =	vadd.s32 $0x1C00, v0;
	[tilespmem:s7+$0x0] =	vst v10  }
0x254: {  	s3 =	sadd.s32 $0x100, s3;
	s16 =	sor.u32 s12, s15;
	v10 =	vld.idx.msk [tilespmem:v11+s5+$0x0], $0xffff  }
0x255: {  	s17 =	sadd.s32 $0x10, s3;
	v11 =	vadd.s32 $0x3C00, v2;
	[tilespmem:s16+$0x0] =	vst v3  }
0x256: {  	s18 =	sor.u32 $0x300, s17;
	[tilespmem:s1+$0x280] =	vst v4;
	v3 =	vld.idx.msk [tilespmem:v5+s5+$0x0], $0xffff  }
0x257: {  	v4 =	vld.idx.msk [tilespmem:v6+s5+$0x0], $0xffff;
	v5 =	vadd.s32 $0x4400, v7;
	[tilespmem:s18+$0x10800] =	vst v8  }
0x258: {  	s19 =	sor.u32 s6, s11;
	v6 =	vadd.s32 $0x1C00, v1;
	v8 =	vld.idx.msk [tilespmem:v9+s5+$0x0], $0xffff  }
0x259: {  	s21 =	sadd.s32 $0x14800, s31;
	v9 =	vadd.s32 $0x2000, v0;
	[tilespmem:s19+$0x0] =	vst v10  }
0x25a: {  	s25 =	sor.u32 s12, s21;
	v10 =	vld.idx.msk [tilespmem:v11+s5+$0x0], $0xffff  }
0x25b: {  	s3 =	sor.u32 $0x300, s3;
	s1 =	simm.s32 $0x40;
	v11 =	vadd.s32 $0x4000, v2;
	[tilespmem:s25+$0x0] =	vst v3  }
0x25c: {  	s26 =	sor.u32 $0x380, s17;
	[tilespmem:s3+$0x10800] =	vst v4;
	s25 =	sand.u32 $0x60, s1;
	v5 =	vld.idx.msk [tilespmem:v5+s5+$0x0], $0xffff  }
0x25d: {  	s8 =	sand.u32 $0x380, s1;
	v6 =	vld.idx.msk [tilespmem:v6+s5+$0x0], $0xffff;
	[tilespmem:s26+$0x10800] =	vst v8;
	v8 =	vadd.s32 $0x4800, v7;
	s26 =	sor.u32 $0x10, s25  }
0x25e: {  	s7 =	sor.u32 s6, s15;
	v9 =	vld.idx.msk [tilespmem:v9+s5+$0x0], $0xffff;
	s3 =	sor.u32 s26, s8  }
0x25f: {  	s9 =	sadd.s32 $0x14880, s31;
	[tilespmem:s7+$0x0] =	vst v10;
	v10 =	vadd.s32 $0x2000, v1;
	v3 =	vld [tilespmem:s3+$0x8400]  }
0x260: {  	v12 =	vadd.s32 $0x2400, v0;
	s11 =	simm.s32 $0x8440;
	s13 =	sor.u32 s12, s9;
	v11 =	vld.idx.msk [tilespmem:v11+s5+$0x0], $0xffff  }
0x261: {  	v13 =	vadd.s32 $0x4400, v2;
	s0 =	sor.u32 s2, s0;
	v4 =	vld [tilespmem:s11+$0x0];
	[tilespmem:s13+$0x0] =	vst v5  }
0x262: {  	s0 =	sor.u32 $0x380, s0;
	s14 =	sadd.s32 $0x12800, s24;
	v5 =	vld.idx.msk [tilespmem:v8+s5+$0x0], $0xffff  }
0x263: {  	s15 =	sor.u32 s23, s14;
	[tilespmem:s0+$0x10800] =	vst v6;
	v6 =	vadd.s32 $0x4C00, v7  }
0x264: {  	s16 =	sor.u32 s6, s21;
	[tilespmem:s15+$0x0] =	vst v9;
	v8 =	vld.idx.msk [tilespmem:v10+s5+$0x0], $0xffff  }
0x265: {  	s17 =	sadd.s32 $0x14900, s31;
	v9 =	vadd.s32 $0x2400, v1;
	v10 =	vld.idx.msk [tilespmem:v12+s5+$0x0], $0xffff;
	[tilespmem:s16+$0x0] =	vst v11  }
0x266: {  	s18 =	sor.u32 s12, s17;
	v12 =	vadd.s32 $0x2800, v0;
	v11 =	vld.idx.msk [tilespmem:v13+s5+$0x0], $0xffff  }
0x267: {  	v13 =	vadd.s32 $0x4800, v2;
	v14 =	vld.idx.msk [tilespmem:v3+s5+$0x0], $0xffff;
	[tilespmem:s18+$0x0] =	vst v5  }
0x268: {  	s2 =	simm.s32 $0x200;
	s21 =	sadd.s32 $0x12880, s24;
	s19 =	sor.u32 s22, s14;
	v5 =	vld.idx.msk [tilespmem:v6+s5+$0x0], $0xffff;
	v6 =	vadd.s32 $0x400, v3  }
0x269: {  	s28 =	sand.u32 $0x1C00, s2;
	s10 =	sor.u32 s23, s21;
	v15 =	vld.idx.msk [tilespmem:v4+s5+$0x0], $0xffff;
	[tilespmem:s19+$0x0] =	vst v8;
	v8 =	vadd.s32 $0x5000, v7  }
0x26a: {  	s11 =	sor.u32 s6, s9;
	s13 =	sadd.s32 $0x10800, s28;
	[tilespmem:s10+$0x0] =	vst v10;
	v10 =	vadd.s32 $0x400, v4;
	v9 =	vld.idx.msk [tilespmem:v9+s5+$0x0], $0xffff  }
0x26b: {  	s9 =	sadd.s32 $0x14980, s31;
	s0 =	sor.u32 s26, s13;
	[tilespmem:s11+$0x0] =	vst v11;
	v11 =	vld.idx.msk [tilespmem:v12+s5+$0x0], $0xffff;
	v12 =	vadd.s32 $0x2800, v1  }
0x26c: {  	s10 =	sor.u32 s12, s9;
	v13 =	vld.idx.msk [tilespmem:v13+s5+$0x0], $0xffff;
	[tilespmem:s0+$0x0] =	vst v14;
	v14 =	vadd.s32 $0x2C00, v0  }
0x26d: {  	s3 =	sor.u32 s25, s13;
	v6 =	vld.idx.msk [tilespmem:v6+s5+$0x0], $0xffff;
	[tilespmem:s10+$0x0] =	vst v5;
	v5 =	vadd.s32 $0x4C00, v2  }
0x26e: {  	s14 =	sor.u32 s22, s21;
	s15 =	sadd.s32 $0x12900, s24;
	[tilespmem:s3+$0x0] =	vst v15;
	v15 =	vadd.s32 $0x800, v3;
	v8 =	vld.idx.msk [tilespmem:v8+s5+$0x0], $0xffff  }
0x26f: {  	s16 =	sor.u32 s23, s15;
	v10 =	vld.idx.msk [tilespmem:v10+s5+$0x0], $0xffff;
	[tilespmem:s14+$0x0] =	vst v9;
	v9 =	vadd.s32 $0x5400, v7  }
0x270: {  	s4 =	sor.u32 s6, s17;
	v12 =	vld.idx.msk [tilespmem:v12+s5+$0x0], $0xffff;
	[tilespmem:s16+$0x0] =	vst v11;
	v11 =	vadd.s32 $0x800, v4  }
0x271: {  	v16 =	vadd.s32 $0x2C00, v1;
	s17 =	sadd.s32 $0x14A00, s31;
	v14 =	vld.idx.msk [tilespmem:v14+s5+$0x0], $0xffff;
	[tilespmem:s4+$0x0] =	vst v13  }
0x272: {  	s18 =	sor.u32 s12, s17;
	[tilespmem:s0+$0x80] =	vst v6;
	v6 =	vadd.s32 $0x3000, v0;
	v5 =	vld.idx.msk [tilespmem:v5+s5+$0x0], $0xffff  }
0x273: {  	v13 =	vld.idx.msk [tilespmem:v15+s5+$0x0], $0xffff;
	[tilespmem:s18+$0x0] =	vst v8;
	v8 =	vadd.s32 $0x5000, v2  }
0x274: {  	s21 =	sadd.s32 $0x12980, s24;
	s19 =	sor.u32 s22, s15;
	[tilespmem:s3+$0x80] =	vst v10;
	v10 =	vadd.s32 $0xC00, v3;
	v9 =	vld.idx.msk [tilespmem:v9+s5+$0x0], $0xffff  }
0x275: {  	s10 =	sor.u32 s23, s21;
	v11 =	vld.idx.msk [tilespmem:v11+s5+$0x0], $0xffff;
	[tilespmem:s19+$0x0] =	vst v12;
	v12 =	vadd.s32 $0x5800, v7  }
0x276: {  	s9 =	sor.u32 s6, s9;
	v15 =	vld.idx.msk [tilespmem:v16+s5+$0x0], $0xffff;
	[tilespmem:s10+$0x0] =	vst v14;
	v14 =	vadd.s32 $0xC00, v4  }
0x277: {  	s11 =	sadd.s32 $0x14A80, s31;
	v16 =	vadd.s32 $0x3000, v1;
	v6 =	vld.idx.msk [tilespmem:v6+s5+$0x0], $0xffff;
	[tilespmem:s9+$0x0] =	vst v5  }
0x278: {  	s13 =	sor.u32 s12, s11;
	v5 =	vadd.s32 $0x3400, v0;
	[tilespmem:s0+$0x100] =	vst v13;
	v8 =	vld.idx.msk [tilespmem:v8+s5+$0x0], $0xffff  }
0x279: {  	v10 =	vld.idx.msk [tilespmem:v10+s5+$0x0], $0xffff;
	[tilespmem:s13+$0x0] =	vst v9  }
0x27a: {  	s8 =	sor.u32 s22, s21;
	s14 =	sadd.s32 $0x12A00, s24;
	v9 =	vadd.s32 $0x5400, v2;
	[tilespmem:s3+$0x100] =	vst v11;
	v11 =	vld.idx.msk [tilespmem:v12+s5+$0x0], $0xffff  }
0x27b: {  	s15 =	sor.u32 s23, s14;
	v13 =	vadd.s32 $0x1000, v3;
	v12 =	vld.idx.msk [tilespmem:v14+s5+$0x0], $0xffff;
	[tilespmem:s8+$0x0] =	vst v15  }
0x27c: {  	v14 =	vld.idx.msk [tilespmem:v16+s5+$0x0], $0xffff;
	[tilespmem:s15+$0x0] =	vst v6;
	v6 =	vadd.s32 $0x5C00, v7  }
0x27d: {  	s16 =	simm.s32 $0x8460;
	s4 =	sor.u32 s6, s17;
	v15 =	vadd.s32 $0x1000, v4;
	v16 =	vld.idx.msk [tilespmem:v5+s5+$0x0], $0xffff  }
0x27e: {  	v17 =	vadd.s32 $0x3400, v1;
	s17 =	sadd.s32 $0x14B00, s31;
	v5 =	vld [tilespmem:s16+$0x0];
	[tilespmem:s4+$0x0] =	vst v8  }
0x27f: {  	s18 =	sor.u32 s12, s17;
	v8 =	vadd.s32 $0x3800, v0;
	[tilespmem:s0+$0x180] =	vst v10;
	v9 =	vld.idx.msk [tilespmem:v9+s5+$0x0], $0xffff  }
0x280: {  	v10 =	vld.idx.msk [tilespmem:v13+s5+$0x0], $0xffff;
	[tilespmem:s18+$0x0] =	vst v11;
	v11 =	vadd.s32 $0x5800, v2  }
0x281: {  	s21 =	sadd.s32 $0x12A80, s24;
	s19 =	sor.u32 s22, s14;
	[tilespmem:s3+$0x180] =	vst v12;
	v12 =	vadd.s32 $0x1400, v3;
	v6 =	vld.idx.msk [tilespmem:v6+s5+$0x0], $0xffff  }
0x282: {  	s10 =	sor.u32 s23, s21;
	v13 =	vld.idx.msk [tilespmem:v15+s5+$0x0], $0xffff;
	[tilespmem:s19+$0x0] =	vst v14;
	v14 =	vadd.s32 $0x6000, v7  }
0x283: {  	s7 =	sor.u32 s6, s11;
	v15 =	vld.idx.msk [tilespmem:v17+s5+$0x0], $0xffff;
	[tilespmem:s10+$0x0] =	vst v16;
	v16 =	vadd.s32 $0x1400, v4  }
0x284: {  	s11 =	sadd.s32 $0x14B80, s31;
	v17 =	vadd.s32 $0x3800, v1;
	v8 =	vld.idx.msk [tilespmem:v8+s5+$0x0], $0xffff;
	[tilespmem:s7+$0x0] =	vst v9  }
0x285: {  	s13 =	sor.u32 s12, s11;
	v9 =	vadd.s32 $0x3C00, v0;
	[tilespmem:s0+$0x200] =	vst v10;
	v10 =	vld.idx.msk [tilespmem:v11+s5+$0x0], $0xffff  }
0x286: {  	v11 =	vld.idx.msk [tilespmem:v12+s5+$0x0], $0xffff;
	[tilespmem:s13+$0x0] =	vst v6;
	v6 =	vadd.s32 $0x5C00, v2  }
0x287: {  	s14 =	sor.u32 s22, s21;
	s15 =	sadd.s32 $0x12B00, s24;
	[tilespmem:s3+$0x200] =	vst v13;
	v13 =	vadd.s32 $0x1800, v3;
	v12 =	vld.idx.msk [tilespmem:v14+s5+$0x0], $0xffff  }
0x288: {  	s16 =	sor.u32 s23, s15;
	v14 =	vld.idx.msk [tilespmem:v16+s5+$0x0], $0xffff;
	[tilespmem:s14+$0x0] =	vst v15;
	v15 =	vadd.s32 $0x6400, v7  }
0x289: {  	s4 =	sor.u32 s6, s17;
	v16 =	vld.idx.msk [tilespmem:v17+s5+$0x0], $0xffff;
	[tilespmem:s16+$0x0] =	vst v8;
	v8 =	vadd.s32 $0x1800, v4  }
0x28a: {  	s17 =	sadd.s32 $0x16800, s31;
	v17 =	vadd.s32 $0x3C00, v1;
	v9 =	vld.idx.msk [tilespmem:v9+s5+$0x0], $0xffff;
	[tilespmem:s4+$0x0] =	vst v10  }
0x28b: {  	s18 =	sor.u32 s12, s17;
	v10 =	vadd.s32 $0x4000, v0;
	[tilespmem:s0+$0x280] =	vst v11;
	s0 =	simm.s32 $0x2;
	v6 =	vld.idx.msk [tilespmem:v6+s5+$0x0], $0xffff  }
0x28c: {  	v11 =	vld.idx.msk [tilespmem:v13+s5+$0x0], $0xffff;
	s19 =	sand.u32 $0x3, s0;
	[tilespmem:s18+$0x0] =	vst v12;
	v12 =	vadd.s32 $0x6000, v2  }
0x28d: {  	s21 =	sadd.s32 $0x12B80, s24;
	s9 =	sor.u32 s22, s15;
	[tilespmem:s3+$0x280] =	vst v14;
	s8 =	sshll.u32 s19, $0x5;
	v14 =	vadd.s32 $0x1C00, v3;
	v13 =	vld.idx.msk [tilespmem:v15+s5+$0x0], $0xffff  }
0x28e: {  	s10 =	sor.u32 s23, s21;
	v8 =	vld.idx.msk [tilespmem:v8+s5+$0x0], $0xffff;
	[tilespmem:s9+$0x0] =	vst v16;
	s8 =	sadd.s32 $0x200, s8;
	v15 =	vadd.s32 $0x6800, v7  }
0x28f: {  	s7 =	sor.u32 s6, s11;
	v16 =	vld.idx.msk [tilespmem:v17+s5+$0x0], $0xffff;
	[tilespmem:s10+$0x0] =	vst v9;
	v9 =	vadd.s32 $0x1C00, v4;
	s11 =	sadd.s32 $0x10, s8  }
0x290: {  	v17 =	vadd.s32 $0x4000, v1;
	v10 =	vld.idx.msk [tilespmem:v10+s5+$0x0], $0xffff;
	s13 =	sor.u32 $0x300, s11;
	[tilespmem:s7+$0x0] =	vst v6;
	s7 =	sadd.s32 $0x16880, s31  }
0x291: {  	[tilespmem:s13+$0x10800] =	vst v11;
	v6 =	vadd.s32 $0x4400, v0;
	v11 =	vld.idx.msk [tilespmem:v12+s5+$0x0], $0xffff;
	s14 =	sor.u32 s12, s7  }
0x292: {  	s8 =	sor.u32 $0x300, s8;
	v12 =	vld.idx.msk [tilespmem:v14+s5+$0x0], $0xffff;
	[tilespmem:s14+$0x0] =	vst v13  }
0x293: {  	s15 =	sadd.s32 $0x14800, s24;
	s3 =	sor.u32 s22, s21;
	s9 =	simm.s32 $0x60;
	v13 =	vadd.s32 $0x6400, v2;
	[tilespmem:s8+$0x10800] =	vst v8;
	v8 =	vld.idx.msk [tilespmem:v15+s5+$0x0], $0xffff  }
0x294: {  	s16 =	sor.u32 s23, s15;
	s29 =	sand.u32 $0x60, s9;
	v14 =	vadd.s32 $0x2000, v3;
	v9 =	vld.idx.msk [tilespmem:v9+s5+$0x0], $0xffff;
	[tilespmem:s3+$0x0] =	vst v16  }
0x295: {  	s19 =	sand.u32 $0x380, s9;
	s30 =	sor.u32 $0x10, s29;
	v15 =	vadd.s32 $0x6C00, v7;
	v16 =	vld.idx.msk [tilespmem:v17+s5+$0x0], $0xffff;
	[tilespmem:s16+$0x0] =	vst v10  }
0x296: {  	s1 =	sor.u32 s2, s1;
	s4 =	sor.u32 s6, s17;
	s2 =	sor.u32 s30, s19;
	v17 =	vadd.s32 $0x2000, v4;
	v10 =	vld.idx.msk [tilespmem:v6+s5+$0x0], $0xffff  }
0x297: {  	s17 =	sor.u32 $0x380, s11;
	s3 =	sadd.s32 $0x16900, s31;
	v6 =	vld [tilespmem:s2+$0x8400];
	[tilespmem:s4+$0x0] =	vst v11  }
0x298: {  	s18 =	sor.u32 s12, s3;
	[tilespmem:s17+$0x10800] =	vst v12;
	v11 =	vadd.s32 $0x4800, v0;
	v12 =	vld.idx.msk [tilespmem:v13+s5+$0x0], $0xffff  }
0x299: {  	s1 =	sor.u32 $0x380, s1;
	v13 =	vld.idx.msk [tilespmem:v14+s5+$0x0], $0xffff;
	v14 =	vadd.s32 $0x4400, v1;
	[tilespmem:s18+$0x0] =	vst v8  }
0x29a: {  	s21 =	sadd.s32 $0x14880, s24;
	s13 =	sor.u32 s22, s15;
	[tilespmem:s1+$0x10800] =	vst v9;
	v9 =	vadd.s32 $0x2400, v3;
	v15 =	vld.idx.msk [tilespmem:v15+s5+$0x0], $0xffff  }
0x29b: {  	s11 =	sor.u32 s23, s21;
	v8 =	vadd.s32 $0x6800, v2;
	v17 =	vld.idx.msk [tilespmem:v17+s5+$0x0], $0xffff;
	[tilespmem:s13+$0x0] =	vst v16  }
0x29c: {  	s15 =	sadd.s32 $0x12800, s28;
	s14 =	sor.u32 s6, s7;
	v16 =	vld.idx.msk [tilespmem:v5+s5+$0x0], $0xffff;
	[tilespmem:s11+$0x0] =	vst v10;
	v10 =	vadd.s32 $0x7000, v7  }
0x29d: {  	s16 =	sor.u32 s26, s15;
	v11 =	vld.idx.msk [tilespmem:v11+s5+$0x0], $0xffff;
	[tilespmem:s14+$0x0] =	vst v12  }
0x29e: {  	s4 =	sadd.s32 $0x16980, s31;
	v14 =	vld.idx.msk [tilespmem:v14+s5+$0x0], $0xffff;
	[tilespmem:s16+$0x0] =	vst v13;
	v12 =	vadd.s32 $0x4C00, v0  }
0x29f: {  	s17 =	sor.u32 s12, s4;
	v13 =	vadd.s32 $0x2400, v4;
	v9 =	vld.idx.msk [tilespmem:v9+s5+$0x0], $0xffff  }
0x2a0: {  	s8 =	sadd.s32 $0x14900, s24;
	s2 =	sor.u32 s25, s15;
	v8 =	vld.idx.msk [tilespmem:v8+s5+$0x0], $0xffff;
	[tilespmem:s17+$0x0] =	vst v15;
	v15 =	vadd.s32 $0x4800, v1  }
0x2a1: {  	v18 =	vadd.s32 $0x2800, v3;
	s18 =	sor.u32 s23, s8;
	[tilespmem:s2+$0x0] =	vst v17;
	v10 =	vld.idx.msk [tilespmem:v10+s5+$0x0], $0xffff  }
0x2a2: {  	s19 =	sor.u32 s22, s21;
	s21 =	sadd.s32 $0x12880, s28;
	v19 =	vld.idx.msk [tilespmem:v6+s5+$0x0], $0xffff;
	v17 =	vadd.s32 $0x6C00, v2;
	[tilespmem:s18+$0x0] =	vst v11  }
0x2a3: {  	s15 =	sor.u32 s26, s21;
	v11 =	vadd.s32 $0x7400, v7;
	s18 =	simm.s32 $0x300;
	v12 =	vld.idx.msk [tilespmem:v12+s5+$0x0], $0xffff;
	[tilespmem:s19+$0x0] =	vst v14  }
0x2a4: {  	v20 =	vadd.s32 $0x400, v5;
	s7 =	sadd.s32 $0x16A00, s31;
	s3 =	sor.u32 s6, s3;
	v13 =	vld.idx.msk [tilespmem:v13+s5+$0x0], $0xffff;
	s1 =	sand.u32 $0x1C00, s18;
	[tilespmem:s15+$0x0] =	vst v9  }
0x2a5: {  	s16 =	sor.u32 s12, s7;
	v14 =	vadd.s32 $0x400, v6;
	s11 =	sadd.s32 $0x10800, s1;
	[tilespmem:s3+$0x0] =	vst v8;
	v9 =	vld.idx.msk [tilespmem:v15+s5+$0x0], $0xffff  }
0x2a6: {  	v15 =	vadd.s32 $0x5000, v0;
	v18 =	vld.idx.msk [tilespmem:v18+s5+$0x0], $0xffff;
	s3 =	sor.u32 s30, s11;
	[tilespmem:s16+$0x0] =	vst v10  }
0x2a7: {  	s13 =	sadd.s32 $0x14980, s24;
	v8 =	vld.idx.msk [tilespmem:v17+s5+$0x0], $0xffff;
	s2 =	sor.u32 s29, s11;
	v10 =	vadd.s32 $0x2800, v4;
	[tilespmem:s3+$0x0] =	vst v19  }
0x2a8: {  	s14 =	sor.u32 s23, s13;
	v19 =	vadd.s32 $0x2C00, v3;
	[tilespmem:s2+$0x0] =	vst v16;
	v11 =	vld.idx.msk [tilespmem:v11+s5+$0x0], $0xffff  }
0x2a9: {  	s10 =	sor.u32 s25, s21;
	s17 =	sadd.s32 $0x12900, s28;
	v17 =	vld.idx.msk [tilespmem:v20+s5+$0x0], $0xffff;
	[tilespmem:s14+$0x0] =	vst v12;
	v12 =	vadd.s32 $0x7800, v7  }
0x2aa: {  	s19 =	sor.u32 s26, s17;
	v16 =	vadd.s32 $0x4C00, v1;
	v14 =	vld.idx.msk [tilespmem:v14+s5+$0x0], $0xffff;
	[tilespmem:s10+$0x0] =	vst v13  }
0x2ab: {  	s8 =	sor.u32 s22, s8;
	s15 =	sadd.s32 $0x16A80, s31;
	v20 =	vadd.s32 $0x800, v6;
	v15 =	vld.idx.msk [tilespmem:v15+s5+$0x0], $0xffff;
	[tilespmem:s19+$0x0] =	vst v18  }
0x2ac: {  	s21 =	sor.u32 s12, s15;
	v18 =	vadd.s32 $0x800, v5;
	[tilespmem:s8+$0x0] =	vst v9;
	v10 =	vld.idx.msk [tilespmem:v10+s5+$0x0], $0xffff  }
0x2ad: {  	v13 =	vadd.s32 $0x5400, v0;
	v19 =	vld.idx.msk [tilespmem:v19+s5+$0x0], $0xffff;
	[tilespmem:s21+$0x0] =	vst v11  }
0x2ae: {  	s10 =	sadd.s32 $0x14A00, s24;
	v11 =	vadd.s32 $0x2C00, v4;
	[tilespmem:s2+$0x80] =	vst v17;
	v9 =	vld.idx.msk [tilespmem:v12+s5+$0x0], $0xffff  }
0x2af: {  	s14 =	sor.u32 s23, s10;
	[tilespmem:s3+$0x80] =	vst v14;
	v12 =	vadd.s32 $0x3000, v3;
	v14 =	vld.idx.msk [tilespmem:v16+s5+$0x0], $0xffff  }
0x2b0: {  	s11 =	sadd.s32 $0x12980, s28;
	s16 =	sor.u32 s25, s17;
	v7 =	vadd.s32 $0x7C00, v7;
	v16 =	vld.idx.msk [tilespmem:v20+s5+$0x0], $0xffff;
	[tilespmem:s14+$0x0] =	vst v15  }
0x2b1: {  	s17 =	sor.u32 s26, s11;
	v15 =	vadd.s32 $0x5000, v1;
	v17 =	vld.idx.msk [tilespmem:v18+s5+$0x0], $0xffff;
	[tilespmem:s16+$0x0] =	vst v10;
	s16 =	sadd.s32 $0x16B00, s31  }
0x2b2: {  	v18 =	vadd.s32 $0xC00, v6;
	v13 =	vld.idx.msk [tilespmem:v13+s5+$0x0], $0xffff;
	[tilespmem:s17+$0x0] =	vst v19;
	s19 =	sor.u32 s12, s16  }
0x2b3: {  	s13 =	sor.u32 s22, s13;
	v20 =	vadd.s32 $0xC00, v5;
	v11 =	vld.idx.msk [tilespmem:v11+s5+$0x0], $0xffff;
	[tilespmem:s19+$0x0] =	vst v9  }
0x2b4: {  	v19 =	vadd.s32 $0x5800, v0;
	v12 =	vld.idx.msk [tilespmem:v12+s5+$0x0], $0xffff;
	[tilespmem:s13+$0x0] =	vst v14  }
0x2b5: {  	v9 =	vadd.s32 $0x3000, v4;
	s13 =	sadd.s32 $0x14A80, s24;
	v21 =	vld.idx.msk [tilespmem:v7+s5+$0x0], $0xffff;
	[tilespmem:s3+$0x100] =	vst v16  }
0x2b6: {  	v22 =	vadd.s32 $0x3400, v3;
	s11 =	sor.u32 s25, s11;
	s14 =	sor.u32 s6, s4;
	s21 =	sor.u32 s23, s13;
	v10 =	vld.idx.msk [tilespmem:v15+s5+$0x0], $0xffff;
	[tilespmem:s2+$0x100] =	vst v17  }
0x2b7: {  	s4 =	sor.u32 s18, s9;
	s17 =	sor.u32 s6, s15;
	s15 =	sadd.s32 $0x12A00, s28;
	v15 =	vld.idx.msk [tilespmem:v18+s5+$0x0], $0xffff;
	[tilespmem:s21+$0x0] =	vst v13  }
0x2b8: {  	s8 =	sor.u32 s6, s16;
	s16 =	sor.u32 s26, s15;
	s15 =	sor.u32 s25, s15;
	v16 =	vld.idx.msk [tilespmem:v20+s5+$0x0], $0xffff;
	[tilespmem:s11+$0x0] =	vst v11;
	v11 =	vadd.s32 $0x5400, v1  }
0x2b9: {  	s19 =	sor.u32 s6, s7;
	s7 =	sor.u32 s22, s10;
	v17 =	vadd.s32 $0x1000, v6;
	s21 =	sadd.s32 $0x16B80, s31;
	v7 =	vld.idx.msk [tilespmem:v19+s5+$0x0], $0xffff  }
0x2ba: {  	s31 =	simm.s32 $0x8480;
	s6 =	sor.u32 s6, s21;
	s21 =	sor.u32 s12, s21;
	[tilespmem:s16+$0x0] =	vst v12;
	v14 =	vld.idx.msk [tilespmem:v9+s5+$0x0], $0xffff;
	v9 =	vadd.s32 $0x5C00, v0  }
0x2bb: {  	v18 =	vadd.s32 $0x1000, v5;
	s12 =	simm.s32 $0x6;
	s11 =	sor.u32 $0x380, s4;
	s16 =	sor.u32 s22, s13;
	[tilespmem:s21+$0x0] =	vst v21;
	v12 =	vld.idx.msk [tilespmem:v22+s5+$0x0], $0xffff  }
.LBB2_7:
0x2bc: {  	v13 =	vld [tilespmem:s31+$0x0];
	v19 =	vadd.s32 $0x3400, v4;
	[tilespmem:s7+$0x0] =	vst v10;
	s4 =	sadd.s32 $0x14B00, s24;
	s10 =	smov.u32 s23;
	s23 =	smov.u32 s26  }
0x2bd: {  	v10 =	vadd.s32 $0x3800, v3;
	s26 =	smov.u32 s30;
	[tilespmem:s3+$0x180] =	vst v15;
	v11 =	vld.idx.msk [tilespmem:v11+s5+$0x0], $0xffff;
	s7 =	sor.u32 s22, s4;
	s4 =	sor.u32 s10, s4  }
0x2be: {  	v15 =	vld.idx.msk [tilespmem:v17+s5+$0x0], $0xffff;
	[tilespmem:s4+$0x0] =	vst v7;
	v7 =	vadd.s32 $0x7000, v2;
	s4 =	smov.u32 s24;
	s24 =	smov.u32 s28;
	s28 =	smov.u32 s1  }
0x2bf: {  	[tilespmem:s2+$0x180] =	vst v16;
	s1 =	sadd.s32 $0x12A80, s24;
	v16 =	vadd.s32 $0x5800, v1;
	v9 =	vld.idx.msk [tilespmem:v9+s5+$0x0], $0xffff  }
0x2c0: {  	v17 =	vld.idx.msk [tilespmem:v18+s5+$0x0], $0xffff;
	v18 =	vadd.s32 $0x1400, v6;
	[tilespmem:s15+$0x0] =	vst v14;
	s13 =	sor.u32 s25, s1;
	s1 =	sor.u32 s23, s1  }
0x2c1: {  	v14 =	vld.idx.msk [tilespmem:v19+s5+$0x0], $0xffff;
	[tilespmem:s1+$0x0] =	vst v12;
	v12 =	vadd.s32 $0x6000, v0  }
0x2c2: {  	v19 =	vadd.s32 $0x1400, v5;
	v10 =	vld.idx.msk [tilespmem:v10+s5+$0x0], $0xffff;
	[tilespmem:s14+$0x0] =	vst v8  }
0x2c3: {  	v8 =	vadd.s32 $0x3800, v4;
	s14 =	sadd.s32 $0x14B80, s4;
	[tilespmem:s16+$0x0] =	vst v11;
	v7 =	vld.idx.msk [tilespmem:v7+s5+$0x0], $0xffff  }
0x2c4: {  	v11 =	vadd.s32 $0x3C00, v3;
	s1 =	sor.u32 s22, s14;
	s14 =	sor.u32 s10, s14;
	[tilespmem:s3+$0x200] =	vst v15;
	v15 =	vld.idx.msk [tilespmem:v16+s5+$0x0], $0xffff  }
0x2c5: {  	v16 =	vld.idx.msk [tilespmem:v18+s5+$0x0], $0xffff;
	[tilespmem:s14+$0x0] =	vst v9;
	v9 =	vadd.s32 $0x7400, v2  }
0x2c6: {  	s14 =	sadd.s32 $0x12B00, s24;
	[tilespmem:s2+$0x200] =	vst v17;
	v17 =	vadd.s32 $0x5C00, v1;
	v12 =	vld.idx.msk [tilespmem:v12+s5+$0x0], $0xffff  }
0x2c7: {  	v18 =	vld.idx.msk [tilespmem:v19+s5+$0x0], $0xffff;
	v19 =	vadd.s32 $0x1800, v6;
	[tilespmem:s13+$0x0] =	vst v14;
	s13 =	sor.u32 s25, s14;
	s14 =	sor.u32 s23, s14  }
0x2c8: {  	v8 =	vld.idx.msk [tilespmem:v8+s5+$0x0], $0xffff;
	[tilespmem:s14+$0x0] =	vst v10;
	v10 =	vadd.s32 $0x6400, v0  }
0x2c9: {  	v14 =	vadd.s32 $0x1800, v5;
	v11 =	vld.idx.msk [tilespmem:v11+s5+$0x0], $0xffff;
	[tilespmem:s19+$0x0] =	vst v7  }
0x2ca: {  	v7 =	vadd.s32 $0x3C00, v4;
	[tilespmem:s7+$0x0] =	vst v15;
	s7 =	sadd.s32 $0x16800, s4;
	v9 =	vld.idx.msk [tilespmem:v9+s5+$0x0], $0xffff  }
0x2cb: {  	v15 =	vadd.s32 $0x4000, v3;
	[tilespmem:s3+$0x280] =	vst v16;
	v16 =	vld.idx.msk [tilespmem:v17+s5+$0x0], $0xffff;
	s3 =	sor.u32 s22, s7;
	s7 =	sor.u32 s10, s7  }
0x2cc: {  	s0 =	sadd.s32 $0x1, s0;
	v17 =	vld.idx.msk [tilespmem:v19+s5+$0x0], $0xffff;
	[tilespmem:s7+$0x0] =	vst v12;
	v12 =	vadd.s32 $0x7800, v2  }
0x2cd: {  	s7 =	sand.u32 $0x3, s0;
	[tilespmem:s2+$0x280] =	vst v18;
	s2 =	sadd.s32 $0x12B80, s24;
	v18 =	vadd.s32 $0x6000, v1;
	v10 =	vld.idx.msk [tilespmem:v10+s5+$0x0], $0xffff  }
0x2ce: {  	v19 =	vadd.s32 $0x1C00, v6;
	s7 =	sshll.u32 s7, $0x5;
	v14 =	vld.idx.msk [tilespmem:v14+s5+$0x0], $0xffff;
	[tilespmem:s13+$0x0] =	vst v8;
	s13 =	sor.u32 s25, s2;
	s2 =	sor.u32 s23, s2  }
0x2cf: {  	s7 =	sadd.s32 s7, s18;
	v8 =	vadd.s32 $0x6800, v0;
	v7 =	vld.idx.msk [tilespmem:v7+s5+$0x0], $0xffff;
	[tilespmem:s2+$0x0] =	vst v11  }
0x2d0: {  	s2 =	sor.u32 $0x300, s7;
	v11 =	vadd.s32 $0x1C00, v5;
	s7 =	sadd.s32 $0x10, s7;
	v15 =	vld.idx.msk [tilespmem:v15+s5+$0x0], $0xffff;
	[tilespmem:s17+$0x0] =	vst v9  }
0x2d1: {  	s15 =	sadd.s32 $0x16880, s4;
	s14 =	sor.u32 $0x300, s7;
	v9 =	vadd.s32 $0x4000, v4;
	[tilespmem:s1+$0x0] =	vst v16;
	v12 =	vld.idx.msk [tilespmem:v12+s5+$0x0], $0xffff  }
0x2d2: {  	v16 =	vadd.s32 $0x4400, v3;
	s1 =	sor.u32 s22, s15;
	[tilespmem:s14+$0x10800] =	vst v17;
	v17 =	vld.idx.msk [tilespmem:v18+s5+$0x0], $0xffff;
	s14 =	sor.u32 s10, s15  }
0x2d3: {  	v18 =	vld.idx.msk [tilespmem:v19+s5+$0x0], $0xffff;
	[tilespmem:s14+$0x0] =	vst v10;
	v10 =	vadd.s32 $0x7C00, v2;
	v2 =	vmovc v1;
	v1 =	vmovc v4;
	v4 =	vmov v5;
	v5 =	vmov v13  }
0x2d4: {  	[tilespmem:s2+$0x10800] =	vst v14;
	s2 =	sadd.s32 $0x14800, s24;
	v13 =	vadd.s32 $0x6400, v2;
	v8 =	vld.idx.msk [tilespmem:v8+s5+$0x0], $0xffff  }
0x2d5: {  	v14 =	vadd.s32 $0x2000, v6;
	v11 =	vld.idx.msk [tilespmem:v11+s5+$0x0], $0xffff;
	[tilespmem:s13+$0x0] =	vst v7;
	s14 =	sor.u32 s25, s2;
	s2 =	sor.u32 s23, s2  }
0x2d6: {  	v7 =	vld.idx.msk [tilespmem:v9+s5+$0x0], $0xffff;
	[tilespmem:s2+$0x0] =	vst v15;
	v9 =	vadd.s32 $0x6C00, v0  }
0x2d7: {  	v15 =	vld.idx.msk [tilespmem:v16+s5+$0x0], $0xffff;
	[tilespmem:s8+$0x0] =	vst v12  }
0x2d8: {  	s9 =	sadd.s32 $0x20, s9;
	s2 =	sor.u32 $0x380, s7;
	v12 =	vadd.s32 $0x2000, v4;
	[tilespmem:s3+$0x0] =	vst v17;
	s3 =	sadd.s32 $0x16900, s4;
	v10 =	vld.idx.msk [tilespmem:v10+s5+$0x0], $0xffff  }
0x2d9: {  	s12 =	sadd.s32 $0x2, s12;
	s13 =	sand.u32 $0x60, s9;
	v16 =	vadd.s32 $0x4800, v3;
	[tilespmem:s2+$0x10800] =	vst v18;
	v13 =	vld.idx.msk [tilespmem:v13+s5+$0x0], $0xffff;
	s2 =	sor.u32 s10, s3  }
0x2da: {  	p2 =	slt.u32 s12, $0x3E;
	s30 =	sor.u32 $0x10, s13;
	s7 =	sand.u32 $0x380, s9;
	v17 =	vadd.s32 $0x4400, v1;
	v14 =	vld.idx.msk [tilespmem:v14+s5+$0x0], $0xffff;
	[tilespmem:s2+$0x0] =	vst v8  }
0x2db: {  	s3 =	sor.u32 s22, s3;
	s2 =	sor.u32 s30, s7;
	s7 =	sadd.s32 $0x14880, s24;
	v8 =	vadd.s32 $0x6800, v2;
	[tilespmem:s11+$0x10800] =	vst v11;
	v9 =	vld.idx.msk [tilespmem:v9+s5+$0x0], $0xffff  }
0x2dc: {  	v18 =	vadd.s32 $0x2400, v6;
	v11 =	vld [tilespmem:s2+$0x8400];
	[tilespmem:s14+$0x0] =	vst v7;
	s2 =	sor.u32 s25, s7;
	s7 =	sor.u32 s23, s7  }
0x2dd: {  	v7 =	vld.idx.msk [tilespmem:v12+s5+$0x0], $0xffff;
	[tilespmem:s7+$0x0] =	vst v15;
	v12 =	vadd.s32 $0x7000, v0  }
0x2de: {  	s7 =	sadd.s32 $0x12800, s28;
	v15 =	vld.idx.msk [tilespmem:v16+s5+$0x0], $0xffff;
	[tilespmem:s6+$0x0] =	vst v10  }
0x2df: {  	s6 =	sor.u32 s29, s7;
	s7 =	sor.u32 s26, s7;
	v10 =	vld.idx.msk [tilespmem:v17+s5+$0x0], $0xffff;
	[tilespmem:s1+$0x0] =	vst v13;
	s1 =	sadd.s32 $0x16980, s4  }
0x2e0: {  	v13 =	vadd.s32 $0x4C00, v3;
	[tilespmem:s7+$0x0] =	vst v14;
	v8 =	vld.idx.msk [tilespmem:v8+s5+$0x0], $0xffff;
	s14 =	sor.u32 s22, s1;
	s1 =	sor.u32 s10, s1  }
0x2e1: {  	v14 =	vadd.s32 $0x2400, v4;
	v16 =	vld.idx.msk [tilespmem:v18+s5+$0x0], $0xffff;
	[tilespmem:s1+$0x0] =	vst v9  }
0x2e2: {  	v9 =	vadd.s32 $0x4800, v1;
	s1 =	sadd.s32 $0x14900, s24;
	v12 =	vld.idx.msk [tilespmem:v12+s5+$0x0], $0xffff  }
0x2e3: {  	v17 =	vld.idx.msk [tilespmem:v5+s5+$0x0], $0xffff;
	[tilespmem:s6+$0x0] =	vst v7;
	v7 =	vadd.s32 $0x2800, v6;
	s6 =	sor.u32 s25, s1;
	s1 =	sor.u32 s23, s1  }
0x2e4: {  	v18 =	vld.idx.msk [tilespmem:v11+s5+$0x0], $0xffff;
	[tilespmem:s1+$0x0] =	vst v15;
	v15 =	vadd.s32 $0x7400, v0  }
0x2e5: {  	s7 =	sadd.s32 $0x12880, s28;
	[tilespmem:s2+$0x0] =	vst v10;
	v10 =	vld.idx.msk [tilespmem:v13+s5+$0x0], $0xffff;
	v13 =	vadd.s32 $0x6C00, v2  }
0x2e6: {  	s18 =	sadd.s32 $0x100, s18;
	s8 =	sadd.s32 $0x16A00, s4;
	v19 =	vadd.s32 $0x400, v11;
	s2 =	sor.u32 s26, s7;
	v14 =	vld.idx.msk [tilespmem:v14+s5+$0x0], $0xffff;
	[tilespmem:s3+$0x0] =	vst v8  }
0x2e7: {  	s1 =	sand.u32 $0x1C00, s18;
	s3 =	sor.u32 s18, s9;
	[tilespmem:s2+$0x0] =	vst v16;
	v9 =	vld.idx.msk [tilespmem:v9+s5+$0x0], $0xffff;
	v16 =	vadd.s32 $0x5000, v3;
	s2 =	sor.u32 s10, s8  }
0x2e8: {  	v20 =	vadd.s32 $0x400, v5;
	s15 =	sadd.s32 $0x10800, s1;
	s7 =	sor.u32 s29, s7;
	s11 =	sor.u32 $0x380, s3;
	v7 =	vld.idx.msk [tilespmem:v7+s5+$0x0], $0xffff;
	[tilespmem:s2+$0x0] =	vst v12  }
0x2e9: {  	s16 =	sadd.s32 $0x14980, s24;
	s3 =	sor.u32 s30, s15;
	s2 =	sor.u32 s13, s15;
	v12 =	vadd.s32 $0x2800, v4;
	v15 =	vld.idx.msk [tilespmem:v15+s5+$0x0], $0xffff  }
0x2ea: {  	s19 =	sor.u32 s22, s8;
	s15 =	sor.u32 s25, s16;
	s16 =	sor.u32 s23, s16;
	[tilespmem:s3+$0x0] =	vst v18;
	v18 =	vadd.s32 $0x2C00, v6;
	v8 =	vld.idx.msk [tilespmem:v13+s5+$0x0], $0xffff  }
0x2eb: {  	v13 =	vld.idx.msk [tilespmem:v19+s5+$0x0], $0xffff;
	[tilespmem:s16+$0x0] =	vst v10;
	v10 =	vadd.s32 $0x7800, v0  }
0x2ec: {  	s8 =	sadd.s32 $0x12900, s28;
	[tilespmem:s2+$0x0] =	vst v17;
	v17 =	vadd.s32 $0x4C00, v1;
	v16 =	vld.idx.msk [tilespmem:v16+s5+$0x0], $0xffff  }
0x2ed: {  	s16 =	sor.u32 s29, s8;
	v19 =	vld.idx.msk [tilespmem:v20+s5+$0x0], $0xffff;
	v20 =	vadd.s32 $0x800, v11;
	[tilespmem:s7+$0x0] =	vst v14;
	s7 =	sor.u32 s26, s8;
	s8 =	sadd.s32 $0x16A80, s4  }
0x2ee: {  	v12 =	vld.idx.msk [tilespmem:v12+s5+$0x0], $0xffff;
	[tilespmem:s7+$0x0] =	vst v7;
	v7 =	vadd.s32 $0x5400, v3;
	s17 =	sor.u32 s22, s8;
	s7 =	sor.u32 s10, s8  }
0x2ef: {  	v14 =	vadd.s32 $0x800, v5;
	v18 =	vld.idx.msk [tilespmem:v18+s5+$0x0], $0xffff;
	[tilespmem:s7+$0x0] =	vst v15  }
0x2f0: {  	v15 =	vadd.s32 $0x2C00, v4;
	[tilespmem:s6+$0x0] =	vst v9;
	s6 =	sadd.s32 $0x14A00, s24;
	v9 =	vld.idx.msk [tilespmem:v10+s5+$0x0], $0xffff  }
0x2f1: {  	v10 =	vadd.s32 $0x3000, v6;
	[tilespmem:s3+$0x80] =	vst v13;
	v13 =	vld.idx.msk [tilespmem:v17+s5+$0x0], $0xffff;
	s7 =	sor.u32 s25, s6;
	s6 =	sor.u32 s23, s6  }
0x2f2: {  	v17 =	vld.idx.msk [tilespmem:v20+s5+$0x0], $0xffff;
	[tilespmem:s6+$0x0] =	vst v16;
	v16 =	vadd.s32 $0x7C00, v0;
	v0 =	vmovc v3;
	v3 =	vmov v6;
	v6 =	vmov v11  }
0x2f3: {  	s6 =	sadd.s32 $0x12980, s28;
	v11 =	vadd.s32 $0x5000, v1;
	[tilespmem:s2+$0x80] =	vst v19;
	v7 =	vld.idx.msk [tilespmem:v7+s5+$0x0], $0xffff  }
0x2f4: {  	v19 =	vadd.s32 $0xC00, v6;
	s21 =	sor.u32 s29, s6;
	s6 =	sor.u32 s26, s6;
	v14 =	vld.idx.msk [tilespmem:v14+s5+$0x0], $0xffff;
	[tilespmem:s16+$0x0] =	vst v12;
	s16 =	sadd.s32 $0x16B00, s4  }
0x2f5: {  	v12 =	vld.idx.msk [tilespmem:v15+s5+$0x0], $0xffff;
	[tilespmem:s6+$0x0] =	vst v18;
	v18 =	vadd.s32 $0x5800, v0;
	s8 =	sor.u32 s22, s16;
	s6 =	sor.u32 s10, s16  }
0x2f6: {  	v20 =	vadd.s32 $0xC00, v5;
	v21 =	vld.idx.msk [tilespmem:v10+s5+$0x0], $0xffff;
	[tilespmem:s6+$0x0] =	vst v9  }
0x2f7: {  	v9 =	vadd.s32 $0x3000, v4;
	s6 =	sadd.s32 $0x14A80, s24;
	[tilespmem:s15+$0x0] =	vst v13;
	v13 =	vld.idx.msk [tilespmem:v16+s5+$0x0], $0xffff  }
0x2f8: {  	v22 =	vadd.s32 $0x3400, v3;
	s16 =	sor.u32 s25, s6;
	s6 =	sor.u32 s23, s6;
	[tilespmem:s3+$0x100] =	vst v17;
	v10 =	vld.idx.msk [tilespmem:v11+s5+$0x0], $0xffff  }
.Ltmp6:
0x2f9: {  	v15 =	vld.idx.msk [tilespmem:v19+s5+$0x0], $0xffff;
	[tilespmem:s6+$0x0] =	vst v7;
	(pc) =	sbr.rel @p2 .LBB2_7-.Ltmp6, $4  }
0x2fa: {  	v11 =	vadd.s32 $0x5400, v1;
	s6 =	sadd.s32 $0x12A00, s28;
	[tilespmem:s2+$0x100] =	vst v14;
	v7 =	vld.idx.msk [tilespmem:v18+s5+$0x0], $0xffff  }
0x2fb: {  	s4 =	sadd.s32 $0x16B80, s4;
	v17 =	vadd.s32 $0x1000, v6;
	s15 =	sor.u32 s29, s6;
	s6 =	sor.u32 s26, s6;
	v16 =	vld.idx.msk [tilespmem:v20+s5+$0x0], $0xffff;
	[tilespmem:s21+$0x0] =	vst v12  }
0x2fc: {  	v14 =	vld.idx.msk [tilespmem:v9+s5+$0x0], $0xffff;
	[tilespmem:s6+$0x0] =	vst v21;
	v9 =	vadd.s32 $0x5C00, v0;
	s6 =	sor.u32 s22, s4;
	s4 =	sor.u32 s10, s4;
	s22 =	smov.u32 s25  }
0x2fd: {  	s31 =	sadd.s32 $0x20, s31;
	v18 =	vadd.s32 $0x1000, v5;
	s25 =	smov.u32 s29;
	s29 =	smov.u32 s13;
	v12 =	vld.idx.msk [tilespmem:v22+s5+$0x0], $0xffff;
	[tilespmem:s4+$0x0] =	vst v13  }
0x2fe: {  	_ =	sdelay $0x2  }
0x2ff: {  	[tilespmem:s3+$0x180] =	vst v15  }
0x300: {  	v13 =	vld.idx.msk [tilespmem:v17+s5+$0x0], $0xffff;
	[tilespmem:s2+$0x180] =	vst v16  }
0x301: {  	v24 =	vadd.s32 $0x1400, v6;
	v23 =	vld.idx.msk [tilespmem:v18+s5+$0x0], $0xffff  }
0x302: {  	v25 =	vadd.s32 $0x1400, v5;
	_ =	sdelay $0x2  }
0x303: {  	[tilespmem:s3+$0x200] =	vst v13  }
0x304: {  	v13 =	vld.idx.msk [tilespmem:v24+s5+$0x0], $0xffff;
	[tilespmem:s2+$0x200] =	vst v23  }
0x305: {  	v26 =	vadd.s32 $0x1800, v6;
	v15 =	vld.idx.msk [tilespmem:v25+s5+$0x0], $0xffff  }
0x306: {  	v27 =	vadd.s32 $0x1800, v5;
	_ =	sdelay $0x2  }
0x307: {  	s0 =	sadd.s32 $0x1, s0;
	[tilespmem:s3+$0x280] =	vst v13  }
0x308: {  	s0 =	sand.u32 $0x3, s0;
	v13 =	vld.idx.msk [tilespmem:v26+s5+$0x0], $0xffff;
	[tilespmem:s2+$0x280] =	vst v15  }
0x309: {  	v28 =	vadd.s32 $0x1C00, v6;
	s0 =	sshll.u32 s0, $0x5;
	v15 =	vld.idx.msk [tilespmem:v27+s5+$0x0], $0xffff  }
0x30a: {  	v29 =	vadd.s32 $0x1C00, v5;
	s0 =	sadd.s32 s0, s18  }
0x30b: {  	s21 =	sadd.s32 $0x10, s0  }
0x30c: {  	s31 =	sor.u32 $0x300, s21  }
0x30d: {  	s0 =	sor.u32 $0x300, s0;
	[tilespmem:s31+$0x10800] =	vst v13  }
0x30e: {  	v13 =	vld.idx.msk [tilespmem:v28+s5+$0x0], $0xffff;
	[tilespmem:s0+$0x10800] =	vst v15  }
0x30f: {  	v30 =	vadd.s32 $0x2000, v6;
	v15 =	vld.idx.msk [tilespmem:v29+s5+$0x0], $0xffff  }
0x310: {  	v31 =	vadd.s32 $0x2000, v5;
	_ =	sdelay $0x1  }
0x311: {  	s2 =	sor.u32 $0x380, s21  }
0x312: {  	[tilespmem:s2+$0x10800] =	vst v13  }
0x313: {  	v13 =	vld.idx.msk [tilespmem:v30+s5+$0x0], $0xffff;
	[tilespmem:s11+$0x10800] =	vst v15  }
0x314: {  	v32 =	vadd.s32 $0x2400, v6;
	v33 =	vld.idx.msk [tilespmem:v31+s5+$0x0], $0xffff  }
0x315: {  	v34 =	vadd.s32 $0x2400, v5  }
0x316: {  	s3 =	sadd.s32 $0x12800, s1  }
0x317: {  	s4 =	sor.u32 s30, s3  }
0x318: {  	s0 =	sor.u32 s29, s3;
	[tilespmem:s4+$0x0] =	vst v13  }
0x319: {  	v13 =	vld.idx.msk [tilespmem:v32+s5+$0x0], $0xffff;
	[tilespmem:s0+$0x0] =	vst v33  }
0x31a: {  	v35 =	vadd.s32 $0x2800, v6;
	v16 =	vld.idx.msk [tilespmem:v34+s5+$0x0], $0xffff  }
0x31b: {  	v36 =	vadd.s32 $0x2800, v5  }
0x31c: {  	s9 =	sadd.s32 $0x12880, s1  }
0x31d: {  	s10 =	sor.u32 s30, s9  }
0x31e: {  	s0 =	sor.u32 s29, s9;
	[tilespmem:s10+$0x0] =	vst v13  }
0x31f: {  	v13 =	vld.idx.msk [tilespmem:v35+s5+$0x0], $0xffff;
	[tilespmem:s0+$0x0] =	vst v16  }
0x320: {  	v37 =	vadd.s32 $0x2C00, v6;
	v16 =	vld.idx.msk [tilespmem:v36+s5+$0x0], $0xffff  }
0x321: {  	v38 =	vadd.s32 $0x2C00, v5  }
0x322: {  	s11 =	sadd.s32 $0x12900, s1  }
0x323: {  	s12 =	sor.u32 s30, s11  }
0x324: {  	s0 =	sor.u32 s29, s11;
	[tilespmem:s12+$0x0] =	vst v13  }
0x325: {  	v13 =	vld.idx.msk [tilespmem:v37+s5+$0x0], $0xffff;
	[tilespmem:s0+$0x0] =	vst v16  }
0x326: {  	v39 =	vadd.s32 $0x3000, v6;
	v16 =	vld.idx.msk [tilespmem:v38+s5+$0x0], $0xffff  }
0x327: {  	v40 =	vadd.s32 $0x3000, v5  }
0x328: {  	s13 =	sadd.s32 $0x12980, s1  }
0x329: {  	s18 =	sor.u32 s30, s13  }
0x32a: {  	s0 =	sor.u32 s29, s13;
	[tilespmem:s18+$0x0] =	vst v13  }
0x32b: {  	v41 =	vadd.s32 $0x3400, v4;
	v15 =	vld.idx.msk [tilespmem:v39+s5+$0x0], $0xffff;
	[tilespmem:s0+$0x0] =	vst v16  }
0x32c: {  	v42 =	vadd.s32 $0x3400, v6;
	v17 =	vld.idx.msk [tilespmem:v40+s5+$0x0], $0xffff  }
0x32d: {  	v43 =	vadd.s32 $0x3400, v5  }
0x32e: {  	s21 =	sadd.s32 $0x12A00, s1  }
0x32f: {  	[tilespmem:s15+$0x0] =	vst v14;
	s31 =	sor.u32 s30, s21  }
0x330: {  	v44 =	vadd.s32 $0x3800, v3;
	v13 =	vld.idx.msk [tilespmem:v41+s5+$0x0], $0xffff;
	s0 =	sor.u32 s29, s21;
	[tilespmem:s31+$0x0] =	vst v15  }
0x331: {  	v45 =	vadd.s32 $0x3800, v4;
	v16 =	vld.idx.msk [tilespmem:v42+s5+$0x0], $0xffff;
	[tilespmem:s0+$0x0] =	vst v17  }
0x332: {  	v46 =	vadd.s32 $0x3800, v6;
	s3 =	sadd.s32 $0x12A80, s28;
	v18 =	vld.idx.msk [tilespmem:v43+s5+$0x0], $0xffff  }
0x333: {  	v19 =	vadd.s32 $0x3800, v5;
	s4 =	sor.u32 s26, s3  }
0x334: {  	[tilespmem:s4+$0x0] =	vst v12;
	s9 =	sadd.s32 $0x12A80, s1;
	s0 =	sor.u32 s25, s3  }
0x335: {  	v12 =	vld.idx.msk [tilespmem:v44+s5+$0x0], $0xffff;
	s10 =	sor.u32 s30, s9;
	[tilespmem:s0+$0x0] =	vst v13  }
0x336: {  	v47 =	vadd.s32 $0x3C00, v3;
	s2 =	sor.u32 s29, s9;
	v48 =	vld.idx.msk [tilespmem:v45+s5+$0x0], $0xffff;
	[tilespmem:s10+$0x0] =	vst v16  }
0x337: {  	v49 =	vadd.s32 $0x3C00, v4;
	v16 =	vld.idx.msk [tilespmem:v46+s5+$0x0], $0xffff;
	[tilespmem:s2+$0x0] =	vst v18  }
0x338: {  	v50 =	vadd.s32 $0x3C00, v6;
	s11 =	sadd.s32 $0x12B00, s28;
	v18 =	vld.idx.msk [tilespmem:v19+s5+$0x0], $0xffff  }
0x339: {  	v51 =	vadd.s32 $0x3C00, v5;
	s12 =	sor.u32 s26, s11  }
0x33a: {  	[tilespmem:s12+$0x0] =	vst v12;
	s13 =	sadd.s32 $0x12B00, s1;
	s0 =	sor.u32 s25, s11  }
0x33b: {  	v12 =	vld.idx.msk [tilespmem:v47+s5+$0x0], $0xffff;
	s15 =	sor.u32 s30, s13;
	[tilespmem:s0+$0x0] =	vst v48  }
0x33c: {  	v52 =	vadd.s32 $0x4000, v3;
	s2 =	sor.u32 s29, s13;
	v14 =	vld.idx.msk [tilespmem:v49+s5+$0x0], $0xffff;
	[tilespmem:s15+$0x0] =	vst v16  }
0x33d: {  	v53 =	vadd.s32 $0x4000, v4;
	v16 =	vld.idx.msk [tilespmem:v50+s5+$0x0], $0xffff;
	[tilespmem:s2+$0x0] =	vst v18  }
0x33e: {  	v54 =	vadd.s32 $0x4000, v6;
	s18 =	sadd.s32 $0x12B80, s28;
	v18 =	vld.idx.msk [tilespmem:v51+s5+$0x0], $0xffff  }
0x33f: {  	v55 =	vadd.s32 $0x4000, v5;
	s21 =	sor.u32 s26, s18  }
0x340: {  	[tilespmem:s21+$0x0] =	vst v12;
	s31 =	sadd.s32 $0x12B80, s1;
	s0 =	sor.u32 s25, s18  }
0x341: {  	v12 =	vld.idx.msk [tilespmem:v52+s5+$0x0], $0xffff;
	s3 =	sor.u32 s30, s31;
	[tilespmem:s0+$0x0] =	vst v14  }
0x342: {  	v56 =	vadd.s32 $0x4400, v3;
	s2 =	sor.u32 s29, s31;
	v14 =	vld.idx.msk [tilespmem:v53+s5+$0x0], $0xffff;
	[tilespmem:s3+$0x0] =	vst v16  }
0x343: {  	v57 =	vadd.s32 $0x4400, v4;
	v16 =	vld.idx.msk [tilespmem:v54+s5+$0x0], $0xffff;
	[tilespmem:s2+$0x0] =	vst v18  }
0x344: {  	v58 =	vadd.s32 $0x4400, v6;
	s4 =	sadd.s32 $0x14800, s28;
	v18 =	vld.idx.msk [tilespmem:v55+s5+$0x0], $0xffff  }
0x345: {  	v59 =	vadd.s32 $0x4400, v5;
	s9 =	sor.u32 s26, s4  }
0x346: {  	[tilespmem:s9+$0x0] =	vst v12;
	s10 =	sadd.s32 $0x14800, s1;
	s0 =	sor.u32 s25, s4  }
0x347: {  	v12 =	vld.idx.msk [tilespmem:v56+s5+$0x0], $0xffff;
	s11 =	sor.u32 s30, s10;
	[tilespmem:s0+$0x0] =	vst v14  }
0x348: {  	v60 =	vadd.s32 $0x4800, v3;
	s2 =	sor.u32 s29, s10;
	v14 =	vld.idx.msk [tilespmem:v57+s5+$0x0], $0xffff;
	[tilespmem:s11+$0x0] =	vst v16  }
0x349: {  	v61 =	vadd.s32 $0x4800, v4;
	v16 =	vld.idx.msk [tilespmem:v58+s5+$0x0], $0xffff;
	[tilespmem:s2+$0x0] =	vst v18  }
0x34a: {  	v62 =	vadd.s32 $0x4800, v6;
	s12 =	sadd.s32 $0x14880, s28;
	v18 =	vld.idx.msk [tilespmem:v59+s5+$0x0], $0xffff  }
0x34b: {  	v63 =	vadd.s32 $0x4800, v5;
	s13 =	sor.u32 s26, s12  }
0x34c: {  	[tilespmem:s13+$0x0] =	vst v12;
	s15 =	sadd.s32 $0x14880, s1;
	s0 =	sor.u32 s25, s12  }
0x34d: {  	v12 =	vld.idx.msk [tilespmem:v60+s5+$0x0], $0xffff;
	s18 =	sor.u32 s30, s15;
	[tilespmem:s0+$0x0] =	vst v14  }
0x34e: {  	v21 =	vadd.s32 $0x4C00, v3;
	s2 =	sor.u32 s29, s15;
	v14 =	vld.idx.msk [tilespmem:v61+s5+$0x0], $0xffff;
	[tilespmem:s18+$0x0] =	vst v16  }
0x34f: {  	v22 =	vadd.s32 $0x4C00, v4;
	v16 =	vld.idx.msk [tilespmem:v62+s5+$0x0], $0xffff;
	[tilespmem:s2+$0x0] =	vst v18  }
0x350: {  	[tilespmem:s7+$0x0] =	vst v10;
	v23 =	vadd.s32 $0x4C00, v6;
	s21 =	sadd.s32 $0x14900, s28;
	v18 =	vld.idx.msk [tilespmem:v63+s5+$0x0], $0xffff  }
0x351: {  	v11 =	vld.idx.msk [tilespmem:v11+s5+$0x0], $0xffff;
	v24 =	vadd.s32 $0x4C00, v5;
	s31 =	sor.u32 s26, s21  }
0x352: {  	[tilespmem:s31+$0x0] =	vst v12;
	s3 =	sadd.s32 $0x14900, s1;
	s0 =	sor.u32 s25, s21  }
0x353: {  	v30 =	vadd.s32 $0x5800, v1;
	v12 =	vld.idx.msk [tilespmem:v21+s5+$0x0], $0xffff;
	s4 =	sor.u32 s30, s3;
	[tilespmem:s0+$0x0] =	vst v14  }
0x354: {  	v25 =	vadd.s32 $0x5000, v3;
	s2 =	sor.u32 s29, s3;
	v14 =	vld.idx.msk [tilespmem:v22+s5+$0x0], $0xffff;
	[tilespmem:s4+$0x0] =	vst v16  }
0x355: {  	s7 =	sadd.s32 $0x14B00, s24;
	v26 =	vadd.s32 $0x5000, v4;
	v16 =	vld.idx.msk [tilespmem:v23+s5+$0x0], $0xffff;
	[tilespmem:s2+$0x0] =	vst v18  }
0x356: {  	[tilespmem:s16+$0x0] =	vst v11;
	v27 =	vadd.s32 $0x5000, v6;
	s9 =	sor.u32 s23, s7;
	s10 =	sadd.s32 $0x14980, s28;
	v10 =	vld.idx.msk [tilespmem:v24+s5+$0x0], $0xffff  }
0x357: {  	v28 =	vadd.s32 $0x5000, v5;
	[tilespmem:s9+$0x0] =	vst v7;
	s11 =	sor.u32 s26, s10  }
0x358: {  	s12 =	sadd.s32 $0x14980, s1;
	[tilespmem:s11+$0x0] =	vst v12;
	v12 =	vld.idx.msk [tilespmem:v30+s5+$0x0], $0xffff;
	s0 =	sor.u32 s25, s10  }
0x359: {  	v29 =	vadd.s32 $0x7000, v2;
	s13 =	sor.u32 s30, s12;
	v13 =	vld.idx.msk [tilespmem:v25+s5+$0x0], $0xffff;
	[tilespmem:s0+$0x0] =	vst v14  }
0x35a: {  	v31 =	vadd.s32 $0x5400, v3;
	s2 =	sor.u32 s29, s12;
	v15 =	vld.idx.msk [tilespmem:v26+s5+$0x0], $0xffff;
	[tilespmem:s13+$0x0] =	vst v16  }
0x35b: {  	v32 =	vadd.s32 $0x5400, v4;
	v7 =	vld.idx.msk [tilespmem:v27+s5+$0x0], $0xffff;
	[tilespmem:s2+$0x0] =	vst v10  }
0x35c: {  	[tilespmem:s14+$0x0] =	vst v8;
	v33 =	vadd.s32 $0x5400, v6;
	s21 =	sor.u32 s22, s7;
	s4 =	sadd.s32 $0x14A00, s28;
	v8 =	vld.idx.msk [tilespmem:v28+s5+$0x0], $0xffff  }
0x35d: {  	v35 =	vadd.s32 $0x5400, v5;
	v9 =	vld.idx.msk [tilespmem:v9+s5+$0x0], $0xffff;
	[tilespmem:s21+$0x0] =	vst v12;
	s15 =	sor.u32 s26, s4  }
0x35e: {  	s16 =	sadd.s32 $0x14A00, s1;
	v34 =	vld.idx.msk [tilespmem:v29+s5+$0x0], $0xffff;
	v43 =	vadd.s32 $0x5C00, v1;
	s4 =	sor.u32 s25, s4;
	[tilespmem:s15+$0x0] =	vst v13  }
0x35f: {  	v37 =	vadd.s32 $0x7400, v2;
	s18 =	sor.u32 s30, s16;
	v14 =	vld.idx.msk [tilespmem:v31+s5+$0x0], $0xffff;
	[tilespmem:s4+$0x0] =	vst v15  }
0x360: {  	v38 =	vadd.s32 $0x5800, v3;
	s0 =	sadd.s32 $0x14B80, s24;
	s2 =	sor.u32 s29, s16;
	v16 =	vld.idx.msk [tilespmem:v32+s5+$0x0], $0xffff;
	[tilespmem:s18+$0x0] =	vst v7  }
0x361: {  	v39 =	vadd.s32 $0x5800, v4;
	s14 =	sor.u32 s23, s0;
	v10 =	vld.idx.msk [tilespmem:v33+s5+$0x0], $0xffff;
	[tilespmem:s2+$0x0] =	vst v8  }
0x362: {  	v40 =	vadd.s32 $0x5800, v6;
	s31 =	sadd.s32 $0x14A80, s28;
	[tilespmem:s14+$0x0] =	vst v9;
	v9 =	vld.idx.msk [tilespmem:v35+s5+$0x0], $0xffff  }
0x363: {  	[tilespmem:s19+$0x0] =	vst v34;
	v42 =	vadd.s32 $0x5800, v5;
	v49 =	vld.idx.msk [tilespmem:v43+s5+$0x0], $0xffff;
	s4 =	sor.u32 s26, s31  }
0x364: {  	v36 =	vadd.s32 $0x6000, v0;
	s7 =	sadd.s32 $0x14A80, s1;
	s3 =	sor.u32 s25, s31;
	v13 =	vld.idx.msk [tilespmem:v37+s5+$0x0], $0xffff;
	[tilespmem:s4+$0x0] =	vst v14  }
0x365: {  	v51 =	vadd.s32 $0x7800, v2;
	s9 =	sor.u32 s30, s7;
	v15 =	vld.idx.msk [tilespmem:v38+s5+$0x0], $0xffff;
	[tilespmem:s3+$0x0] =	vst v16  }
0x366: {  	v45 =	vadd.s32 $0x5C00, v3;
	s2 =	sor.u32 s29, s7;
	v7 =	vld.idx.msk [tilespmem:v39+s5+$0x0], $0xffff;
	[tilespmem:s9+$0x0] =	vst v10  }
0x367: {  	v46 =	vadd.s32 $0x5C00, v4;
	s0 =	sor.u32 s22, s0;
	v8 =	vld.idx.msk [tilespmem:v40+s5+$0x0], $0xffff;
	[tilespmem:s2+$0x0] =	vst v9  }
0x368: {  	v47 =	vadd.s32 $0x5C00, v6;
	s12 =	sadd.s32 $0x14B00, s28;
	[tilespmem:s0+$0x0] =	vst v49;
	v48 =	vld.idx.msk [tilespmem:v42+s5+$0x0], $0xffff  }
0x369: {  	v50 =	vadd.s32 $0x5C00, v5;
	v41 =	vld.idx.msk [tilespmem:v36+s5+$0x0], $0xffff;
	s13 =	sor.u32 s26, s12;
	[tilespmem:s17+$0x0] =	vst v13  }
0x36a: {  	v44 =	vadd.s32 $0x6400, v0;
	s14 =	sadd.s32 $0x14B00, s1;
	v57 =	vld.idx.msk [tilespmem:v51+s5+$0x0], $0xffff;
	[tilespmem:s13+$0x0] =	vst v15;
	s2 =	sor.u32 s25, s12  }
0x36b: {  	v52 =	vadd.s32 $0x6000, v1;
	s15 =	sor.u32 s30, s14;
	v16 =	vld.idx.msk [tilespmem:v45+s5+$0x0], $0xffff;
	[tilespmem:s2+$0x0] =	vst v7  }
0x36c: {  	v53 =	vadd.s32 $0x6000, v3;
	s10 =	sadd.s32 $0x16800, s24;
	s3 =	sor.u32 s29, s14;
	v10 =	vld.idx.msk [tilespmem:v46+s5+$0x0], $0xffff;
	[tilespmem:s15+$0x0] =	vst v8  }
0x36d: {  	v54 =	vadd.s32 $0x6000, v4;
	s11 =	sor.u32 s23, s10;
	v9 =	vld.idx.msk [tilespmem:v47+s5+$0x0], $0xffff;
	[tilespmem:s3+$0x0] =	vst v48  }
0x36e: {  	v55 =	vadd.s32 $0x6000, v6;
	[tilespmem:s11+$0x0] =	vst v41;
	s18 =	sadd.s32 $0x14B80, s28;
	v56 =	vld.idx.msk [tilespmem:v50+s5+$0x0], $0xffff  }
0x36f: {  	v58 =	vadd.s32 $0x6000, v5;
	v14 =	vld.idx.msk [tilespmem:v44+s5+$0x0], $0xffff;
	s19 =	sor.u32 s26, s18;
	[tilespmem:s8+$0x0] =	vst v57  }
0x370: {  	s21 =	sadd.s32 $0x14B80, s1;
	v23 =	vadd.s32 $0x7C00, v2;
	v15 =	vld.idx.msk [tilespmem:v52+s5+$0x0], $0xffff;
	[tilespmem:s19+$0x0] =	vst v16;
	s3 =	sor.u32 s25, s18  }
0x371: {  	v60 =	vadd.s32 $0x6400, v1;
	s31 =	sor.u32 s30, s21;
	v7 =	vld.idx.msk [tilespmem:v53+s5+$0x0], $0xffff;
	[tilespmem:s3+$0x0] =	vst v10  }
0x372: {  	v61 =	vadd.s32 $0x6400, v3;
	s0 =	sor.u32 s29, s21;
	s16 =	sadd.s32 $0x16880, s24;
	v8 =	vld.idx.msk [tilespmem:v54+s5+$0x0], $0xffff;
	[tilespmem:s31+$0x0] =	vst v9  }
0x373: {  	v62 =	vadd.s32 $0x6400, v4;
	s17 =	sor.u32 s23, s16;
	v11 =	vld.idx.msk [tilespmem:v55+s5+$0x0], $0xffff;
	[tilespmem:s0+$0x0] =	vst v56  }
0x374: {  	v63 =	vadd.s32 $0x6400, v6;
	s4 =	sadd.s32 $0x16800, s28;
	[tilespmem:s17+$0x0] =	vst v14;
	s3 =	sor.u32 s22, s10;
	v20 =	vld.idx.msk [tilespmem:v58+s5+$0x0], $0xffff  }
0x375: {  	v22 =	vadd.s32 $0x6400, v5;
	s7 =	sor.u32 s26, s4;
	v2 =	vld.idx.msk [tilespmem:v23+s5+$0x0], $0xffff;
	[tilespmem:s3+$0x0] =	vst v15  }
0x376: {  	v59 =	vadd.s32 $0x6800, v0;
	s8 =	sadd.s32 $0x16800, s1;
	s3 =	sor.u32 s25, s4;
	[tilespmem:s7+$0x0] =	vst v7;
	v16 =	vld.idx.msk [tilespmem:v60+s5+$0x0], $0xffff  }
0x377: {  	v24 =	vadd.s32 $0x6800, v1;
	s9 =	sor.u32 s30, s8;
	v10 =	vld.idx.msk [tilespmem:v61+s5+$0x0], $0xffff;
	[tilespmem:s3+$0x0] =	vst v8  }
0x378: {  	v25 =	vadd.s32 $0x6800, v3;
	s0 =	sor.u32 s29, s8;
	v9 =	vld.idx.msk [tilespmem:v62+s5+$0x0], $0xffff;
	[tilespmem:s9+$0x0] =	vst v11  }
0x379: {  	v26 =	vadd.s32 $0x6800, v4;
	v12 =	vld.idx.msk [tilespmem:v63+s5+$0x0], $0xffff;
	[tilespmem:s0+$0x0] =	vst v20  }
0x37a: {  	v27 =	vadd.s32 $0x6800, v6;
	s13 =	sadd.s32 $0x16880, s28;
	[tilespmem:s6+$0x0] =	vst v2;
	s12 =	sor.u32 s22, s16;
	v28 =	vld.idx.msk [tilespmem:v22+s5+$0x0], $0xffff  }
0x37b: {  	v29 =	vadd.s32 $0x6800, v5;
	s14 =	sor.u32 s26, s13;
	v21 =	vld.idx.msk [tilespmem:v59+s5+$0x0], $0xffff;
	[tilespmem:s12+$0x0] =	vst v16  }
0x37c: {  	v30 =	vadd.s32 $0x6C00, v0;
	s2 =	sor.u32 s25, s13;
	s15 =	sadd.s32 $0x16880, s1;
	[tilespmem:s14+$0x0] =	vst v10;
	v7 =	vld.idx.msk [tilespmem:v24+s5+$0x0], $0xffff  }
0x37d: {  	v31 =	vadd.s32 $0x6C00, v1;
	s16 =	sor.u32 s30, s15;
	v8 =	vld.idx.msk [tilespmem:v25+s5+$0x0], $0xffff;
	[tilespmem:s2+$0x0] =	vst v9  }
0x37e: {  	v32 =	vadd.s32 $0x6C00, v3;
	s10 =	sadd.s32 $0x16900, s24;
	s0 =	sor.u32 s29, s15;
	v11 =	vld.idx.msk [tilespmem:v26+s5+$0x0], $0xffff;
	[tilespmem:s16+$0x0] =	vst v12  }
0x37f: {  	v33 =	vadd.s32 $0x6C00, v4;
	s11 =	sor.u32 s23, s10;
	v13 =	vld.idx.msk [tilespmem:v27+s5+$0x0], $0xffff;
	[tilespmem:s0+$0x0] =	vst v28  }
0x380: {  	v34 =	vadd.s32 $0x6C00, v6;
	s18 =	sadd.s32 $0x16900, s28;
	s17 =	sor.u32 s22, s10;
	[tilespmem:s11+$0x0] =	vst v21;
	v14 =	vld.idx.msk [tilespmem:v29+s5+$0x0], $0xffff  }
0x381: {  	v36 =	vadd.s32 $0x6C00, v5;
	s19 =	sor.u32 s26, s18;
	v35 =	vld.idx.msk [tilespmem:v30+s5+$0x0], $0xffff;
	[tilespmem:s17+$0x0] =	vst v7  }
0x382: {  	v37 =	vadd.s32 $0x7000, v0;
	s21 =	sor.u32 s25, s18;
	s31 =	sadd.s32 $0x16900, s1;
	[tilespmem:s19+$0x0] =	vst v8;
	v10 =	vld.idx.msk [tilespmem:v31+s5+$0x0], $0xffff  }
0x383: {  	v38 =	vadd.s32 $0x7000, v1;
	s3 =	sor.u32 s30, s31;
	v9 =	vld.idx.msk [tilespmem:v32+s5+$0x0], $0xffff;
	[tilespmem:s21+$0x0] =	vst v11  }
0x384: {  	v39 =	vadd.s32 $0x7000, v3;
	s4 =	sadd.s32 $0x16980, s24;
	s6 =	sor.u32 s29, s31;
	v12 =	vld.idx.msk [tilespmem:v33+s5+$0x0], $0xffff;
	[tilespmem:s3+$0x0] =	vst v13  }
0x385: {  	v40 =	vadd.s32 $0x7000, v4;
	s7 =	sor.u32 s23, s4;
	v2 =	vld.idx.msk [tilespmem:v34+s5+$0x0], $0xffff;
	[tilespmem:s6+$0x0] =	vst v14  }
0x386: {  	v41 =	vadd.s32 $0x7000, v6;
	s8 =	sor.u32 s22, s4;
	[tilespmem:s7+$0x0] =	vst v35;
	s9 =	sadd.s32 $0x16980, s28;
	v7 =	vld.idx.msk [tilespmem:v36+s5+$0x0], $0xffff  }
0x387: {  	v42 =	vadd.s32 $0x7000, v5;
	v15 =	vld.idx.msk [tilespmem:v37+s5+$0x0], $0xffff;
	s10 =	sor.u32 s26, s9;
	[tilespmem:s8+$0x0] =	vst v10  }
0x388: {  	v43 =	vadd.s32 $0x7400, v0;
	s11 =	sadd.s32 $0x16980, s1;
	s2 =	sor.u32 s25, s9;
	[tilespmem:s10+$0x0] =	vst v9;
	v8 =	vld.idx.msk [tilespmem:v38+s5+$0x0], $0xffff  }
0x389: {  	v44 =	vadd.s32 $0x7400, v1;
	s12 =	sor.u32 s30, s11;
	v11 =	vld.idx.msk [tilespmem:v39+s5+$0x0], $0xffff;
	[tilespmem:s2+$0x0] =	vst v12  }
0x38a: {  	v45 =	vadd.s32 $0x7400, v3;
	s13 =	sadd.s32 $0x16A00, s24;
	s0 =	sor.u32 s29, s11;
	v13 =	vld.idx.msk [tilespmem:v40+s5+$0x0], $0xffff;
	[tilespmem:s12+$0x0] =	vst v2  }
0x38b: {  	v46 =	vadd.s32 $0x7400, v4;
	s14 =	sor.u32 s23, s13;
	v14 =	vld.idx.msk [tilespmem:v41+s5+$0x0], $0xffff;
	[tilespmem:s0+$0x0] =	vst v7  }
0x38c: {  	v47 =	vadd.s32 $0x7400, v6;
	s15 =	sor.u32 s22, s13;
	[tilespmem:s14+$0x0] =	vst v15;
	s16 =	sadd.s32 $0x16A00, s28;
	v10 =	vld.idx.msk [tilespmem:v42+s5+$0x0], $0xffff  }
0x38d: {  	v48 =	vadd.s32 $0x7400, v5;
	v15 =	vld.idx.msk [tilespmem:v43+s5+$0x0], $0xffff;
	s17 =	sor.u32 s26, s16;
	[tilespmem:s15+$0x0] =	vst v8  }
0x38e: {  	v49 =	vadd.s32 $0x7800, v0;
	s19 =	sadd.s32 $0x16A00, s1;
	s18 =	sor.u32 s25, s16;
	[tilespmem:s17+$0x0] =	vst v11;
	v9 =	vld.idx.msk [tilespmem:v44+s5+$0x0], $0xffff  }
0x38f: {  	v50 =	vadd.s32 $0x7800, v1;
	s21 =	sor.u32 s30, s19;
	v12 =	vld.idx.msk [tilespmem:v45+s5+$0x0], $0xffff;
	[tilespmem:s18+$0x0] =	vst v13  }
0x390: {  	v51 =	vadd.s32 $0x7800, v3;
	s31 =	sadd.s32 $0x16A80, s24;
	s4 =	sor.u32 s29, s19;
	v2 =	vld.idx.msk [tilespmem:v46+s5+$0x0], $0xffff;
	[tilespmem:s21+$0x0] =	vst v14  }
0x391: {  	v52 =	vadd.s32 $0x7800, v4;
	s6 =	sor.u32 s23, s31;
	v7 =	vld.idx.msk [tilespmem:v47+s5+$0x0], $0xffff;
	[tilespmem:s4+$0x0] =	vst v10  }
0x392: {  	v53 =	vadd.s32 $0x7800, v6;
	s7 =	sor.u32 s22, s31;
	s8 =	sadd.s32 $0x16A80, s28;
	[tilespmem:s6+$0x0] =	vst v15;
	v8 =	vld.idx.msk [tilespmem:v48+s5+$0x0], $0xffff  }
0x393: {  	v54 =	vadd.s32 $0x7800, v5;
	s9 =	sor.u32 s26, s8;
	v15 =	vld.idx.msk [tilespmem:v49+s5+$0x0], $0xffff;
	[tilespmem:s7+$0x0] =	vst v9  }
0x394: {  	v55 =	vadd.s32 $0x7C00, v0;
	s10 =	sadd.s32 $0x16A80, s1;
	s2 =	sor.u32 s25, s8;
	[tilespmem:s9+$0x0] =	vst v12;
	v11 =	vld.idx.msk [tilespmem:v50+s5+$0x0], $0xffff  }
0x395: {  	v56 =	vadd.s32 $0x7C00, v1;
	s11 =	sor.u32 s30, s10;
	v12 =	vld.idx.msk [tilespmem:v51+s5+$0x0], $0xffff;
	[tilespmem:s2+$0x0] =	vst v2  }
0x396: {  	v57 =	vadd.s32 $0x7C00, v3;
	s12 =	sadd.s32 $0x16B00, s24;
	s0 =	sor.u32 s29, s10;
	v58 =	vld.idx.msk [tilespmem:v52+s5+$0x0], $0xffff;
	[tilespmem:s11+$0x0] =	vst v7  }
0x397: {  	v59 =	vadd.s32 $0x7C00, v4;
	s13 =	sor.u32 s23, s12;
	v7 =	vld.idx.msk [tilespmem:v53+s5+$0x0], $0xffff;
	[tilespmem:s0+$0x0] =	vst v8  }
0x398: {  	v60 =	vadd.s32 $0x7C00, v6;
	s15 =	sadd.s32 $0x16B00, s28;
	s14 =	sor.u32 s22, s12;
	[tilespmem:s13+$0x0] =	vst v15;
	v8 =	vld.idx.msk [tilespmem:v54+s5+$0x0], $0xffff  }
0x399: {  	v61 =	vadd.s32 $0x7C00, v5;
	s16 =	sor.u32 s26, s15;
	v0 =	vld.idx.msk [tilespmem:v55+s5+$0x0], $0xffff;
	[tilespmem:s14+$0x0] =	vst v11  }
0x39a: {  	s17 =	sadd.s32 $0x16B00, s1;
	s2 =	sor.u32 s25, s15;
	[tilespmem:s16+$0x0] =	vst v12;
	v1 =	vld.idx.msk [tilespmem:v56+s5+$0x0], $0xffff  }
0x39b: {  	s18 =	sor.u32 s30, s17;
	v2 =	vld.idx.msk [tilespmem:v57+s5+$0x0], $0xffff;
	[tilespmem:s2+$0x0] =	vst v58  }
0x39c: {  	s19 =	sadd.s32 $0x16B80, s24;
	s0 =	sor.u32 s29, s17;
	v3 =	vld.idx.msk [tilespmem:v59+s5+$0x0], $0xffff;
	[tilespmem:s18+$0x0] =	vst v7  }
0x39d: {  	s21 =	sor.u32 s23, s19;
	v62 =	vld.idx.msk [tilespmem:v60+s5+$0x0], $0xffff;
	[tilespmem:s0+$0x0] =	vst v8  }
0x39e: {  	s24 =	sadd.s32 $0x16B80, s28;
	s23 =	sor.u32 s22, s19;
	[tilespmem:s21+$0x0] =	vst v0;
	v63 =	vld.idx.msk [tilespmem:v61+s5+$0x0], $0xffff  }
0x39f: {  	s28 =	sor.u32 s26, s24;
	[tilespmem:s23+$0x0] =	vst v1  }
0x3a0: {  	s31 =	sadd.s32 $0x16B80, s1;
	s2 =	sor.u32 s25, s24;
	[tilespmem:s28+$0x0] =	vst v2  }
.Ltmp7:
0x3a1: {  	s1 =	sor.u32 s30, s31;
	[tilespmem:s2+$0x0] =	vst v3;
	(pc) =	sbr.rel @p1 .LBB2_11-.Ltmp7, $4  }
0x3a2: {  	s0 =	sor.u32 s29, s31;
	[tilespmem:s1+$0x0] =	vst v62  }
0x3a3: {  	[tilespmem:s0+$0x0] =	vst v63  }
0x3a4: {  	s0 =	rddreg [dreg:$0x9]  }
0x3a5: {  	s20 =	sadd.s32 $0x1, s20;
	s0 =	smul.u32 $0xFA000, s0  }
0x3a6: {  	p2 =	seq.s32 s20, $0x19  }
.Ltmp8:
0x3a7: {  	_ = 	snop;
	(pc) =	sbr.rel @!p2 .LBB2_2-.Ltmp8, $4  }
0x3a8: {  	s1 =	rddreg [dreg:$0x2];
	s0 =	sshrl.u32 s0, $0x3  }
0x3a9: {  	s0 =	sadd.s32 s1, s0  }
0x3aa: {  	s31 =	simm.s32 $0x10800;
	s0 =	sadd.s32 $0x1F000, s0  }
0x3ab: {  	[hbm4b:s0+s5] =	stream.linear.scatter [tilespmem:s31], [sflag:$0x4], $0x2000, $0x38;
	[tilespmem:$0x18800] =	vst v63  }
0x3ac: {  	s0 =	simm.s32 $0x3  }
0x3ad: {  	_ =	swait.ge [sflag:s0], $0x2000  }
.Ltmp9:
0x3ae: {  	[sflag:s0] =	ssyncset.done $0x0;
	(pc) =	sbr.rel .LBB2_13-.Ltmp9, $4  }
0x3af: {  	s31 =	simm.s32 $0x4;
	[sflag:s0] =	ssyncadd.s32 $0xFFFFE000  }
0x3b0: {  	_ =	swait.ge [sflag:s31], $0x2000  }
0x3b1: {  	[sflag:s31] =	ssyncset.done $0x0  }
0x3b2: {  	s1 =	rddreg [dreg:$0x8];
	[sflag:s31] =	ssyncadd.s32 $0xFFFFE000  }
.LBB2_14:
0x3b3: {  	_ =	sfence.sel $0x180000  }
0x3b4: {  	[bflag:$0x0] =	sbarrier.arrive $0xFFFF  }
0x3b5: {  	_ =	strace $0x90000047  }
0x3b6: {  	s0 =	stileid.u32;
	[bflag:$0x2] =	sbarrier.arrive $0xFFFF  }
0x3b7: {  	p0 =	sne.s32 s0, $0x0;
	s0 =	rddreg [dreg:$0x3]  }
0x3b8: {  	s0 =	sadd.s32 @!p0 $0x100000, s0  }
0x3b9: {  	[sflag:s0] =	ssyncadd.tile.s32 @!p0 $0x1;
	_ =	shalt  }
.Lfunc_end2:
_tile_overlayer_lowered:
.L_overlay_start_2:
0x3ba: {  	(tag) =	ssettag $0x2  }
0x3bb: {  	s0 =	rddreg [dreg:$0x0];
	s2 =	stileid.u32  }
0x3bc: {  	s1 =	rddreg [dreg:$0x1];
	p0 =	sne.s32 s2, $0x0  }
0x3bd: {  	s3 =	rddreg [dreg:$0x2];
	[bflag:$0x3] =	sbarrier.arrive $0xFFFF;
	s2 =	simm.s32 @!p0 $0x1C05  }
0x3be: {  	[timem:s3], [sflag:s2] =	dma.local @!p0 [hbm:s0], s1  }
0x3bf: {  	s0 =	simm.s32 @!p0 $0x5  }
0x3c0: {  	_ =	swait.ge @!p0 [sflag:s0], s1  }
0x3c1: {  	s1 =	ssub.s32 @!p0 $0x0, s1;
	[sflag:s0] =	ssyncset.done @!p0 $0x0  }
0x3c2: {  	[sflag:s0] =	ssyncadd.s32 @!p0 s1  }
0x3c3: {  	[bflag:$0x3] =	sbarrier.arrive $0xFFFF  }
0x3c4: {  	_ =	shalt  }

</sc_bundles>
